<compile_context>
chip_gen: v7x
topology: tpu7x:2x2x1
jax: 0.10.2.dev20260603
libtpu: 0.0.44.dev20260713+nightly
codegen_flags: <defaults>
</compile_context>

<pallas_src>
import functools

import jax
import jax.numpy as jnp
from jax import lax
from jax.experimental import pallas as pl
from jax.experimental.pallas import tpu as pltpu
from jax.experimental.pallas import tpu_sc as plsc

B = 1024
T = 2048
D = 64
DP = 128
L = 16
NC = 2
NS = 16
NW = NC * NS
NTS = 16
TS = T // NTS
NBH = NW // NTS
BH = B // NBH
BLK = 8
NBLK = BH // BLK
NBUF = 4
VOCAB = 1000000
RB = 8000


def _pad_block(x_ref, o_ref):
    o_ref[...] = jnp.concatenate([x_ref[...], x_ref[...]], axis=1)


_tok_pad = pl.pallas_call(
    _pad_block,
    grid=(VOCAB // RB,),
    in_specs=[pl.BlockSpec((RB, D), lambda i: (i, 0))],
    out_specs=pl.BlockSpec((RB, DP), lambda i: (i, 0)),
    out_shape=jax.ShapeDtypeStruct((VOCAB, DP), jnp.float32),
)

def _emb_body(idx_hbm, pad_hbm, pos_hbm, out_hbm, pos_v, idx_v,
              rbufs, gsems, wsems, isem):
    wid = lax.axis_index("s") * NC + lax.axis_index("c")
    t0 = (wid % NTS) * TS
    bbase = (wid // NTS) * BH

    pltpu.sync_copy(pos_hbm.at[pl.ds(t0, TS), pl.ds(0, D)], pos_v)

    def gather_desc(blksel, j, s):
        return pltpu.make_async_copy(
            pad_hbm.at[idx_v.at[blksel, j]], rbufs[s], gsems[s])

    def write_desc(p, s):
        return pltpu.make_async_copy(
            rbufs[s],
            out_hbm.at[pl.ds((bbase + p) * T + t0, TS)],
            wsems[s])

    def idx_desc(blk, sel):
        return pltpu.make_async_copy(
            idx_hbm.at[pl.ds(bbase + blk * BLK, BLK), pl.ds(t0, TS)],
            idx_v.at[sel], isem)

    def add_pos(s):
        def row_body(g, rc):
            r0 = g * 4
            for u in range(4):
                for k in range(D // L):
                    sl = pl.ds(k * L, L)
                    plsc.addupdate(rbufs[s].at[r0 + u, sl], pos_v[r0 + u, sl])
            return rc
        lax.fori_loop(0, TS // 4, row_body, 0)

    idx_desc(0, 0).start()
    idx_desc(0, 0).wait()
    gather_desc(0, 0, 0).start()
    gather_desc(0, 1, 1).start()

    def block_body(i, carry):
        isel = i % 2
        nsel = (i + 1) % 2
        not_last = i < NBLK - 1

        for ph in range(BLK):
            p = i * BLK + ph
            s = ph % NBUF
            s2 = (ph + 2) % NBUF

            if ph == 0:
                @pl.when(not_last)
                def _():
                    idx_desc(i + 1, nsel).start()

            if ph < 2:
                @pl.when(i > 0)
                def _():
                    write_desc(p - 2, s2).wait()
            else:
                write_desc(p - 2, s2).wait()

            if ph == BLK - 2:
                @pl.when(not_last)
                def _():
                    idx_desc(i + 1, nsel).wait()

            if ph < BLK - 2:
                gather_desc(isel, ph + 2, s2).start()
            else:
                @pl.when(not_last)
                def _():
                    gather_desc(nsel, ph + 2 - BLK, s2).start()

            gather_desc(isel, ph, s).wait()
            add_pos(s)
            write_desc(p, s).start()

        return carry

    lax.fori_loop(0, NBLK, block_body, 0)

    last = NBLK * BLK
    write_desc(last - 2, 2).wait()
    write_desc(last - 1, 3).wait()


@functools.partial(
    pl.kernel,
    out_type=jax.ShapeDtypeStruct((B * T, DP), jnp.float32),
    mesh=plsc.VectorSubcoreMesh(core_axis_name="c", subcore_axis_name="s"),
    compiler_params=pltpu.CompilerParams(use_tc_tiling_on_sc=False),
    scratch_types=[
        pltpu.VMEM((TS, D), jnp.float32),
        pltpu.VMEM((2, BLK, TS), jnp.int32),
        pltpu.VMEM((TS, DP), jnp.float32),
        pltpu.VMEM((TS, DP), jnp.float32),
        pltpu.VMEM((TS, DP), jnp.float32),
        pltpu.VMEM((TS, DP), jnp.float32),
        pltpu.SemaphoreType.DMA,
        pltpu.SemaphoreType.DMA,
        pltpu.SemaphoreType.DMA,
        pltpu.SemaphoreType.DMA,
        pltpu.SemaphoreType.DMA,
        pltpu.SemaphoreType.DMA,
        pltpu.SemaphoreType.DMA,
        pltpu.SemaphoreType.DMA,
        pltpu.SemaphoreType.DMA,
    ],
)
def _emb_call(idx_hbm, pad_hbm, pos_hbm, out_hbm, pos_v, idx_v,
              rb0, rb1, rb2, rb3,
              g0, g1, g2, g3, w0, w1, w2, w3, isem):
    _emb_body(idx_hbm, pad_hbm, pos_hbm, out_hbm, pos_v, idx_v,
              [rb0, rb1, rb2, rb3],
              [g0, g1, g2, g3], [w0, w1, w2, w3], isem)


_pos_pad = pl.pallas_call(
    _pad_block,
    grid=(1,),
    in_specs=[pl.BlockSpec((T, D), lambda i: (0, 0))],
    out_specs=pl.BlockSpec((T, DP), lambda i: (0, 0)),
    out_shape=jax.ShapeDtypeStruct((T, DP), jnp.float32),
)


def kernel(idx, tok_emb, pos_emb):
    tok_pad = _tok_pad(tok_emb)
    pos_pad = _pos_pad(pos_emb)
    out128 = _emb_call(idx, tok_pad, pos_pad)
    return out128.reshape(B, T, DP)[:, :, :D]

# --- scband reference (transcript-rebuilt; emitter-appended) ---
"""Pipeline reference for scband-token-and-position-embedding-57690000720192 (READ-ONLY COPY).

The authoritative reference and input builder live on the scoring server;
editing this copy changes nothing except your own understanding.
"""

import jax, jax.numpy as jnp
import numpy as np

VOCAB = 1000000
CTX = 2048
D = 64
B = 1024
T = 2048

def setup_inputs(seed: int = 0) -> dict:
    key = jax.random.key(seed)
    k1, k2, k3 = jax.random.split(key, 3)
    idx = jax.random.randint(k1, (B, T), 0, VOCAB, dtype=jnp.int64 if jax.config.jax_enable_x64 else jnp.int32).astype(jnp.int32)
    tok_emb = jax.random.normal(k2, (VOCAB, D), dtype=jnp.float32) * 0.02
    pos_emb = jax.random.normal(k3, (CTX, D), dtype=jnp.float32) * 0.02
    return {"idx": idx, "tok_emb": tok_emb, "pos_emb": pos_emb}

def reference(idx, tok_emb, pos_emb):
    # Faithful translation of TokenAndPositionEmbedding.forward (eval mode:
    # dropout is the identity at inference time).
    Bsz, Tlen = idx.shape
    pos = jnp.arange(0, Tlen)[None, :]  # [1, T]
    x = jnp.take(tok_emb, idx, axis=0) + jnp.take(pos_emb, pos, axis=0)
    return x

if __name__ == "__main__":
    import jax
    _d = setup_inputs()
    print(jax.jit(kernel)(*tuple(_d.values())))

</pallas_src>

<mosaic_0001>
#map = affine_map<(d0, d1) -> (0, 0)>
module attributes {stable_mosaic.version = 14 : i64} {
  func.func @_emb_call(%arg0: i32, %arg1: i32, %arg2: memref<1024x2048xi32, #tpu.memory_space<hbm>>, %arg3: memref<1000000x128xf32, #tpu.memory_space<hbm>>, %arg4: memref<2048x128xf32, #tpu.memory_space<hbm>>, %arg5: memref<2097152x128xf32, #tpu.memory_space<hbm>>, %arg6: memref<128x64xf32, #tpu.memory_space<vmem>>, %arg7: memref<2x8x128xi32, #tpu.memory_space<vmem>>, %arg8: memref<128x128xf32, #tpu.memory_space<vmem>>, %arg9: memref<128x128xf32, #tpu.memory_space<vmem>>, %arg10: memref<128x128xf32, #tpu.memory_space<vmem>>, %arg11: memref<128x128xf32, #tpu.memory_space<vmem>>, %arg12: memref<!tpu.dma_semaphore, #tpu.memory_space<semaphore_mem>>, %arg13: memref<!tpu.dma_semaphore, #tpu.memory_space<semaphore_mem>>, %arg14: memref<!tpu.dma_semaphore, #tpu.memory_space<semaphore_mem>>, %arg15: memref<!tpu.dma_semaphore, #tpu.memory_space<semaphore_mem>>, %arg16: memref<!tpu.dma_semaphore, #tpu.memory_space<semaphore_mem>>, %arg17: memref<!tpu.dma_semaphore, #tpu.memory_space<semaphore_mem>>, %arg18: memref<!tpu.dma_semaphore, #tpu.memory_space<semaphore_mem>>, %arg19: memref<!tpu.dma_semaphore, #tpu.memory_space<semaphore_mem>>, %arg20: memref<!tpu.dma_semaphore, #tpu.memory_space<semaphore_mem>>) attributes {dimension_semantics = [#tpu.dimension_semantics<core_parallel>, #tpu.dimension_semantics<subcore_parallel>], iteration_bounds = array<i64: 2, 16>, scalar_prefetch = 0 : i64, scratch_operands = 15 : i64, tpu.core_type = #tpu.core_type<sc_vector_subcore>, window_params = [{transform_indices = #map}, {transform_indices = #map}, {transform_indices = #map}, {transform_indices = #map}]} {
    %mul3A = arith.constant 2 : i32
    %mul3A_0 = arith.muli %arg1, %mul3A : i32
    %add3A = arith.addi %mul3A_0, %arg0 : i32
    %jit3A = arith.constant 16 : i32
    %eq3A = arith.constant 0 : i32
    %eq3A_1 = arith.cmpi eq, %jit3A, %eq3A : i32
    %jit3A_2 = arith.constant 1 : i32
    %select_n3A = arith.select %eq3A_1, %jit3A_2, %jit3A : i32
    %rem3A = arith.remsi %add3A, %select_n3A : i32
    %ne3A = arith.constant 0 : i32
    %ne3A_3 = arith.cmpi ne, %rem3A, %ne3A : i32
    %lt3A = arith.constant 0 : i32
    %lt3A_4 = arith.cmpi slt, %rem3A, %lt3A : i32
    %lt3A_5 = arith.constant 0 : i32
    %lt3A_6 = arith.cmpi slt, %select_n3A, %lt3A_5 : i32
    %ne3A_7 = arith.xori %lt3A_4, %lt3A_6 : i1
    %and3A = arith.andi %ne3A_7, %ne3A_3 : i1
    %add3A_8 = arith.addi %rem3A, %select_n3A : i32
    %select_n3A_9 = arith.select %and3A, %add3A_8, %rem3A : i32
    %mul3A_10 = arith.constant 128 : i32
    %mul3A_11 = arith.muli %select_n3A_9, %mul3A_10 : i32
    %jit3A_12 = arith.constant 16 : i32
    %div3A = arith.divsi %add3A, %jit3A_12 : i32
    %sign3A = arith.constant 0 : i32
    %sign3A_13 = arith.cmpi sgt, %add3A, %sign3A : i32
    %sign3A_14 = arith.extui %sign3A_13 : i1 to i32
    %sign3A_15 = arith.constant 0 : i32
    %sign3A_16 = arith.cmpi slt, %add3A, %sign3A_15 : i32
    %sign3A_17 = arith.extui %sign3A_16 : i1 to i32
    %sign3A_18 = arith.subi %sign3A_14, %sign3A_17 : i32
    %sign3A_19 = arith.constant 0 : i32
    %sign3A_20 = arith.cmpi sgt, %jit3A_12, %sign3A_19 : i32
    %sign3A_21 = arith.extui %sign3A_20 : i1 to i32
    %sign3A_22 = arith.constant 0 : i32
    %sign3A_23 = arith.cmpi slt, %jit3A_12, %sign3A_22 : i32
    %sign3A_24 = arith.extui %sign3A_23 : i1 to i32
    %sign3A_25 = arith.subi %sign3A_21, %sign3A_24 : i32
    %ne3A_26 = arith.cmpi ne, %sign3A_18, %sign3A_25 : i32
    %rem3A_27 = arith.remsi %add3A, %jit3A_12 : i32
    %ne3A_28 = arith.constant 0 : i32
    %ne3A_29 = arith.cmpi ne, %rem3A_27, %ne3A_28 : i32
    %and3A_30 = arith.andi %ne3A_26, %ne3A_29 : i1
    %sub3A = arith.constant 1 : i32
    %sub3A_31 = arith.subi %div3A, %sub3A : i32
    %select_n3A_32 = arith.select %and3A_30, %sub3A_31, %div3A : i32
    %mul3A_33 = arith.constant 512 : i32
    %mul3A_34 = arith.muli %select_n3A_32, %mul3A_33 : i32
    "tpu.region"() ({
      %run_scoped3A = tpu.sem_alloc : memref<!tpu.dma_semaphore, #tpu.memory_space<semaphore_mem>>
      %dma_start3A_98 = arith.constant 0 : i32
      %dma_start3A_99 = tpu.memref_slice %arg4[%mul3A_11, %dma_start3A_98] : memref<2048x128xf32, #tpu.memory_space<hbm>> -> memref<128x64xf32, #tpu.memory_space<hbm>>
      %dma_start3A_100 = arith.constant 0 : i32
      %dma_start3A_101 = tpu.memref_slice %arg4[%mul3A_11, %dma_start3A_100] : memref<2048x128xf32, #tpu.memory_space<hbm>> -> memref<128x64xf32, #tpu.memory_space<hbm>>
      tpu.enqueue_dma source(%dma_start3A_101 : memref<128x64xf32, #tpu.memory_space<hbm>>) target(%arg6 : memref<128x64xf32, #tpu.memory_space<vmem>>) target_semaphore(%run_scoped3A : memref<!tpu.dma_semaphore, #tpu.memory_space<semaphore_mem>>)
      %dma_wait3A_102 = arith.constant 0 : i32
      %dma_wait3A_103 = tpu.memref_slice %arg4[%mul3A_11, %dma_wait3A_102] : memref<2048x128xf32, #tpu.memory_space<hbm>> -> memref<128x64xf32, #tpu.memory_space<hbm>>
      %dma_wait3A_104 = arith.constant 0 : i32
      %dma_wait3A_105 = tpu.memref_slice %arg4[%mul3A_11, %dma_wait3A_104] : memref<2048x128xf32, #tpu.memory_space<hbm>> -> memref<128x64xf32, #tpu.memory_space<hbm>>
      tpu.wait_dma2 semaphore(%run_scoped3A : memref<!tpu.dma_semaphore, #tpu.memory_space<semaphore_mem>>) src(%dma_wait3A_105 : memref<128x64xf32, #tpu.memory_space<hbm>>) dst(%arg6 : memref<128x64xf32, #tpu.memory_space<vmem>>)
      tpu.yield
    }) : () -> ()
    %add3A_35 = arith.constant 0 : i32
    %add3A_36 = arith.addi %mul3A_34, %add3A_35 : i32
    %dma_start3A = arith.constant 0 : i32
    %dma_start3A_37 = arith.constant 0 : i32
    %dma_start3A_38 = arith.constant 0 : i32
    %dma_start3A_39 = tpu.memref_slice %arg7[%dma_start3A, %dma_start3A_37, %dma_start3A_38] : memref<2x8x128xi32, #tpu.memory_space<vmem>> -> memref<1x8x128xi32, #tpu.memory_space<vmem>>
    %dma_start3A_40 = tpu.memref_squeeze %dma_start3A_39 : memref<1x8x128xi32, #tpu.memory_space<vmem>> -> memref<8x128xi32, #tpu.memory_space<vmem>>
    %dma_start3A_41 = tpu.memref_slice %arg2[%add3A_36, %mul3A_11] : memref<1024x2048xi32, #tpu.memory_space<hbm>> -> memref<8x128xi32, #tpu.memory_space<hbm>>
    %dma_start3A_42 = arith.constant 0 : i32
    %dma_start3A_43 = arith.constant 0 : i32
    %dma_start3A_44 = tpu.memref_slice %arg7[%dma_start3A, %dma_start3A_42, %dma_start3A_43] : memref<2x8x128xi32, #tpu.memory_space<vmem>> -> memref<1x8x128xi32, #tpu.memory_space<vmem>>
    %dma_start3A_45 = tpu.memref_squeeze %dma_start3A_44 : memref<1x8x128xi32, #tpu.memory_space<vmem>> -> memref<8x128xi32, #tpu.memory_space<vmem>>
    %dma_start3A_46 = tpu.memref_slice %arg2[%add3A_36, %mul3A_11] : memref<1024x2048xi32, #tpu.memory_space<hbm>> -> memref<8x128xi32, #tpu.memory_space<hbm>>
    tpu.enqueue_dma source(%dma_start3A_46 : memref<8x128xi32, #tpu.memory_space<hbm>>) target(%dma_start3A_45 : memref<8x128xi32, #tpu.memory_space<vmem>>) target_semaphore(%arg20 : memref<!tpu.dma_semaphore, #tpu.memory_space<semaphore_mem>>)
    %add3A_47 = arith.constant 0 : i32
    %add3A_48 = arith.addi %mul3A_34, %add3A_47 : i32
    %dma_wait3A = arith.constant 0 : i32
    %dma_wait3A_49 = arith.constant 0 : i32
    %dma_wait3A_50 = arith.constant 0 : i32
    %dma_wait3A_51 = tpu.memref_slice %arg7[%dma_wait3A, %dma_wait3A_49, %dma_wait3A_50] : memref<2x8x128xi32, #tpu.memory_space<vmem>> -> memref<1x8x128xi32, #tpu.memory_space<vmem>>
    %dma_wait3A_52 = tpu.memref_squeeze %dma_wait3A_51 : memref<1x8x128xi32, #tpu.memory_space<vmem>> -> memref<8x128xi32, #tpu.memory_space<vmem>>
    %dma_wait3A_53 = tpu.memref_slice %arg2[%add3A_48, %mul3A_11] : memref<1024x2048xi32, #tpu.memory_space<hbm>> -> memref<8x128xi32, #tpu.memory_space<hbm>>
    %dma_wait3A_54 = arith.constant 0 : i32
    %dma_wait3A_55 = arith.constant 0 : i32
    %dma_wait3A_56 = tpu.memref_slice %arg7[%dma_wait3A, %dma_wait3A_54, %dma_wait3A_55] : memref<2x8x128xi32, #tpu.memory_space<vmem>> -> memref<1x8x128xi32, #tpu.memory_space<vmem>>
    %dma_wait3A_57 = tpu.memref_squeeze %dma_wait3A_56 : memref<1x8x128xi32, #tpu.memory_space<vmem>> -> memref<8x128xi32, #tpu.memory_space<vmem>>
    %dma_wait3A_58 = tpu.memref_slice %arg2[%add3A_48, %mul3A_11] : memref<1024x2048xi32, #tpu.memory_space<hbm>> -> memref<8x128xi32, #tpu.memory_space<hbm>>
    tpu.wait_dma2 semaphore(%arg20 : memref<!tpu.dma_semaphore, #tpu.memory_space<semaphore_mem>>) src(%dma_wait3A_58 : memref<8x128xi32, #tpu.memory_space<hbm>>) dst(%dma_wait3A_57 : memref<8x128xi32, #tpu.memory_space<vmem>>)
    %dma_start3A_59 = arith.constant 0 : i32
    %dma_start3A_60 = arith.constant 0 : i32
    %dma_start3A_61 = arith.constant 0 : i32
    %dma_start3A_62 = tpu.memref_slice %arg7[%dma_start3A_59, %dma_start3A_60, %dma_start3A_61] : memref<2x8x128xi32, #tpu.memory_space<vmem>> -> memref<1x1x128xi32, #tpu.memory_space<vmem>>
    %dma_start3A_63 = tpu.memref_squeeze %dma_start3A_62 : memref<1x1x128xi32, #tpu.memory_space<vmem>> -> memref<128xi32, #tpu.memory_space<vmem>>
    %dma_start3A_64 = arith.constant 0 : i32
    %dma_start3A_65 = arith.constant 0 : i32
    %dma_start3A_66 = tpu.memref_slice %arg3[%dma_start3A_64, %dma_start3A_65] : memref<1000000x128xf32, #tpu.memory_space<hbm>> -> memref<1000000x128xf32, #tpu.memory_space<hbm>>
    tpu.enqueue_indirect_dma source(%dma_start3A_66 : memref<1000000x128xf32, #tpu.memory_space<hbm>>) target(%arg8 : memref<128x128xf32, #tpu.memory_space<vmem>>) offsets(%dma_start3A_63 : memref<128xi32, #tpu.memory_space<vmem>>) semaphore(%arg12 : memref<!tpu.dma_semaphore, #tpu.memory_space<semaphore_mem>>)
    %dma_start3A_67 = arith.constant 0 : i32
    %dma_start3A_68 = arith.constant 1 : i32
    %dma_start3A_69 = arith.constant 0 : i32
    %dma_start3A_70 = tpu.memref_slice %arg7[%dma_start3A_67, %dma_start3A_68, %dma_start3A_69] : memref<2x8x128xi32, #tpu.memory_space<vmem>> -> memref<1x1x128xi32, #tpu.memory_space<vmem>>
    %dma_start3A_71 = tpu.memref_squeeze %dma_start3A_70 : memref<1x1x128xi32, #tpu.memory_space<vmem>> -> memref<128xi32, #tpu.memory_space<vmem>>
    %dma_start3A_72 = arith.constant 0 : i32
    %dma_start3A_73 = arith.constant 0 : i32
    %dma_start3A_74 = tpu.memref_slice %arg3[%dma_start3A_72, %dma_start3A_73] : memref<1000000x128xf32, #tpu.memory_space<hbm>> -> memref<1000000x128xf32, #tpu.memory_space<hbm>>
    tpu.enqueue_indirect_dma source(%dma_start3A_74 : memref<1000000x128xf32, #tpu.memory_space<hbm>>) target(%arg9 : memref<128x128xf32, #tpu.memory_space<vmem>>) offsets(%dma_start3A_71 : memref<128xi32, #tpu.memory_space<vmem>>) semaphore(%arg13 : memref<!tpu.dma_semaphore, #tpu.memory_space<semaphore_mem>>)
    %scan3A = arith.constant 0 : i32
    %scan3A_75 = arith.constant 0 : i32
    %scan3A_76 = arith.constant 64 : i32
    %scan3A_77 = arith.addi %scan3A_75, %scan3A_76 : i32
    %scan3A_78 = arith.constant 1 : i32
    scf.for %scan3A_98 = %scan3A_75 to %scan3A_77 step %scan3A_78  : i32 {
      %jit3A_99 = arith.constant 2 : i32
      %eq3A_100 = arith.constant 0 : i32
      %eq3A_101 = arith.cmpi eq, %jit3A_99, %eq3A_100 : i32
      %jit3A_102 = arith.constant 1 : i32
      %select_n3A_103 = arith.select %eq3A_101, %jit3A_102, %jit3A_99 : i32
      %rem3A_104 = arith.remsi %scan3A_98, %select_n3A_103 : i32
      %ne3A_105 = arith.constant 0 : i32
      %ne3A_106 = arith.cmpi ne, %rem3A_104, %ne3A_105 : i32
      %lt3A_107 = arith.constant 0 : i32
      %lt3A_108 = arith.cmpi slt, %rem3A_104, %lt3A_107 : i32
      %lt3A_109 = arith.constant 0 : i32
      %lt3A_110 = arith.cmpi slt, %select_n3A_103, %lt3A_109 : i32
      %ne3A_111 = arith.xori %lt3A_108, %lt3A_110 : i1
      %and3A_112 = arith.andi %ne3A_111, %ne3A_106 : i1
      %add3A_113 = arith.addi %rem3A_104, %select_n3A_103 : i32
      %select_n3A_114 = arith.select %and3A_112, %add3A_113, %rem3A_104 : i32
      %add3A_115 = arith.constant 1 : i32
      %add3A_116 = arith.addi %scan3A_98, %add3A_115 : i32
      %jit3A_117 = arith.constant 2 : i32
      %eq3A_118 = arith.constant 0 : i32
      %eq3A_119 = arith.cmpi eq, %jit3A_117, %eq3A_118 : i32
      %jit3A_120 = arith.constant 1 : i32
      %select_n3A_121 = arith.select %eq3A_119, %jit3A_120, %jit3A_117 : i32
      %rem3A_122 = arith.remsi %add3A_116, %select_n3A_121 : i32
      %ne3A_123 = arith.constant 0 : i32
      %ne3A_124 = arith.cmpi ne, %rem3A_122, %ne3A_123 : i32
      %lt3A_125 = arith.constant 0 : i32
      %lt3A_126 = arith.cmpi slt, %rem3A_122, %lt3A_125 : i32
      %lt3A_127 = arith.constant 0 : i32
      %lt3A_128 = arith.cmpi slt, %select_n3A_121, %lt3A_127 : i32
      %ne3A_129 = arith.xori %lt3A_126, %lt3A_128 : i1
      %and3A_130 = arith.andi %ne3A_129, %ne3A_124 : i1
      %add3A_131 = arith.addi %rem3A_122, %select_n3A_121 : i32
      %select_n3A_132 = arith.select %and3A_130, %add3A_131, %rem3A_122 : i32
      %lt3A_133 = arith.constant 63 : i32
      %lt3A_134 = arith.cmpi slt, %scan3A_98, %lt3A_133 : i32
      %mul3A_135 = arith.constant 8 : i32
      %mul3A_136 = arith.muli %scan3A_98, %mul3A_135 : i32
      %add3A_137 = arith.constant 0 : i32
      %add3A_138 = arith.addi %mul3A_136, %add3A_137 : i32
      %convert_element_type3A = arith.extui %lt3A_134 : i1 to i32
      %cond3A = arith.constant 0 : i32
      %cond3A_139 = arith.cmpi ne, %convert_element_type3A, %cond3A : i32
      scf.if %cond3A_139 {
        %add3A_456 = arith.constant 1 : i32
        %add3A_457 = arith.addi %scan3A_98, %add3A_456 : i32
        %mul3A_458 = arith.constant 8 : i32
        %mul3A_459 = arith.muli %add3A_457, %mul3A_458 : i32
        %add3A_460 = arith.addi %mul3A_34, %mul3A_459 : i32
        %dma_start3A_461 = arith.constant 0 : i32
        %dma_start3A_462 = arith.constant 0 : i32
        %dma_start3A_463 = tpu.memref_slice %arg7[%select_n3A_132, %dma_start3A_461, %dma_start3A_462] : memref<2x8x128xi32, #tpu.memory_space<vmem>> -> memref<1x8x128xi32, #tpu.memory_space<vmem>>
        %dma_start3A_464 = tpu.memref_squeeze %dma_start3A_463 : memref<1x8x128xi32, #tpu.memory_space<vmem>> -> memref<8x128xi32, #tpu.memory_space<vmem>>
        %dma_start3A_465 = tpu.memref_slice %arg2[%add3A_460, %mul3A_11] : memref<1024x2048xi32, #tpu.memory_space<hbm>> -> memref<8x128xi32, #tpu.memory_space<hbm>>
        %dma_start3A_466 = arith.constant 0 : i32
        %dma_start3A_467 = arith.constant 0 : i32
        %dma_start3A_468 = tpu.memref_slice %arg7[%select_n3A_132, %dma_start3A_466, %dma_start3A_467] : memref<2x8x128xi32, #tpu.memory_space<vmem>> -> memref<1x8x128xi32, #tpu.memory_space<vmem>>
        %dma_start3A_469 = tpu.memref_squeeze %dma_start3A_468 : memref<1x8x128xi32, #tpu.memory_space<vmem>> -> memref<8x128xi32, #tpu.memory_space<vmem>>
        %dma_start3A_470 = tpu.memref_slice %arg2[%add3A_460, %mul3A_11] : memref<1024x2048xi32, #tpu.memory_space<hbm>> -> memref<8x128xi32, #tpu.memory_space<hbm>>
        tpu.enqueue_dma source(%dma_start3A_470 : memref<8x128xi32, #tpu.memory_space<hbm>>) target(%dma_start3A_469 : memref<8x128xi32, #tpu.memory_space<vmem>>) target_semaphore(%arg20 : memref<!tpu.dma_semaphore, #tpu.memory_space<semaphore_mem>>)
      } else {
      }
      %gt3A = arith.constant 0 : i32
      %gt3A_140 = arith.cmpi sgt, %scan3A_98, %gt3A : i32
      %convert_element_type3A_141 = arith.extui %gt3A_140 : i1 to i32
      %cond3A_142 = arith.constant 0 : i32
      %cond3A_143 = arith.cmpi ne, %convert_element_type3A_141, %cond3A_142 : i32
      scf.if %cond3A_143 {
        %sub3A_456 = arith.constant 2 : i32
        %sub3A_457 = arith.subi %add3A_138, %sub3A_456 : i32
        %add3A_458 = arith.addi %mul3A_34, %sub3A_457 : i32
        %mul3A_459 = arith.constant 2048 : i32
        %mul3A_460 = arith.muli %add3A_458, %mul3A_459 : i32
        %add3A_461 = arith.addi %mul3A_460, %mul3A_11 : i32
        %dma_wait3A_462 = arith.constant 0 : i32
        %dma_wait3A_463 = tpu.memref_slice %arg5[%add3A_461, %dma_wait3A_462] : memref<2097152x128xf32, #tpu.memory_space<hbm>> -> memref<128x128xf32, #tpu.memory_space<hbm>>
        %dma_wait3A_464 = arith.constant 0 : i32
        %dma_wait3A_465 = tpu.memref_slice %arg5[%add3A_461, %dma_wait3A_464] : memref<2097152x128xf32, #tpu.memory_space<hbm>> -> memref<128x128xf32, #tpu.memory_space<hbm>>
        tpu.wait_dma2 semaphore(%arg18 : memref<!tpu.dma_semaphore, #tpu.memory_space<semaphore_mem>>) src(%arg10 : memref<128x128xf32, #tpu.memory_space<vmem>>) dst(%dma_wait3A_465 : memref<128x128xf32, #tpu.memory_space<hbm>>)
      } else {
      }
      %dma_start3A_144 = arith.constant 2 : i32
      %dma_start3A_145 = arith.constant 0 : i32
      %dma_start3A_146 = tpu.memref_slice %arg7[%select_n3A_114, %dma_start3A_144, %dma_start3A_145] : memref<2x8x128xi32, #tpu.memory_space<vmem>> -> memref<1x1x128xi32, #tpu.memory_space<vmem>>
      %dma_start3A_147 = tpu.memref_squeeze %dma_start3A_146 : memref<1x1x128xi32, #tpu.memory_space<vmem>> -> memref<128xi32, #tpu.memory_space<vmem>>
      %dma_start3A_148 = arith.constant 0 : i32
      %dma_start3A_149 = arith.constant 0 : i32
      %dma_start3A_150 = tpu.memref_slice %arg3[%dma_start3A_148, %dma_start3A_149] : memref<1000000x128xf32, #tpu.memory_space<hbm>> -> memref<1000000x128xf32, #tpu.memory_space<hbm>>
      tpu.enqueue_indirect_dma source(%dma_start3A_150 : memref<1000000x128xf32, #tpu.memory_space<hbm>>) target(%arg10 : memref<128x128xf32, #tpu.memory_space<vmem>>) offsets(%dma_start3A_147 : memref<128xi32, #tpu.memory_space<vmem>>) semaphore(%arg14 : memref<!tpu.dma_semaphore, #tpu.memory_space<semaphore_mem>>)
      %dma_wait3A_151 = arith.constant 0 : i32
      %dma_wait3A_152 = arith.constant 0 : i32
      %dma_wait3A_153 = tpu.memref_slice %arg7[%select_n3A_114, %dma_wait3A_151, %dma_wait3A_152] : memref<2x8x128xi32, #tpu.memory_space<vmem>> -> memref<1x1x128xi32, #tpu.memory_space<vmem>>
      %dma_wait3A_154 = tpu.memref_squeeze %dma_wait3A_153 : memref<1x1x128xi32, #tpu.memory_space<vmem>> -> memref<128xi32, #tpu.memory_space<vmem>>
      %dma_wait3A_155 = arith.constant 0 : i32
      %dma_wait3A_156 = arith.constant 0 : i32
      %dma_wait3A_157 = tpu.memref_slice %arg3[%dma_wait3A_155, %dma_wait3A_156] : memref<1000000x128xf32, #tpu.memory_space<hbm>> -> memref<1000000x128xf32, #tpu.memory_space<hbm>>
      tpu.wait_indirect_dma semaphore(%arg12 : memref<!tpu.dma_semaphore, #tpu.memory_space<semaphore_mem>>) src(%dma_wait3A_157 : memref<1000000x128xf32, #tpu.memory_space<hbm>>) dst(%arg8 : memref<128x128xf32, #tpu.memory_space<vmem>>)
      %scan3A_158 = arith.constant 0 : i32
      %scan3A_159 = arith.constant 0 : i32
      %scan3A_160 = arith.constant 32 : i32
      %scan3A_161 = arith.addi %scan3A_159, %scan3A_160 : i32
      %scan3A_162 = arith.constant 1 : i32
      scf.for %scan3A_456 = %scan3A_159 to %scan3A_161 step %scan3A_162  : i32 {
        %mul3A_457 = arith.constant 4 : i32
        %mul3A_458 = arith.muli %scan3A_456, %mul3A_457 : i32
        %add3A_459 = arith.constant 0 : i32
        %add3A_460 = arith.addi %mul3A_458, %add3A_459 : i32
        %add3A_461 = arith.constant 0 : i32
        %add3A_462 = arith.addi %mul3A_458, %add3A_461 : i32
        %get3A = arith.index_cast %add3A_462 : i32 to index
        %get3A_463 = arith.constant 0 : index
        %get3A_464 = tpu.vector_load %arg6[%get3A, %get3A_463] {strides = array<i32>} : memref<128x64xf32, #tpu.memory_space<vmem>>, vector<1x16xf32>,
        %get3A_465 = vector.shape_cast %get3A_464 : vector<1x16xf32> to vector<16xf32>
        %swap3A = arith.index_cast %add3A_460 : i32 to index
        %swap3A_466 = arith.constant 0 : index
        %swap3A_467 = tpu.vector_load %arg8[%swap3A, %swap3A_466] {strides = array<i32>} : memref<128x128xf32, #tpu.memory_space<vmem>>, vector<1x16xf32>,
        %swap3A_468 = vector.shape_cast %swap3A_467 : vector<1x16xf32> to vector<16xf32>
        %swap3A_469 = vector.shape_cast %get3A_465 : vector<16xf32> to vector<1x16xf32>
        tpu.vector_store %arg8[%swap3A, %swap3A_466], %swap3A_469 {add = true, strides = array<i32>} : memref<128x128xf32, #tpu.memory_space<vmem>>, vector<1x16xf32>,
        %add3A_470 = arith.constant 0 : i32
        %add3A_471 = arith.addi %mul3A_458, %add3A_470 : i32
        %add3A_472 = arith.constant 0 : i32
        %add3A_473 = arith.addi %mul3A_458, %add3A_472 : i32
        %get3A_474 = arith.index_cast %add3A_473 : i32 to index
        %get3A_475 = arith.constant 16 : index
        %get3A_476 = tpu.vector_load %arg6[%get3A_474, %get3A_475] {strides = array<i32>} : memref<128x64xf32, #tpu.memory_space<vmem>>, vector<1x16xf32>,
        %get3A_477 = vector.shape_cast %get3A_476 : vector<1x16xf32> to vector<16xf32>
        %swap3A_478 = arith.index_cast %add3A_471 : i32 to index
        %swap3A_479 = arith.constant 16 : index
        %swap3A_480 = tpu.vector_load %arg8[%swap3A_478, %swap3A_479] {strides = array<i32>} : memref<128x128xf32, #tpu.memory_space<vmem>>, vector<1x16xf32>,
        %swap3A_481 = vector.shape_cast %swap3A_480 : vector<1x16xf32> to vector<16xf32>
        %swap3A_482 = vector.shape_cast %get3A_477 : vector<16xf32> to vector<1x16xf32>
        tpu.vector_store %arg8[%swap3A_478, %swap3A_479], %swap3A_482 {add = true, strides = array<i32>} : memref<128x128xf32, #tpu.memory_space<vmem>>, vector<1x16xf32>,
        %add3A_483 = arith.constant 0 : i32
        %add3A_484 = arith.addi %mul3A_458, %add3A_483 : i32
        %add3A_485 = arith.constant 0 : i32
        %add3A_486 = arith.addi %mul3A_458, %add3A_485 : i32
        %get3A_487 = arith.index_cast %add3A_486 : i32 to index
        %get3A_488 = arith.constant 32 : index
        %get3A_489 = tpu.vector_load %arg6[%get3A_487, %get3A_488] {strides = array<i32>} : memref<128x64xf32, #tpu.memory_space<vmem>>, vector<1x16xf32>,
        %get3A_490 = vector.shape_cast %get3A_489 : vector<1x16xf32> to vector<16xf32>
        %swap3A_491 = arith.index_cast %add3A_484 : i32 to index
        %swap3A_492 = arith.constant 32 : index
        %swap3A_493 = tpu.vector_load %arg8[%swap3A_491, %swap3A_492] {strides = array<i32>} : memref<128x128xf32, #tpu.memory_space<vmem>>, vector<1x16xf32>,
        %swap3A_494 = vector.shape_cast %swap3A_493 : vector<1x16xf32> to vector<16xf32>
        %swap3A_495 = vector.shape_cast %get3A_490 : vector<16xf32> to vector<1x16xf32>
        tpu.vector_store %arg8[%swap3A_491, %swap3A_492], %swap3A_495 {add = true, strides = array<i32>} : memref<128x128xf32, #tpu.memory_space<vmem>>, vector<1x16xf32>,
        %add3A_496 = arith.constant 0 : i32
        %add3A_497 = arith.addi %mul3A_458, %add3A_496 : i32
        %add3A_498 = arith.constant 0 : i32
        %add3A_499 = arith.addi %mul3A_458, %add3A_498 : i32
        %get3A_500 = arith.index_cast %add3A_499 : i32 to index
        %get3A_501 = arith.constant 48 : index
        %get3A_502 = tpu.vector_load %arg6[%get3A_500, %get3A_501] {strides = array<i32>} : memref<128x64xf32, #tpu.memory_space<vmem>>, vector<1x16xf32>,
        %get3A_503 = vector.shape_cast %get3A_502 : vector<1x16xf32> to vector<16xf32>
        %swap3A_504 = arith.index_cast %add3A_497 : i32 to index
        %swap3A_505 = arith.constant 48 : index
        %swap3A_506 = tpu.vector_load %arg8[%swap3A_504, %swap3A_505] {strides = array<i32>} : memref<128x128xf32, #tpu.memory_space<vmem>>, vector<1x16xf32>,
        %swap3A_507 = vector.shape_cast %swap3A_506 : vector<1x16xf32> to vector<16xf32>
        %swap3A_508 = vector.shape_cast %get3A_503 : vector<16xf32> to vector<1x16xf32>
        tpu.vector_store %arg8[%swap3A_504, %swap3A_505], %swap3A_508 {add = true, strides = array<i32>} : memref<128x128xf32, #tpu.memory_space<vmem>>, vector<1x16xf32>,
        %add3A_509 = arith.constant 1 : i32
        %add3A_510 = arith.addi %mul3A_458, %add3A_509 : i32
        %add3A_511 = arith.constant 1 : i32
        %add3A_512 = arith.addi %mul3A_458, %add3A_511 : i32
        %get3A_513 = arith.index_cast %add3A_512 : i32 to index
        %get3A_514 = arith.constant 0 : index
        %get3A_515 = tpu.vector_load %arg6[%get3A_513, %get3A_514] {strides = array<i32>} : memref<128x64xf32, #tpu.memory_space<vmem>>, vector<1x16xf32>,
        %get3A_516 = vector.shape_cast %get3A_515 : vector<1x16xf32> to vector<16xf32>
        %swap3A_517 = arith.index_cast %add3A_510 : i32 to index
        %swap3A_518 = arith.constant 0 : index
        %swap3A_519 = tpu.vector_load %arg8[%swap3A_517, %swap3A_518] {strides = array<i32>} : memref<128x128xf32, #tpu.memory_space<vmem>>, vector<1x16xf32>,
        %swap3A_520 = vector.shape_cast %swap3A_519 : vector<1x16xf32> to vector<16xf32>
        %swap3A_521 = vector.shape_cast %get3A_516 : vector<16xf32> to vector<1x16xf32>
        tpu.vector_store %arg8[%swap3A_517, %swap3A_518], %swap3A_521 {add = true, strides = array<i32>} : memref<128x128xf32, #tpu.memory_space<vmem>>, vector<1x16xf32>,
        %add3A_522 = arith.constant 1 : i32
        %add3A_523 = arith.addi %mul3A_458, %add3A_522 : i32
        %add3A_524 = arith.constant 1 : i32
        %add3A_525 = arith.addi %mul3A_458, %add3A_524 : i32
        %get3A_526 = arith.index_cast %add3A_525 : i32 to index
        %get3A_527 = arith.constant 16 : index
        %get3A_528 = tpu.vector_load %arg6[%get3A_526, %get3A_527] {strides = array<i32>} : memref<128x64xf32, #tpu.memory_space<vmem>>, vector<1x16xf32>,
        %get3A_529 = vector.shape_cast %get3A_528 : vector<1x16xf32> to vector<16xf32>
        %swap3A_530 = arith.index_cast %add3A_523 : i32 to index
        %swap3A_531 = arith.constant 16 : index
        %swap3A_532 = tpu.vector_load %arg8[%swap3A_530, %swap3A_531] {strides = array<i32>} : memref<128x128xf32, #tpu.memory_space<vmem>>, vector<1x16xf32>,
        %swap3A_533 = vector.shape_cast %swap3A_532 : vector<1x16xf32> to vector<16xf32>
        %swap3A_534 = vector.shape_cast %get3A_529 : vector<16xf32> to vector<1x16xf32>
        tpu.vector_store %arg8[%swap3A_530, %swap3A_531], %swap3A_534 {add = true, strides = array<i32>} : memref<128x128xf32, #tpu.memory_space<vmem>>, vector<1x16xf32>,
        %add3A_535 = arith.constant 1 : i32
        %add3A_536 = arith.addi %mul3A_458, %add3A_535 : i32
        %add3A_537 = arith.constant 1 : i32
        %add3A_538 = arith.addi %mul3A_458, %add3A_537 : i32
        %get3A_539 = arith.index_cast %add3A_538 : i32 to index
        %get3A_540 = arith.constant 32 : index
        %get3A_541 = tpu.vector_load %arg6[%get3A_539, %get3A_540] {strides = array<i32>} : memref<128x64xf32, #tpu.memory_space<vmem>>, vector<1x16xf32>,
        %get3A_542 = vector.shape_cast %get3A_541 : vector<1x16xf32> to vector<16xf32>
        %swap3A_543 = arith.index_cast %add3A_536 : i32 to index
        %swap3A_544 = arith.constant 32 : index
        %swap3A_545 = tpu.vector_load %arg8[%swap3A_543, %swap3A_544] {strides = array<i32>} : memref<128x128xf32, #tpu.memory_space<vmem>>, vector<1x16xf32>,
        %swap3A_546 = vector.shape_cast %swap3A_545 : vector<1x16xf32> to vector<16xf32>
        %swap3A_547 = vector.shape_cast %get3A_542 : vector<16xf32> to vector<1x16xf32>
        tpu.vector_store %arg8[%swap3A_543, %swap3A_544], %swap3A_547 {add = true, strides = array<i32>} : memref<128x128xf32, #tpu.memory_space<vmem>>, vector<1x16xf32>,
        %add3A_548 = arith.constant 1 : i32
        %add3A_549 = arith.addi %mul3A_458, %add3A_548 : i32
        %add3A_550 = arith.constant 1 : i32
        %add3A_551 = arith.addi %mul3A_458, %add3A_550 : i32
        %get3A_552 = arith.index_cast %add3A_551 : i32 to index
        %get3A_553 = arith.constant 48 : index
        %get3A_554 = tpu.vector_load %arg6[%get3A_552, %get3A_553] {strides = array<i32>} : memref<128x64xf32, #tpu.memory_space<vmem>>, vector<1x16xf32>,
        %get3A_555 = vector.shape_cast %get3A_554 : vector<1x16xf32> to vector<16xf32>
        %swap3A_556 = arith.index_cast %add3A_549 : i32 to index
        %swap3A_557 = arith.constant 48 : index
        %swap3A_558 = tpu.vector_load %arg8[%swap3A_556, %swap3A_557] {strides = array<i32>} : memref<128x128xf32, #tpu.memory_space<vmem>>, vector<1x16xf32>,
        %swap3A_559 = vector.shape_cast %swap3A_558 : vector<1x16xf32> to vector<16xf32>
        %swap3A_560 = vector.shape_cast %get3A_555 : vector<16xf32> to vector<1x16xf32>
        tpu.vector_store %arg8[%swap3A_556, %swap3A_557], %swap3A_560 {add = true, strides = array<i32>} : memref<128x128xf32, #tpu.memory_space<vmem>>, vector<1x16xf32>,
        %add3A_561 = arith.constant 2 : i32
        %add3A_562 = arith.addi %mul3A_458, %add3A_561 : i32
        %add3A_563 = arith.constant 2 : i32
        %add3A_564 = arith.addi %mul3A_458, %add3A_563 : i32
        %get3A_565 = arith.index_cast %add3A_564 : i32 to index
        %get3A_566 = arith.constant 0 : index
        %get3A_567 = tpu.vector_load %arg6[%get3A_565, %get3A_566] {strides = array<i32>} : memref<128x64xf32, #tpu.memory_space<vmem>>, vector<1x16xf32>,
        %get3A_568 = vector.shape_cast %get3A_567 : vector<1x16xf32> to vector<16xf32>
        %swap3A_569 = arith.index_cast %add3A_562 : i32 to index
        %swap3A_570 = arith.constant 0 : index
        %swap3A_571 = tpu.vector_load %arg8[%swap3A_569, %swap3A_570] {strides = array<i32>} : memref<128x128xf32, #tpu.memory_space<vmem>>, vector<1x16xf32>,
        %swap3A_572 = vector.shape_cast %swap3A_571 : vector<1x16xf32> to vector<16xf32>
        %swap3A_573 = vector.shape_cast %get3A_568 : vector<16xf32> to vector<1x16xf32>
        tpu.vector_store %arg8[%swap3A_569, %swap3A_570], %swap3A_573 {add = true, strides = array<i32>} : memref<128x128xf32, #tpu.memory_space<vmem>>, vector<1x16xf32>,
        %add3A_574 = arith.constant 2 : i32
        %add3A_575 = arith.addi %mul3A_458, %add3A_574 : i32
        %add3A_576 = arith.constant 2 : i32
        %add3A_577 = arith.addi %mul3A_458, %add3A_576 : i32
        %get3A_578 = arith.index_cast %add3A_577 : i32 to index
        %get3A_579 = arith.constant 16 : index
        %get3A_580 = tpu.vector_load %arg6[%get3A_578, %get3A_579] {strides = array<i32>} : memref<128x64xf32, #tpu.memory_space<vmem>>, vector<1x16xf32>,
        %get3A_581 = vector.shape_cast %get3A_580 : vector<1x16xf32> to vector<16xf32>
        %swap3A_582 = arith.index_cast %add3A_575 : i32 to index
        %swap3A_583 = arith.constant 16 : index
        %swap3A_584 = tpu.vector_load %arg8[%swap3A_582, %swap3A_583] {strides = array<i32>} : memref<128x128xf32, #tpu.memory_space<vmem>>, vector<1x16xf32>,
        %swap3A_585 = vector.shape_cast %swap3A_584 : vector<1x16xf32> to vector<16xf32>
        %swap3A_586 = vector.shape_cast %get3A_581 : vector<16xf32> to vector<1x16xf32>
        tpu.vector_store %arg8[%swap3A_582, %swap3A_583], %swap3A_586 {add = true, strides = array<i32>} : memref<128x128xf32, #tpu.memory_space<vmem>>, vector<1x16xf32>,
        %add3A_587 = arith.constant 2 : i32
        %add3A_588 = arith.addi %mul3A_458, %add3A_587 : i32
        %add3A_589 = arith.constant 2 : i32
        %add3A_590 = arith.addi %mul3A_458, %add3A_589 : i32
        %get3A_591 = arith.index_cast %add3A_590 : i32 to index
        %get3A_592 = arith.constant 32 : index
        %get3A_593 = tpu.vector_load %arg6[%get3A_591, %get3A_592] {strides = array<i32>} : memref<128x64xf32, #tpu.memory_space<vmem>>, vector<1x16xf32>,
        %get3A_594 = vector.shape_cast %get3A_593 : vector<1x16xf32> to vector<16xf32>
        %swap3A_595 = arith.index_cast %add3A_588 : i32 to index
        %swap3A_596 = arith.constant 32 : index
        %swap3A_597 = tpu.vector_load %arg8[%swap3A_595, %swap3A_596] {strides = array<i32>} : memref<128x128xf32, #tpu.memory_space<vmem>>, vector<1x16xf32>,
        %swap3A_598 = vector.shape_cast %swap3A_597 : vector<1x16xf32> to vector<16xf32>
        %swap3A_599 = vector.shape_cast %get3A_594 : vector<16xf32> to vector<1x16xf32>
        tpu.vector_store %arg8[%swap3A_595, %swap3A_596], %swap3A_599 {add = true, strides = array<i32>} : memref<128x128xf32, #tpu.memory_space<vmem>>, vector<1x16xf32>,
        %add3A_600 = arith.constant 2 : i32
        %add3A_601 = arith.addi %mul3A_458, %add3A_600 : i32
        %add3A_602 = arith.constant 2 : i32
        %add3A_603 = arith.addi %mul3A_458, %add3A_602 : i32
        %get3A_604 = arith.index_cast %add3A_603 : i32 to index
        %get3A_605 = arith.constant 48 : index
        %get3A_606 = tpu.vector_load %arg6[%get3A_604, %get3A_605] {strides = array<i32>} : memref<128x64xf32, #tpu.memory_space<vmem>>, vector<1x16xf32>,
        %get3A_607 = vector.shape_cast %get3A_606 : vector<1x16xf32> to vector<16xf32>
        %swap3A_608 = arith.index_cast %add3A_601 : i32 to index
        %swap3A_609 = arith.constant 48 : index
        %swap3A_610 = tpu.vector_load %arg8[%swap3A_608, %swap3A_609] {strides = array<i32>} : memref<128x128xf32, #tpu.memory_space<vmem>>, vector<1x16xf32>,
        %swap3A_611 = vector.shape_cast %swap3A_610 : vector<1x16xf32> to vector<16xf32>
        %swap3A_612 = vector.shape_cast %get3A_607 : vector<16xf32> to vector<1x16xf32>
        tpu.vector_store %arg8[%swap3A_608, %swap3A_609], %swap3A_612 {add = true, strides = array<i32>} : memref<128x128xf32, #tpu.memory_space<vmem>>, vector<1x16xf32>,
        %add3A_613 = arith.constant 3 : i32
        %add3A_614 = arith.addi %mul3A_458, %add3A_613 : i32
        %add3A_615 = arith.constant 3 : i32
        %add3A_616 = arith.addi %mul3A_458, %add3A_615 : i32
        %get3A_617 = arith.index_cast %add3A_616 : i32 to index
        %get3A_618 = arith.constant 0 : index
        %get3A_619 = tpu.vector_load %arg6[%get3A_617, %get3A_618] {strides = array<i32>} : memref<128x64xf32, #tpu.memory_space<vmem>>, vector<1x16xf32>,
        %get3A_620 = vector.shape_cast %get3A_619 : vector<1x16xf32> to vector<16xf32>
        %swap3A_621 = arith.index_cast %add3A_614 : i32 to index
        %swap3A_622 = arith.constant 0 : index
        %swap3A_623 = tpu.vector_load %arg8[%swap3A_621, %swap3A_622] {strides = array<i32>} : memref<128x128xf32, #tpu.memory_space<vmem>>, vector<1x16xf32>,
        %swap3A_624 = vector.shape_cast %swap3A_623 : vector<1x16xf32> to vector<16xf32>
        %swap3A_625 = vector.shape_cast %get3A_620 : vector<16xf32> to vector<1x16xf32>
        tpu.vector_store %arg8[%swap3A_621, %swap3A_622], %swap3A_625 {add = true, strides = array<i32>} : memref<128x128xf32, #tpu.memory_space<vmem>>, vector<1x16xf32>,
        %add3A_626 = arith.constant 3 : i32
        %add3A_627 = arith.addi %mul3A_458, %add3A_626 : i32
        %add3A_628 = arith.constant 3 : i32
        %add3A_629 = arith.addi %mul3A_458, %add3A_628 : i32
        %get3A_630 = arith.index_cast %add3A_629 : i32 to index
        %get3A_631 = arith.constant 16 : index
        %get3A_632 = tpu.vector_load %arg6[%get3A_630, %get3A_631] {strides = array<i32>} : memref<128x64xf32, #tpu.memory_space<vmem>>, vector<1x16xf32>,
        %get3A_633 = vector.shape_cast %get3A_632 : vector<1x16xf32> to vector<16xf32>
        %swap3A_634 = arith.index_cast %add3A_627 : i32 to index
        %swap3A_635 = arith.constant 16 : index
        %swap3A_636 = tpu.vector_load %arg8[%swap3A_634, %swap3A_635] {strides = array<i32>} : memref<128x128xf32, #tpu.memory_space<vmem>>, vector<1x16xf32>,
        %swap3A_637 = vector.shape_cast %swap3A_636 : vector<1x16xf32> to vector<16xf32>
        %swap3A_638 = vector.shape_cast %get3A_633 : vector<16xf32> to vector<1x16xf32>
        tpu.vector_store %arg8[%swap3A_634, %swap3A_635], %swap3A_638 {add = true, strides = array<i32>} : memref<128x128xf32, #tpu.memory_space<vmem>>, vector<1x16xf32>,
        %add3A_639 = arith.constant 3 : i32
        %add3A_640 = arith.addi %mul3A_458, %add3A_639 : i32
        %add3A_641 = arith.constant 3 : i32
        %add3A_642 = arith.addi %mul3A_458, %add3A_641 : i32
        %get3A_643 = arith.index_cast %add3A_642 : i32 to index
        %get3A_644 = arith.constant 32 : index
        %get3A_645 = tpu.vector_load %arg6[%get3A_643, %get3A_644] {strides = array<i32>} : memref<128x64xf32, #tpu.memory_space<vmem>>, vector<1x16xf32>,
        %get3A_646 = vector.shape_cast %get3A_645 : vector<1x16xf32> to vector<16xf32>
        %swap3A_647 = arith.index_cast %add3A_640 : i32 to index
        %swap3A_648 = arith.constant 32 : index
        %swap3A_649 = tpu.vector_load %arg8[%swap3A_647, %swap3A_648] {strides = array<i32>} : memref<128x128xf32, #tpu.memory_space<vmem>>, vector<1x16xf32>,
        %swap3A_650 = vector.shape_cast %swap3A_649 : vector<1x16xf32> to vector<16xf32>
        %swap3A_651 = vector.shape_cast %get3A_646 : vector<16xf32> to vector<1x16xf32>
        tpu.vector_store %arg8[%swap3A_647, %swap3A_648], %swap3A_651 {add = true, strides = array<i32>} : memref<128x128xf32, #tpu.memory_space<vmem>>, vector<1x16xf32>,
        %add3A_652 = arith.constant 3 : i32
        %add3A_653 = arith.addi %mul3A_458, %add3A_652 : i32
        %add3A_654 = arith.constant 3 : i32
        %add3A_655 = arith.addi %mul3A_458, %add3A_654 : i32
        %get3A_656 = arith.index_cast %add3A_655 : i32 to index
        %get3A_657 = arith.constant 48 : index
        %get3A_658 = tpu.vector_load %arg6[%get3A_656, %get3A_657] {strides = array<i32>} : memref<128x64xf32, #tpu.memory_space<vmem>>, vector<1x16xf32>,
        %get3A_659 = vector.shape_cast %get3A_658 : vector<1x16xf32> to vector<16xf32>
        %swap3A_660 = arith.index_cast %add3A_653 : i32 to index
        %swap3A_661 = arith.constant 48 : index
        %swap3A_662 = tpu.vector_load %arg8[%swap3A_660, %swap3A_661] {strides = array<i32>} : memref<128x128xf32, #tpu.memory_space<vmem>>, vector<1x16xf32>,
        %swap3A_663 = vector.shape_cast %swap3A_662 : vector<1x16xf32> to vector<16xf32>
        %swap3A_664 = vector.shape_cast %get3A_659 : vector<16xf32> to vector<1x16xf32>
        tpu.vector_store %arg8[%swap3A_660, %swap3A_661], %swap3A_664 {add = true, strides = array<i32>} : memref<128x128xf32, #tpu.memory_space<vmem>>, vector<1x16xf32>,
      }
      %scan3A_163 = arith.constant 32 : i32
      %add3A_164 = arith.addi %mul3A_34, %add3A_138 : i32
      %mul3A_165 = arith.constant 2048 : i32
      %mul3A_166 = arith.muli %add3A_164, %mul3A_165 : i32
      %add3A_167 = arith.addi %mul3A_166, %mul3A_11 : i32
      %dma_start3A_168 = arith.constant 0 : i32
      %dma_start3A_169 = tpu.memref_slice %arg5[%add3A_167, %dma_start3A_168] : memref<2097152x128xf32, #tpu.memory_space<hbm>> -> memref<128x128xf32, #tpu.memory_space<hbm>>
      %dma_start3A_170 = arith.constant 0 : i32
      %dma_start3A_171 = tpu.memref_slice %arg5[%add3A_167, %dma_start3A_170] : memref<2097152x128xf32, #tpu.memory_space<hbm>> -> memref<128x128xf32, #tpu.memory_space<hbm>>
      tpu.enqueue_dma source(%arg8 : memref<128x128xf32, #tpu.memory_space<vmem>>) target(%dma_start3A_171 : memref<128x128xf32, #tpu.memory_space<hbm>>) target_semaphore(%arg16 : memref<!tpu.dma_semaphore, #tpu.memory_space<semaphore_mem>>)
      %mul3A_172 = arith.constant 8 : i32
      %mul3A_173 = arith.muli %scan3A_98, %mul3A_172 : i32
      %add3A_174 = arith.constant 1 : i32
      %add3A_175 = arith.addi %mul3A_173, %add3A_174 : i32
      %gt3A_176 = arith.constant 0 : i32
      %gt3A_177 = arith.cmpi sgt, %scan3A_98, %gt3A_176 : i32
      %convert_element_type3A_178 = arith.extui %gt3A_177 : i1 to i32
      %cond3A_179 = arith.constant 0 : i32
      %cond3A_180 = arith.cmpi ne, %convert_element_type3A_178, %cond3A_179 : i32
      scf.if %cond3A_180 {
        %sub3A_456 = arith.constant 2 : i32
        %sub3A_457 = arith.subi %add3A_175, %sub3A_456 : i32
        %add3A_458 = arith.addi %mul3A_34, %sub3A_457 : i32
        %mul3A_459 = arith.constant 2048 : i32
        %mul3A_460 = arith.muli %add3A_458, %mul3A_459 : i32
        %add3A_461 = arith.addi %mul3A_460, %mul3A_11 : i32
        %dma_wait3A_462 = arith.constant 0 : i32
        %dma_wait3A_463 = tpu.memref_slice %arg5[%add3A_461, %dma_wait3A_462] : memref<2097152x128xf32, #tpu.memory_space<hbm>> -> memref<128x128xf32, #tpu.memory_space<hbm>>
        %dma_wait3A_464 = arith.constant 0 : i32
        %dma_wait3A_465 = tpu.memref_slice %arg5[%add3A_461, %dma_wait3A_464] : memref<2097152x128xf32, #tpu.memory_space<hbm>> -> memref<128x128xf32, #tpu.memory_space<hbm>>
        tpu.wait_dma2 semaphore(%arg19 : memref<!tpu.dma_semaphore, #tpu.memory_space<semaphore_mem>>) src(%arg11 : memref<128x128xf32, #tpu.memory_space<vmem>>) dst(%dma_wait3A_465 : memref<128x128xf32, #tpu.memory_space<hbm>>)
      } else {
      }
      %dma_start3A_181 = arith.constant 3 : i32
      %dma_start3A_182 = arith.constant 0 : i32
      %dma_start3A_183 = tpu.memref_slice %arg7[%select_n3A_114, %dma_start3A_181, %dma_start3A_182] : memref<2x8x128xi32, #tpu.memory_space<vmem>> -> memref<1x1x128xi32, #tpu.memory_space<vmem>>
      %dma_start3A_184 = tpu.memref_squeeze %dma_start3A_183 : memref<1x1x128xi32, #tpu.memory_space<vmem>> -> memref<128xi32, #tpu.memory_space<vmem>>
      %dma_start3A_185 = arith.constant 0 : i32
      %dma_start3A_186 = arith.constant 0 : i32
      %dma_start3A_187 = tpu.memref_slice %arg3[%dma_start3A_185, %dma_start3A_186] : memref<1000000x128xf32, #tpu.memory_space<hbm>> -> memref<1000000x128xf32, #tpu.memory_space<hbm>>
      tpu.enqueue_indirect_dma source(%dma_start3A_187 : memref<1000000x128xf32, #tpu.memory_space<hbm>>) target(%arg11 : memref<128x128xf32, #tpu.memory_space<vmem>>) offsets(%dma_start3A_184 : memref<128xi32, #tpu.memory_space<vmem>>) semaphore(%arg15 : memref<!tpu.dma_semaphore, #tpu.memory_space<semaphore_mem>>)
      %dma_wait3A_188 = arith.constant 1 : i32
      %dma_wait3A_189 = arith.constant 0 : i32
      %dma_wait3A_190 = tpu.memref_slice %arg7[%select_n3A_114, %dma_wait3A_188, %dma_wait3A_189] : memref<2x8x128xi32, #tpu.memory_space<vmem>> -> memref<1x1x128xi32, #tpu.memory_space<vmem>>
      %dma_wait3A_191 = tpu.memref_squeeze %dma_wait3A_190 : memref<1x1x128xi32, #tpu.memory_space<vmem>> -> memref<128xi32, #tpu.memory_space<vmem>>
      %dma_wait3A_192 = arith.constant 0 : i32
      %dma_wait3A_193 = arith.constant 0 : i32
      %dma_wait3A_194 = tpu.memref_slice %arg3[%dma_wait3A_192, %dma_wait3A_193] : memref<1000000x128xf32, #tpu.memory_space<hbm>> -> memref<1000000x128xf32, #tpu.memory_space<hbm>>
      tpu.wait_indirect_dma semaphore(%arg13 : memref<!tpu.dma_semaphore, #tpu.memory_space<semaphore_mem>>) src(%dma_wait3A_194 : memref<1000000x128xf32, #tpu.memory_space<hbm>>) dst(%arg9 : memref<128x128xf32, #tpu.memory_space<vmem>>)
      %scan3A_195 = arith.constant 0 : i32
      %scan3A_196 = arith.constant 0 : i32
      %scan3A_197 = arith.constant 32 : i32
      %scan3A_198 = arith.addi %scan3A_196, %scan3A_197 : i32
      %scan3A_199 = arith.constant 1 : i32
      scf.for %scan3A_456 = %scan3A_196 to %scan3A_198 step %scan3A_199  : i32 {
        %mul3A_457 = arith.constant 4 : i32
        %mul3A_458 = arith.muli %scan3A_456, %mul3A_457 : i32
        %add3A_459 = arith.constant 0 : i32
        %add3A_460 = arith.addi %mul3A_458, %add3A_459 : i32
        %add3A_461 = arith.constant 0 : i32
        %add3A_462 = arith.addi %mul3A_458, %add3A_461 : i32
        %get3A = arith.index_cast %add3A_462 : i32 to index
        %get3A_463 = arith.constant 0 : index
        %get3A_464 = tpu.vector_load %arg6[%get3A, %get3A_463] {strides = array<i32>} : memref<128x64xf32, #tpu.memory_space<vmem>>, vector<1x16xf32>,
        %get3A_465 = vector.shape_cast %get3A_464 : vector<1x16xf32> to vector<16xf32>
        %swap3A = arith.index_cast %add3A_460 : i32 to index
        %swap3A_466 = arith.constant 0 : index
        %swap3A_467 = tpu.vector_load %arg9[%swap3A, %swap3A_466] {strides = array<i32>} : memref<128x128xf32, #tpu.memory_space<vmem>>, vector<1x16xf32>,
        %swap3A_468 = vector.shape_cast %swap3A_467 : vector<1x16xf32> to vector<16xf32>
        %swap3A_469 = vector.shape_cast %get3A_465 : vector<16xf32> to vector<1x16xf32>
        tpu.vector_store %arg9[%swap3A, %swap3A_466], %swap3A_469 {add = true, strides = array<i32>} : memref<128x128xf32, #tpu.memory_space<vmem>>, vector<1x16xf32>,
        %add3A_470 = arith.constant 0 : i32
        %add3A_471 = arith.addi %mul3A_458, %add3A_470 : i32
        %add3A_472 = arith.constant 0 : i32
        %add3A_473 = arith.addi %mul3A_458, %add3A_472 : i32
        %get3A_474 = arith.index_cast %add3A_473 : i32 to index
        %get3A_475 = arith.constant 16 : index
        %get3A_476 = tpu.vector_load %arg6[%get3A_474, %get3A_475] {strides = array<i32>} : memref<128x64xf32, #tpu.memory_space<vmem>>, vector<1x16xf32>,
        %get3A_477 = vector.shape_cast %get3A_476 : vector<1x16xf32> to vector<16xf32>
        %swap3A_478 = arith.index_cast %add3A_471 : i32 to index
        %swap3A_479 = arith.constant 16 : index
        %swap3A_480 = tpu.vector_load %arg9[%swap3A_478, %swap3A_479] {strides = array<i32>} : memref<128x128xf32, #tpu.memory_space<vmem>>, vector<1x16xf32>,
        %swap3A_481 = vector.shape_cast %swap3A_480 : vector<1x16xf32> to vector<16xf32>
        %swap3A_482 = vector.shape_cast %get3A_477 : vector<16xf32> to vector<1x16xf32>
        tpu.vector_store %arg9[%swap3A_478, %swap3A_479], %swap3A_482 {add = true, strides = array<i32>} : memref<128x128xf32, #tpu.memory_space<vmem>>, vector<1x16xf32>,
        %add3A_483 = arith.constant 0 : i32
        %add3A_484 = arith.addi %mul3A_458, %add3A_483 : i32
        %add3A_485 = arith.constant 0 : i32
        %add3A_486 = arith.addi %mul3A_458, %add3A_485 : i32
        %get3A_487 = arith.index_cast %add3A_486 : i32 to index
        %get3A_488 = arith.constant 32 : index
        %get3A_489 = tpu.vector_load %arg6[%get3A_487, %get3A_488] {strides = array<i32>} : memref<128x64xf32, #tpu.memory_space<vmem>>, vector<1x16xf32>,
        %get3A_490 = vector.shape_cast %get3A_489 : vector<1x16xf32> to vector<16xf32>
        %swap3A_491 = arith.index_cast %add3A_484 : i32 to index
        %swap3A_492 = arith.constant 32 : index
        %swap3A_493 = tpu.vector_load %arg9[%swap3A_491, %swap3A_492] {strides = array<i32>} : memref<128x128xf32, #tpu.memory_space<vmem>>, vector<1x16xf32>,
        %swap3A_494 = vector.shape_cast %swap3A_493 : vector<1x16xf32> to vector<16xf32>
        %swap3A_495 = vector.shape_cast %get3A_490 : vector<16xf32> to vector<1x16xf32>
        tpu.vector_store %arg9[%swap3A_491, %swap3A_492], %swap3A_495 {add = true, strides = array<i32>} : memref<128x128xf32, #tpu.memory_space<vmem>>, vector<1x16xf32>,
        %add3A_496 = arith.constant 0 : i32
        %add3A_497 = arith.addi %mul3A_458, %add3A_496 : i32
        %add3A_498 = arith.constant 0 : i32
        %add3A_499 = arith.addi %mul3A_458, %add3A_498 : i32
        %get3A_500 = arith.index_cast %add3A_499 : i32 to index
        %get3A_501 = arith.constant 48 : index
        %get3A_502 = tpu.vector_load %arg6[%get3A_500, %get3A_501] {strides = array<i32>} : memref<128x64xf32, #tpu.memory_space<vmem>>, vector<1x16xf32>,
        %get3A_503 = vector.shape_cast %get3A_502 : vector<1x16xf32> to vector<16xf32>
        %swap3A_504 = arith.index_cast %add3A_497 : i32 to index
        %swap3A_505 = arith.constant 48 : index
        %swap3A_506 = tpu.vector_load %arg9[%swap3A_504, %swap3A_505] {strides = array<i32>} : memref<128x128xf32, #tpu.memory_space<vmem>>, vector<1x16xf32>,
        %swap3A_507 = vector.shape_cast %swap3A_506 : vector<1x16xf32> to vector<16xf32>
        %swap3A_508 = vector.shape_cast %get3A_503 : vector<16xf32> to vector<1x16xf32>
        tpu.vector_store %arg9[%swap3A_504, %swap3A_505], %swap3A_508 {add = true, strides = array<i32>} : memref<128x128xf32, #tpu.memory_space<vmem>>, vector<1x16xf32>,
        %add3A_509 = arith.constant 1 : i32
        %add3A_510 = arith.addi %mul3A_458, %add3A_509 : i32
        %add3A_511 = arith.constant 1 : i32
        %add3A_512 = arith.addi %mul3A_458, %add3A_511 : i32
        %get3A_513 = arith.index_cast %add3A_512 : i32 to index
        %get3A_514 = arith.constant 0 : index
        %get3A_515 = tpu.vector_load %arg6[%get3A_513, %get3A_514] {strides = array<i32>} : memref<128x64xf32, #tpu.memory_space<vmem>>, vector<1x16xf32>,
        %get3A_516 = vector.shape_cast %get3A_515 : vector<1x16xf32> to vector<16xf32>
        %swap3A_517 = arith.index_cast %add3A_510 : i32 to index
        %swap3A_518 = arith.constant 0 : index
        %swap3A_519 = tpu.vector_load %arg9[%swap3A_517, %swap3A_518] {strides = array<i32>} : memref<128x128xf32, #tpu.memory_space<vmem>>, vector<1x16xf32>,
        %swap3A_520 = vector.shape_cast %swap3A_519 : vector<1x16xf32> to vector<16xf32>
        %swap3A_521 = vector.shape_cast %get3A_516 : vector<16xf32> to vector<1x16xf32>
        tpu.vector_store %arg9[%swap3A_517, %swap3A_518], %swap3A_521 {add = true, strides = array<i32>} : memref<128x128xf32, #tpu.memory_space<vmem>>, vector<1x16xf32>,
        %add3A_522 = arith.constant 1 : i32
        %add3A_523 = arith.addi %mul3A_458, %add3A_522 : i32
        %add3A_524 = arith.constant 1 : i32
        %add3A_525 = arith.addi %mul3A_458, %add3A_524 : i32
        %get3A_526 = arith.index_cast %add3A_525 : i32 to index
        %get3A_527 = arith.constant 16 : index
        %get3A_528 = tpu.vector_load %arg6[%get3A_526, %get3A_527] {strides = array<i32>} : memref<128x64xf32, #tpu.memory_space<vmem>>, vector<1x16xf32>,
        %get3A_529 = vector.shape_cast %get3A_528 : vector<1x16xf32> to vector<16xf32>
        %swap3A_530 = arith.index_cast %add3A_523 : i32 to index
        %swap3A_531 = arith.constant 16 : index
        %swap3A_532 = tpu.vector_load %arg9[%swap3A_530, %swap3A_531] {strides = array<i32>} : memref<128x128xf32, #tpu.memory_space<vmem>>, vector<1x16xf32>,
        %swap3A_533 = vector.shape_cast %swap3A_532 : vector<1x16xf32> to vector<16xf32>
        %swap3A_534 = vector.shape_cast %get3A_529 : vector<16xf32> to vector<1x16xf32>
        tpu.vector_store %arg9[%swap3A_530, %swap3A_531], %swap3A_534 {add = true, strides = array<i32>} : memref<128x128xf32, #tpu.memory_space<vmem>>, vector<1x16xf32>,
        %add3A_535 = arith.constant 1 : i32
        %add3A_536 = arith.addi %mul3A_458, %add3A_535 : i32
        %add3A_537 = arith.constant 1 : i32
        %add3A_538 = arith.addi %mul3A_458, %add3A_537 : i32
        %get3A_539 = arith.index_cast %add3A_538 : i32 to index
        %get3A_540 = arith.constant 32 : index
        %get3A_541 = tpu.vector_load %arg6[%get3A_539, %get3A_540] {strides = array<i32>} : memref<128x64xf32, #tpu.memory_space<vmem>>, vector<1x16xf32>,
        %get3A_542 = vector.shape_cast %get3A_541 : vector<1x16xf32> to vector<16xf32>
        %swap3A_543 = arith.index_cast %add3A_536 : i32 to index
        %swap3A_544 = arith.constant 32 : index
        %swap3A_545 = tpu.vector_load %arg9[%swap3A_543, %swap3A_544] {strides = array<i32>} : memref<128x128xf32, #tpu.memory_space<vmem>>, vector<1x16xf32>,
        %swap3A_546 = vector.shape_cast %swap3A_545 : vector<1x16xf32> to vector<16xf32>
        %swap3A_547 = vector.shape_cast %get3A_542 : vector<16xf32> to vector<1x16xf32>
        tpu.vector_store %arg9[%swap3A_543, %swap3A_544], %swap3A_547 {add = true, strides = array<i32>} : memref<128x128xf32, #tpu.memory_space<vmem>>, vector<1x16xf32>,
        %add3A_548 = arith.constant 1 : i32
        %add3A_549 = arith.addi %mul3A_458, %add3A_548 : i32
        %add3A_550 = arith.constant 1 : i32
        %add3A_551 = arith.addi %mul3A_458, %add3A_550 : i32
        %get3A_552 = arith.index_cast %add3A_551 : i32 to index
        %get3A_553 = arith.constant 48 : index
        %get3A_554 = tpu.vector_load %arg6[%get3A_552, %get3A_553] {strides = array<i32>} : memref<128x64xf32, #tpu.memory_space<vmem>>, vector<1x16xf32>,
        %get3A_555 = vector.shape_cast %get3A_554 : vector<1x16xf32> to vector<16xf32>
        %swap3A_556 = arith.index_cast %add3A_549 : i32 to index
        %swap3A_557 = arith.constant 48 : index
        %swap3A_558 = tpu.vector_load %arg9[%swap3A_556, %swap3A_557] {strides = array<i32>} : memref<128x128xf32, #tpu.memory_space<vmem>>, vector<1x16xf32>,
        %swap3A_559 = vector.shape_cast %swap3A_558 : vector<1x16xf32> to vector<16xf32>
        %swap3A_560 = vector.shape_cast %get3A_555 : vector<16xf32> to vector<1x16xf32>
        tpu.vector_store %arg9[%swap3A_556, %swap3A_557], %swap3A_560 {add = true, strides = array<i32>} : memref<128x128xf32, #tpu.memory_space<vmem>>, vector<1x16xf32>,
        %add3A_561 = arith.constant 2 : i32
        %add3A_562 = arith.addi %mul3A_458, %add3A_561 : i32
        %add3A_563 = arith.constant 2 : i32
        %add3A_564 = arith.addi %mul3A_458, %add3A_563 : i32
        %get3A_565 = arith.index_cast %add3A_564 : i32 to index
        %get3A_566 = arith.constant 0 : index
        %get3A_567 = tpu.vector_load %arg6[%get3A_565, %get3A_566] {strides = array<i32>} : memref<128x64xf32, #tpu.memory_space<vmem>>, vector<1x16xf32>,
        %get3A_568 = vector.shape_cast %get3A_567 : vector<1x16xf32> to vector<16xf32>
        %swap3A_569 = arith.index_cast %add3A_562 : i32 to index
        %swap3A_570 = arith.constant 0 : index
        %swap3A_571 = tpu.vector_load %arg9[%swap3A_569, %swap3A_570] {strides = array<i32>} : memref<128x128xf32, #tpu.memory_space<vmem>>, vector<1x16xf32>,
        %swap3A_572 = vector.shape_cast %swap3A_571 : vector<1x16xf32> to vector<16xf32>
        %swap3A_573 = vector.shape_cast %get3A_568 : vector<16xf32> to vector<1x16xf32>
        tpu.vector_store %arg9[%swap3A_569, %swap3A_570], %swap3A_573 {add = true, strides = array<i32>} : memref<128x128xf32, #tpu.memory_space<vmem>>, vector<1x16xf32>,
        %add3A_574 = arith.constant 2 : i32
        %add3A_575 = arith.addi %mul3A_458, %add3A_574 : i32
        %add3A_576 = arith.constant 2 : i32
        %add3A_577 = arith.addi %mul3A_458, %add3A_576 : i32
        %get3A_578 = arith.index_cast %add3A_577 : i32 to index
        %get3A_579 = arith.constant 16 : index
        %get3A_580 = tpu.vector_load %arg6[%get3A_578, %get3A_579] {strides = array<i32>} : memref<128x64xf32, #tpu.memory_space<vmem>>, vector<1x16xf32>,
        %get3A_581 = vector.shape_cast %get3A_580 : vector<1x16xf32> to vector<16xf32>
        %swap3A_582 = arith.index_cast %add3A_575 : i32 to index
        %swap3A_583 = arith.constant 16 : index
        %swap3A_584 = tpu.vector_load %arg9[%swap3A_582, %swap3A_583] {strides = array<i32>} : memref<128x128xf32, #tpu.memory_space<vmem>>, vector<1x16xf32>,
        %swap3A_585 = vector.shape_cast %swap3A_584 : vector<1x16xf32> to vector<16xf32>
        %swap3A_586 = vector.shape_cast %get3A_581 : vector<16xf32> to vector<1x16xf32>
        tpu.vector_store %arg9[%swap3A_582, %swap3A_583], %swap3A_586 {add = true, strides = array<i32>} : memref<128x128xf32, #tpu.memory_space<vmem>>, vector<1x16xf32>,
        %add3A_587 = arith.constant 2 : i32
        %add3A_588 = arith.addi %mul3A_458, %add3A_587 : i32
        %add3A_589 = arith.constant 2 : i32
        %add3A_590 = arith.addi %mul3A_458, %add3A_589 : i32
        %get3A_591 = arith.index_cast %add3A_590 : i32 to index
        %get3A_592 = arith.constant 32 : index
        %get3A_593 = tpu.vector_load %arg6[%get3A_591, %get3A_592] {strides = array<i32>} : memref<128x64xf32, #tpu.memory_space<vmem>>, vector<1x16xf32>,
        %get3A_594 = vector.shape_cast %get3A_593 : vector<1x16xf32> to vector<16xf32>
        %swap3A_595 = arith.index_cast %add3A_588 : i32 to index
        %swap3A_596 = arith.constant 32 : index
        %swap3A_597 = tpu.vector_load %arg9[%swap3A_595, %swap3A_596] {strides = array<i32>} : memref<128x128xf32, #tpu.memory_space<vmem>>, vector<1x16xf32>,
        %swap3A_598 = vector.shape_cast %swap3A_597 : vector<1x16xf32> to vector<16xf32>
        %swap3A_599 = vector.shape_cast %get3A_594 : vector<16xf32> to vector<1x16xf32>
        tpu.vector_store %arg9[%swap3A_595, %swap3A_596], %swap3A_599 {add = true, strides = array<i32>} : memref<128x128xf32, #tpu.memory_space<vmem>>, vector<1x16xf32>,
        %add3A_600 = arith.constant 2 : i32
        %add3A_601 = arith.addi %mul3A_458, %add3A_600 : i32
        %add3A_602 = arith.constant 2 : i32
        %add3A_603 = arith.addi %mul3A_458, %add3A_602 : i32
        %get3A_604 = arith.index_cast %add3A_603 : i32 to index
        %get3A_605 = arith.constant 48 : index
        %get3A_606 = tpu.vector_load %arg6[%get3A_604, %get3A_605] {strides = array<i32>} : memref<128x64xf32, #tpu.memory_space<vmem>>, vector<1x16xf32>,
        %get3A_607 = vector.shape_cast %get3A_606 : vector<1x16xf32> to vector<16xf32>
        %swap3A_608 = arith.index_cast %add3A_601 : i32 to index
        %swap3A_609 = arith.constant 48 : index
        %swap3A_610 = tpu.vector_load %arg9[%swap3A_608, %swap3A_609] {strides = array<i32>} : memref<128x128xf32, #tpu.memory_space<vmem>>, vector<1x16xf32>,
        %swap3A_611 = vector.shape_cast %swap3A_610 : vector<1x16xf32> to vector<16xf32>
        %swap3A_612 = vector.shape_cast %get3A_607 : vector<16xf32> to vector<1x16xf32>
        tpu.vector_store %arg9[%swap3A_608, %swap3A_609], %swap3A_612 {add = true, strides = array<i32>} : memref<128x128xf32, #tpu.memory_space<vmem>>, vector<1x16xf32>,
        %add3A_613 = arith.constant 3 : i32
        %add3A_614 = arith.addi %mul3A_458, %add3A_613 : i32
        %add3A_615 = arith.constant 3 : i32
        %add3A_616 = arith.addi %mul3A_458, %add3A_615 : i32
        %get3A_617 = arith.index_cast %add3A_616 : i32 to index
        %get3A_618 = arith.constant 0 : index
        %get3A_619 = tpu.vector_load %arg6[%get3A_617, %get3A_618] {strides = array<i32>} : memref<128x64xf32, #tpu.memory_space<vmem>>, vector<1x16xf32>,
        %get3A_620 = vector.shape_cast %get3A_619 : vector<1x16xf32> to vector<16xf32>
        %swap3A_621 = arith.index_cast %add3A_614 : i32 to index
        %swap3A_622 = arith.constant 0 : index
        %swap3A_623 = tpu.vector_load %arg9[%swap3A_621, %swap3A_622] {strides = array<i32>} : memref<128x128xf32, #tpu.memory_space<vmem>>, vector<1x16xf32>,
        %swap3A_624 = vector.shape_cast %swap3A_623 : vector<1x16xf32> to vector<16xf32>
        %swap3A_625 = vector.shape_cast %get3A_620 : vector<16xf32> to vector<1x16xf32>
        tpu.vector_store %arg9[%swap3A_621, %swap3A_622], %swap3A_625 {add = true, strides = array<i32>} : memref<128x128xf32, #tpu.memory_space<vmem>>, vector<1x16xf32>,
        %add3A_626 = arith.constant 3 : i32
        %add3A_627 = arith.addi %mul3A_458, %add3A_626 : i32
        %add3A_628 = arith.constant 3 : i32
        %add3A_629 = arith.addi %mul3A_458, %add3A_628 : i32
        %get3A_630 = arith.index_cast %add3A_629 : i32 to index
        %get3A_631 = arith.constant 16 : index
        %get3A_632 = tpu.vector_load %arg6[%get3A_630, %get3A_631] {strides = array<i32>} : memref<128x64xf32, #tpu.memory_space<vmem>>, vector<1x16xf32>,
        %get3A_633 = vector.shape_cast %get3A_632 : vector<1x16xf32> to vector<16xf32>
        %swap3A_634 = arith.index_cast %add3A_627 : i32 to index
        %swap3A_635 = arith.constant 16 : index
        %swap3A_636 = tpu.vector_load %arg9[%swap3A_634, %swap3A_635] {strides = array<i32>} : memref<128x128xf32, #tpu.memory_space<vmem>>, vector<1x16xf32>,
        %swap3A_637 = vector.shape_cast %swap3A_636 : vector<1x16xf32> to vector<16xf32>
        %swap3A_638 = vector.shape_cast %get3A_633 : vector<16xf32> to vector<1x16xf32>
        tpu.vector_store %arg9[%swap3A_634, %swap3A_635], %swap3A_638 {add = true, strides = array<i32>} : memref<128x128xf32, #tpu.memory_space<vmem>>, vector<1x16xf32>,
        %add3A_639 = arith.constant 3 : i32
        %add3A_640 = arith.addi %mul3A_458, %add3A_639 : i32
        %add3A_641 = arith.constant 3 : i32
        %add3A_642 = arith.addi %mul3A_458, %add3A_641 : i32
        %get3A_643 = arith.index_cast %add3A_642 : i32 to index
        %get3A_644 = arith.constant 32 : index
        %get3A_645 = tpu.vector_load %arg6[%get3A_643, %get3A_644] {strides = array<i32>} : memref<128x64xf32, #tpu.memory_space<vmem>>, vector<1x16xf32>,
        %get3A_646 = vector.shape_cast %get3A_645 : vector<1x16xf32> to vector<16xf32>
        %swap3A_647 = arith.index_cast %add3A_640 : i32 to index
        %swap3A_648 = arith.constant 32 : index
        %swap3A_649 = tpu.vector_load %arg9[%swap3A_647, %swap3A_648] {strides = array<i32>} : memref<128x128xf32, #tpu.memory_space<vmem>>, vector<1x16xf32>,
        %swap3A_650 = vector.shape_cast %swap3A_649 : vector<1x16xf32> to vector<16xf32>
        %swap3A_651 = vector.shape_cast %get3A_646 : vector<16xf32> to vector<1x16xf32>
        tpu.vector_store %arg9[%swap3A_647, %swap3A_648], %swap3A_651 {add = true, strides = array<i32>} : memref<128x128xf32, #tpu.memory_space<vmem>>, vector<1x16xf32>,
        %add3A_652 = arith.constant 3 : i32
        %add3A_653 = arith.addi %mul3A_458, %add3A_652 : i32
        %add3A_654 = arith.constant 3 : i32
        %add3A_655 = arith.addi %mul3A_458, %add3A_654 : i32
        %get3A_656 = arith.index_cast %add3A_655 : i32 to index
        %get3A_657 = arith.constant 48 : index
        %get3A_658 = tpu.vector_load %arg6[%get3A_656, %get3A_657] {strides = array<i32>} : memref<128x64xf32, #tpu.memory_space<vmem>>, vector<1x16xf32>,
        %get3A_659 = vector.shape_cast %get3A_658 : vector<1x16xf32> to vector<16xf32>
        %swap3A_660 = arith.index_cast %add3A_653 : i32 to index
        %swap3A_661 = arith.constant 48 : index
        %swap3A_662 = tpu.vector_load %arg9[%swap3A_660, %swap3A_661] {strides = array<i32>} : memref<128x128xf32, #tpu.memory_space<vmem>>, vector<1x16xf32>,
        %swap3A_663 = vector.shape_cast %swap3A_662 : vector<1x16xf32> to vector<16xf32>
        %swap3A_664 = vector.shape_cast %get3A_659 : vector<16xf32> to vector<1x16xf32>
        tpu.vector_store %arg9[%swap3A_660, %swap3A_661], %swap3A_664 {add = true, strides = array<i32>} : memref<128x128xf32, #tpu.memory_space<vmem>>, vector<1x16xf32>,
      }
      %scan3A_200 = arith.constant 32 : i32
      %add3A_201 = arith.addi %mul3A_34, %add3A_175 : i32
      %mul3A_202 = arith.constant 2048 : i32
      %mul3A_203 = arith.muli %add3A_201, %mul3A_202 : i32
      %add3A_204 = arith.addi %mul3A_203, %mul3A_11 : i32
      %dma_start3A_205 = arith.constant 0 : i32
      %dma_start3A_206 = tpu.memref_slice %arg5[%add3A_204, %dma_start3A_205] : memref<2097152x128xf32, #tpu.memory_space<hbm>> -> memref<128x128xf32, #tpu.memory_space<hbm>>
      %dma_start3A_207 = arith.constant 0 : i32
      %dma_start3A_208 = tpu.memref_slice %arg5[%add3A_204, %dma_start3A_207] : memref<2097152x128xf32, #tpu.memory_space<hbm>> -> memref<128x128xf32, #tpu.memory_space<hbm>>
      tpu.enqueue_dma source(%arg9 : memref<128x128xf32, #tpu.memory_space<vmem>>) target(%dma_start3A_208 : memref<128x128xf32, #tpu.memory_space<hbm>>) target_semaphore(%arg17 : memref<!tpu.dma_semaphore, #tpu.memory_space<semaphore_mem>>)
      %mul3A_209 = arith.constant 8 : i32
      %mul3A_210 = arith.muli %scan3A_98, %mul3A_209 : i32
      %add3A_211 = arith.constant 2 : i32
      %add3A_212 = arith.addi %mul3A_210, %add3A_211 : i32
      %sub3A_213 = arith.constant 2 : i32
      %sub3A_214 = arith.subi %add3A_212, %sub3A_213 : i32
      %add3A_215 = arith.addi %mul3A_34, %sub3A_214 : i32
      %mul3A_216 = arith.constant 2048 : i32
      %mul3A_217 = arith.muli %add3A_215, %mul3A_216 : i32
      %add3A_218 = arith.addi %mul3A_217, %mul3A_11 : i32
      %dma_wait3A_219 = arith.constant 0 : i32
      %dma_wait3A_220 = tpu.memref_slice %arg5[%add3A_218, %dma_wait3A_219] : memref<2097152x128xf32, #tpu.memory_space<hbm>> -> memref<128x128xf32, #tpu.memory_space<hbm>>
      %dma_wait3A_221 = arith.constant 0 : i32
      %dma_wait3A_222 = tpu.memref_slice %arg5[%add3A_218, %dma_wait3A_221] : memref<2097152x128xf32, #tpu.memory_space<hbm>> -> memref<128x128xf32, #tpu.memory_space<hbm>>
      tpu.wait_dma2 semaphore(%arg16 : memref<!tpu.dma_semaphore, #tpu.memory_space<semaphore_mem>>) src(%arg8 : memref<128x128xf32, #tpu.memory_space<vmem>>) dst(%dma_wait3A_222 : memref<128x128xf32, #tpu.memory_space<hbm>>)
      %dma_start3A_223 = arith.constant 4 : i32
      %dma_start3A_224 = arith.constant 0 : i32
      %dma_start3A_225 = tpu.memref_slice %arg7[%select_n3A_114, %dma_start3A_223, %dma_start3A_224] : memref<2x8x128xi32, #tpu.memory_space<vmem>> -> memref<1x1x128xi32, #tpu.memory_space<vmem>>
      %dma_start3A_226 = tpu.memref_squeeze %dma_start3A_225 : memref<1x1x128xi32, #tpu.memory_space<vmem>> -> memref<128xi32, #tpu.memory_space<vmem>>
      %dma_start3A_227 = arith.constant 0 : i32
      %dma_start3A_228 = arith.constant 0 : i32
      %dma_start3A_229 = tpu.memref_slice %arg3[%dma_start3A_227, %dma_start3A_228] : memref<1000000x128xf32, #tpu.memory_space<hbm>> -> memref<1000000x128xf32, #tpu.memory_space<hbm>>
      tpu.enqueue_indirect_dma source(%dma_start3A_229 : memref<1000000x128xf32, #tpu.memory_space<hbm>>) target(%arg8 : memref<128x128xf32, #tpu.memory_space<vmem>>) offsets(%dma_start3A_226 : memref<128xi32, #tpu.memory_space<vmem>>) semaphore(%arg12 : memref<!tpu.dma_semaphore, #tpu.memory_space<semaphore_mem>>)
      %dma_wait3A_230 = arith.constant 2 : i32
      %dma_wait3A_231 = arith.constant 0 : i32
      %dma_wait3A_232 = tpu.memref_slice %arg7[%select_n3A_114, %dma_wait3A_230, %dma_wait3A_231] : memref<2x8x128xi32, #tpu.memory_space<vmem>> -> memref<1x1x128xi32, #tpu.memory_space<vmem>>
      %dma_wait3A_233 = tpu.memref_squeeze %dma_wait3A_232 : memref<1x1x128xi32, #tpu.memory_space<vmem>> -> memref<128xi32, #tpu.memory_space<vmem>>
      %dma_wait3A_234 = arith.constant 0 : i32
      %dma_wait3A_235 = arith.constant 0 : i32
      %dma_wait3A_236 = tpu.memref_slice %arg3[%dma_wait3A_234, %dma_wait3A_235] : memref<1000000x128xf32, #tpu.memory_space<hbm>> -> memref<1000000x128xf32, #tpu.memory_space<hbm>>
      tpu.wait_indirect_dma semaphore(%arg14 : memref<!tpu.dma_semaphore, #tpu.memory_space<semaphore_mem>>) src(%dma_wait3A_236 : memref<1000000x128xf32, #tpu.memory_space<hbm>>) dst(%arg10 : memref<128x128xf32, #tpu.memory_space<vmem>>)
      %scan3A_237 = arith.constant 0 : i32
      %scan3A_238 = arith.constant 0 : i32
      %scan3A_239 = arith.constant 32 : i32
      %scan3A_240 = arith.addi %scan3A_238, %scan3A_239 : i32
      %scan3A_241 = arith.constant 1 : i32
      scf.for %scan3A_456 = %scan3A_238 to %scan3A_240 step %scan3A_241  : i32 {
        %mul3A_457 = arith.constant 4 : i32
        %mul3A_458 = arith.muli %scan3A_456, %mul3A_457 : i32
        %add3A_459 = arith.constant 0 : i32
        %add3A_460 = arith.addi %mul3A_458, %add3A_459 : i32
        %add3A_461 = arith.constant 0 : i32
        %add3A_462 = arith.addi %mul3A_458, %add3A_461 : i32
        %get3A = arith.index_cast %add3A_462 : i32 to index
        %get3A_463 = arith.constant 0 : index
        %get3A_464 = tpu.vector_load %arg6[%get3A, %get3A_463] {strides = array<i32>} : memref<128x64xf32, #tpu.memory_space<vmem>>, vector<1x16xf32>,
        %get3A_465 = vector.shape_cast %get3A_464 : vector<1x16xf32> to vector<16xf32>
        %swap3A = arith.index_cast %add3A_460 : i32 to index
        %swap3A_466 = arith.constant 0 : index
        %swap3A_467 = tpu.vector_load %arg10[%swap3A, %swap3A_466] {strides = array<i32>} : memref<128x128xf32, #tpu.memory_space<vmem>>, vector<1x16xf32>,
        %swap3A_468 = vector.shape_cast %swap3A_467 : vector<1x16xf32> to vector<16xf32>
        %swap3A_469 = vector.shape_cast %get3A_465 : vector<16xf32> to vector<1x16xf32>
        tpu.vector_store %arg10[%swap3A, %swap3A_466], %swap3A_469 {add = true, strides = array<i32>} : memref<128x128xf32, #tpu.memory_space<vmem>>, vector<1x16xf32>,
        %add3A_470 = arith.constant 0 : i32
        %add3A_471 = arith.addi %mul3A_458, %add3A_470 : i32
        %add3A_472 = arith.constant 0 : i32
        %add3A_473 = arith.addi %mul3A_458, %add3A_472 : i32
        %get3A_474 = arith.index_cast %add3A_473 : i32 to index
        %get3A_475 = arith.constant 16 : index
        %get3A_476 = tpu.vector_load %arg6[%get3A_474, %get3A_475] {strides = array<i32>} : memref<128x64xf32, #tpu.memory_space<vmem>>, vector<1x16xf32>,
        %get3A_477 = vector.shape_cast %get3A_476 : vector<1x16xf32> to vector<16xf32>
        %swap3A_478 = arith.index_cast %add3A_471 : i32 to index
        %swap3A_479 = arith.constant 16 : index
        %swap3A_480 = tpu.vector_load %arg10[%swap3A_478, %swap3A_479] {strides = array<i32>} : memref<128x128xf32, #tpu.memory_space<vmem>>, vector<1x16xf32>,
        %swap3A_481 = vector.shape_cast %swap3A_480 : vector<1x16xf32> to vector<16xf32>
        %swap3A_482 = vector.shape_cast %get3A_477 : vector<16xf32> to vector<1x16xf32>
        tpu.vector_store %arg10[%swap3A_478, %swap3A_479], %swap3A_482 {add = true, strides = array<i32>} : memref<128x128xf32, #tpu.memory_space<vmem>>, vector<1x16xf32>,
        %add3A_483 = arith.constant 0 : i32
        %add3A_484 = arith.addi %mul3A_458, %add3A_483 : i32
        %add3A_485 = arith.constant 0 : i32
        %add3A_486 = arith.addi %mul3A_458, %add3A_485 : i32
        %get3A_487 = arith.index_cast %add3A_486 : i32 to index
        %get3A_488 = arith.constant 32 : index
        %get3A_489 = tpu.vector_load %arg6[%get3A_487, %get3A_488] {strides = array<i32>} : memref<128x64xf32, #tpu.memory_space<vmem>>, vector<1x16xf32>,
        %get3A_490 = vector.shape_cast %get3A_489 : vector<1x16xf32> to vector<16xf32>
        %swap3A_491 = arith.index_cast %add3A_484 : i32 to index
        %swap3A_492 = arith.constant 32 : index
        %swap3A_493 = tpu.vector_load %arg10[%swap3A_491, %swap3A_492] {strides = array<i32>} : memref<128x128xf32, #tpu.memory_space<vmem>>, vector<1x16xf32>,
        %swap3A_494 = vector.shape_cast %swap3A_493 : vector<1x16xf32> to vector<16xf32>
        %swap3A_495 = vector.shape_cast %get3A_490 : vector<16xf32> to vector<1x16xf32>
        tpu.vector_store %arg10[%swap3A_491, %swap3A_492], %swap3A_495 {add = true, strides = array<i32>} : memref<128x128xf32, #tpu.memory_space<vmem>>, vector<1x16xf32>,
        %add3A_496 = arith.constant 0 : i32
        %add3A_497 = arith.addi %mul3A_458, %add3A_496 : i32
        %add3A_498 = arith.constant 0 : i32
        %add3A_499 = arith.addi %mul3A_458, %add3A_498 : i32
        %get3A_500 = arith.index_cast %add3A_499 : i32 to index
        %get3A_501 = arith.constant 48 : index
        %get3A_502 = tpu.vector_load %arg6[%get3A_500, %get3A_501] {strides = array<i32>} : memref<128x64xf32, #tpu.memory_space<vmem>>, vector<1x16xf32>,
        %get3A_503 = vector.shape_cast %get3A_502 : vector<1x16xf32> to vector<16xf32>
        %swap3A_504 = arith.index_cast %add3A_497 : i32 to index
        %swap3A_505 = arith.constant 48 : index
        %swap3A_506 = tpu.vector_load %arg10[%swap3A_504, %swap3A_505] {strides = array<i32>} : memref<128x128xf32, #tpu.memory_space<vmem>>, vector<1x16xf32>,
        %swap3A_507 = vector.shape_cast %swap3A_506 : vector<1x16xf32> to vector<16xf32>
        %swap3A_508 = vector.shape_cast %get3A_503 : vector<16xf32> to vector<1x16xf32>
        tpu.vector_store %arg10[%swap3A_504, %swap3A_505], %swap3A_508 {add = true, strides = array<i32>} : memref<128x128xf32, #tpu.memory_space<vmem>>, vector<1x16xf32>,
        %add3A_509 = arith.constant 1 : i32
        %add3A_510 = arith.addi %mul3A_458, %add3A_509 : i32
        %add3A_511 = arith.constant 1 : i32
        %add3A_512 = arith.addi %mul3A_458, %add3A_511 : i32
        %get3A_513 = arith.index_cast %add3A_512 : i32 to index
        %get3A_514 = arith.constant 0 : index
        %get3A_515 = tpu.vector_load %arg6[%get3A_513, %get3A_514] {strides = array<i32>} : memref<128x64xf32, #tpu.memory_space<vmem>>, vector<1x16xf32>,
        %get3A_516 = vector.shape_cast %get3A_515 : vector<1x16xf32> to vector<16xf32>
        %swap3A_517 = arith.index_cast %add3A_510 : i32 to index
        %swap3A_518 = arith.constant 0 : index
        %swap3A_519 = tpu.vector_load %arg10[%swap3A_517, %swap3A_518] {strides = array<i32>} : memref<128x128xf32, #tpu.memory_space<vmem>>, vector<1x16xf32>,
        %swap3A_520 = vector.shape_cast %swap3A_519 : vector<1x16xf32> to vector<16xf32>
        %swap3A_521 = vector.shape_cast %get3A_516 : vector<16xf32> to vector<1x16xf32>
        tpu.vector_store %arg10[%swap3A_517, %swap3A_518], %swap3A_521 {add = true, strides = array<i32>} : memref<128x128xf32, #tpu.memory_space<vmem>>, vector<1x16xf32>,
        %add3A_522 = arith.constant 1 : i32
        %add3A_523 = arith.addi %mul3A_458, %add3A_522 : i32
        %add3A_524 = arith.constant 1 : i32
        %add3A_525 = arith.addi %mul3A_458, %add3A_524 : i32
        %get3A_526 = arith.index_cast %add3A_525 : i32 to index
        %get3A_527 = arith.constant 16 : index
        %get3A_528 = tpu.vector_load %arg6[%get3A_526, %get3A_527] {strides = array<i32>} : memref<128x64xf32, #tpu.memory_space<vmem>>, vector<1x16xf32>,
        %get3A_529 = vector.shape_cast %get3A_528 : vector<1x16xf32> to vector<16xf32>
        %swap3A_530 = arith.index_cast %add3A_523 : i32 to index
        %swap3A_531 = arith.constant 16 : index
        %swap3A_532 = tpu.vector_load %arg10[%swap3A_530, %swap3A_531] {strides = array<i32>} : memref<128x128xf32, #tpu.memory_space<vmem>>, vector<1x16xf32>,
        %swap3A_533 = vector.shape_cast %swap3A_532 : vector<1x16xf32> to vector<16xf32>
        %swap3A_534 = vector.shape_cast %get3A_529 : vector<16xf32> to vector<1x16xf32>
        tpu.vector_store %arg10[%swap3A_530, %swap3A_531], %swap3A_534 {add = true, strides = array<i32>} : memref<128x128xf32, #tpu.memory_space<vmem>>, vector<1x16xf32>,
        %add3A_535 = arith.constant 1 : i32
        %add3A_536 = arith.addi %mul3A_458, %add3A_535 : i32
        %add3A_537 = arith.constant 1 : i32
        %add3A_538 = arith.addi %mul3A_458, %add3A_537 : i32
        %get3A_539 = arith.index_cast %add3A_538 : i32 to index
        %get3A_540 = arith.constant 32 : index
        %get3A_541 = tpu.vector_load %arg6[%get3A_539, %get3A_540] {strides = array<i32>} : memref<128x64xf32, #tpu.memory_space<vmem>>, vector<1x16xf32>,
        %get3A_542 = vector.shape_cast %get3A_541 : vector<1x16xf32> to vector<16xf32>
        %swap3A_543 = arith.index_cast %add3A_536 : i32 to index
        %swap3A_544 = arith.constant 32 : index
        %swap3A_545 = tpu.vector_load %arg10[%swap3A_543, %swap3A_544] {strides = array<i32>} : memref<128x128xf32, #tpu.memory_space<vmem>>, vector<1x16xf32>,
        %swap3A_546 = vector.shape_cast %swap3A_545 : vector<1x16xf32> to vector<16xf32>
        %swap3A_547 = vector.shape_cast %get3A_542 : vector<16xf32> to vector<1x16xf32>
        tpu.vector_store %arg10[%swap3A_543, %swap3A_544], %swap3A_547 {add = true, strides = array<i32>} : memref<128x128xf32, #tpu.memory_space<vmem>>, vector<1x16xf32>,
        %add3A_548 = arith.constant 1 : i32
        %add3A_549 = arith.addi %mul3A_458, %add3A_548 : i32
        %add3A_550 = arith.constant 1 : i32
        %add3A_551 = arith.addi %mul3A_458, %add3A_550 : i32
        %get3A_552 = arith.index_cast %add3A_551 : i32 to index
        %get3A_553 = arith.constant 48 : index
        %get3A_554 = tpu.vector_load %arg6[%get3A_552, %get3A_553] {strides = array<i32>} : memref<128x64xf32, #tpu.memory_space<vmem>>, vector<1x16xf32>,
        %get3A_555 = vector.shape_cast %get3A_554 : vector<1x16xf32> to vector<16xf32>
        %swap3A_556 = arith.index_cast %add3A_549 : i32 to index
        %swap3A_557 = arith.constant 48 : index
        %swap3A_558 = tpu.vector_load %arg10[%swap3A_556, %swap3A_557] {strides = array<i32>} : memref<128x128xf32, #tpu.memory_space<vmem>>, vector<1x16xf32>,
        %swap3A_559 = vector.shape_cast %swap3A_558 : vector<1x16xf32> to vector<16xf32>
        %swap3A_560 = vector.shape_cast %get3A_555 : vector<16xf32> to vector<1x16xf32>
        tpu.vector_store %arg10[%swap3A_556, %swap3A_557], %swap3A_560 {add = true, strides = array<i32>} : memref<128x128xf32, #tpu.memory_space<vmem>>, vector<1x16xf32>,
        %add3A_561 = arith.constant 2 : i32
        %add3A_562 = arith.addi %mul3A_458, %add3A_561 : i32
        %add3A_563 = arith.constant 2 : i32
        %add3A_564 = arith.addi %mul3A_458, %add3A_563 : i32
        %get3A_565 = arith.index_cast %add3A_564 : i32 to index
        %get3A_566 = arith.constant 0 : index
        %get3A_567 = tpu.vector_load %arg6[%get3A_565, %get3A_566] {strides = array<i32>} : memref<128x64xf32, #tpu.memory_space<vmem>>, vector<1x16xf32>,
        %get3A_568 = vector.shape_cast %get3A_567 : vector<1x16xf32> to vector<16xf32>
        %swap3A_569 = arith.index_cast %add3A_562 : i32 to index
        %swap3A_570 = arith.constant 0 : index
        %swap3A_571 = tpu.vector_load %arg10[%swap3A_569, %swap3A_570] {strides = array<i32>} : memref<128x128xf32, #tpu.memory_space<vmem>>, vector<1x16xf32>,
        %swap3A_572 = vector.shape_cast %swap3A_571 : vector<1x16xf32> to vector<16xf32>
        %swap3A_573 = vector.shape_cast %get3A_568 : vector<16xf32> to vector<1x16xf32>
        tpu.vector_store %arg10[%swap3A_569, %swap3A_570], %swap3A_573 {add = true, strides = array<i32>} : memref<128x128xf32, #tpu.memory_space<vmem>>, vector<1x16xf32>,
        %add3A_574 = arith.constant 2 : i32
        %add3A_575 = arith.addi %mul3A_458, %add3A_574 : i32
        %add3A_576 = arith.constant 2 : i32
        %add3A_577 = arith.addi %mul3A_458, %add3A_576 : i32
        %get3A_578 = arith.index_cast %add3A_577 : i32 to index
        %get3A_579 = arith.constant 16 : index
        %get3A_580 = tpu.vector_load %arg6[%get3A_578, %get3A_579] {strides = array<i32>} : memref<128x64xf32, #tpu.memory_space<vmem>>, vector<1x16xf32>,
        %get3A_581 = vector.shape_cast %get3A_580 : vector<1x16xf32> to vector<16xf32>
        %swap3A_582 = arith.index_cast %add3A_575 : i32 to index
        %swap3A_583 = arith.constant 16 : index
        %swap3A_584 = tpu.vector_load %arg10[%swap3A_582, %swap3A_583] {strides = array<i32>} : memref<128x128xf32, #tpu.memory_space<vmem>>, vector<1x16xf32>,
        %swap3A_585 = vector.shape_cast %swap3A_584 : vector<1x16xf32> to vector<16xf32>
        %swap3A_586 = vector.shape_cast %get3A_581 : vector<16xf32> to vector<1x16xf32>
        tpu.vector_store %arg10[%swap3A_582, %swap3A_583], %swap3A_586 {add = true, strides = array<i32>} : memref<128x128xf32, #tpu.memory_space<vmem>>, vector<1x16xf32>,
        %add3A_587 = arith.constant 2 : i32
        %add3A_588 = arith.addi %mul3A_458, %add3A_587 : i32
        %add3A_589 = arith.constant 2 : i32
        %add3A_590 = arith.addi %mul3A_458, %add3A_589 : i32
        %get3A_591 = arith.index_cast %add3A_590 : i32 to index
        %get3A_592 = arith.constant 32 : index
        %get3A_593 = tpu.vector_load %arg6[%get3A_591, %get3A_592] {strides = array<i32>} : memref<128x64xf32, #tpu.memory_space<vmem>>, vector<1x16xf32>,
        %get3A_594 = vector.shape_cast %get3A_593 : vector<1x16xf32> to vector<16xf32>
        %swap3A_595 = arith.index_cast %add3A_588 : i32 to index
        %swap3A_596 = arith.constant 32 : index
        %swap3A_597 = tpu.vector_load %arg10[%swap3A_595, %swap3A_596] {strides = array<i32>} : memref<128x128xf32, #tpu.memory_space<vmem>>, vector<1x16xf32>,
        %swap3A_598 = vector.shape_cast %swap3A_597 : vector<1x16xf32> to vector<16xf32>
        %swap3A_599 = vector.shape_cast %get3A_594 : vector<16xf32> to vector<1x16xf32>
        tpu.vector_store %arg10[%swap3A_595, %swap3A_596], %swap3A_599 {add = true, strides = array<i32>} : memref<128x128xf32, #tpu.memory_space<vmem>>, vector<1x16xf32>,
        %add3A_600 = arith.constant 2 : i32
        %add3A_601 = arith.addi %mul3A_458, %add3A_600 : i32
        %add3A_602 = arith.constant 2 : i32
        %add3A_603 = arith.addi %mul3A_458, %add3A_602 : i32
        %get3A_604 = arith.index_cast %add3A_603 : i32 to index
        %get3A_605 = arith.constant 48 : index
        %get3A_606 = tpu.vector_load %arg6[%get3A_604, %get3A_605] {strides = array<i32>} : memref<128x64xf32, #tpu.memory_space<vmem>>, vector<1x16xf32>,
        %get3A_607 = vector.shape_cast %get3A_606 : vector<1x16xf32> to vector<16xf32>
        %swap3A_608 = arith.index_cast %add3A_601 : i32 to index
        %swap3A_609 = arith.constant 48 : index
        %swap3A_610 = tpu.vector_load %arg10[%swap3A_608, %swap3A_609] {strides = array<i32>} : memref<128x128xf32, #tpu.memory_space<vmem>>, vector<1x16xf32>,
        %swap3A_611 = vector.shape_cast %swap3A_610 : vector<1x16xf32> to vector<16xf32>
        %swap3A_612 = vector.shape_cast %get3A_607 : vector<16xf32> to vector<1x16xf32>
        tpu.vector_store %arg10[%swap3A_608, %swap3A_609], %swap3A_612 {add = true, strides = array<i32>} : memref<128x128xf32, #tpu.memory_space<vmem>>, vector<1x16xf32>,
        %add3A_613 = arith.constant 3 : i32
        %add3A_614 = arith.addi %mul3A_458, %add3A_613 : i32
        %add3A_615 = arith.constant 3 : i32
        %add3A_616 = arith.addi %mul3A_458, %add3A_615 : i32
        %get3A_617 = arith.index_cast %add3A_616 : i32 to index
        %get3A_618 = arith.constant 0 : index
        %get3A_619 = tpu.vector_load %arg6[%get3A_617, %get3A_618] {strides = array<i32>} : memref<128x64xf32, #tpu.memory_space<vmem>>, vector<1x16xf32>,
        %get3A_620 = vector.shape_cast %get3A_619 : vector<1x16xf32> to vector<16xf32>
        %swap3A_621 = arith.index_cast %add3A_614 : i32 to index
        %swap3A_622 = arith.constant 0 : index
        %swap3A_623 = tpu.vector_load %arg10[%swap3A_621, %swap3A_622] {strides = array<i32>} : memref<128x128xf32, #tpu.memory_space<vmem>>, vector<1x16xf32>,
        %swap3A_624 = vector.shape_cast %swap3A_623 : vector<1x16xf32> to vector<16xf32>
        %swap3A_625 = vector.shape_cast %get3A_620 : vector<16xf32> to vector<1x16xf32>
        tpu.vector_store %arg10[%swap3A_621, %swap3A_622], %swap3A_625 {add = true, strides = array<i32>} : memref<128x128xf32, #tpu.memory_space<vmem>>, vector<1x16xf32>,
        %add3A_626 = arith.constant 3 : i32
        %add3A_627 = arith.addi %mul3A_458, %add3A_626 : i32
        %add3A_628 = arith.constant 3 : i32
        %add3A_629 = arith.addi %mul3A_458, %add3A_628 : i32
        %get3A_630 = arith.index_cast %add3A_629 : i32 to index
        %get3A_631 = arith.constant 16 : index
        %get3A_632 = tpu.vector_load %arg6[%get3A_630, %get3A_631] {strides = array<i32>} : memref<128x64xf32, #tpu.memory_space<vmem>>, vector<1x16xf32>,
        %get3A_633 = vector.shape_cast %get3A_632 : vector<1x16xf32> to vector<16xf32>
        %swap3A_634 = arith.index_cast %add3A_627 : i32 to index
        %swap3A_635 = arith.constant 16 : index
        %swap3A_636 = tpu.vector_load %arg10[%swap3A_634, %swap3A_635] {strides = array<i32>} : memref<128x128xf32, #tpu.memory_space<vmem>>, vector<1x16xf32>,
        %swap3A_637 = vector.shape_cast %swap3A_636 : vector<1x16xf32> to vector<16xf32>
        %swap3A_638 = vector.shape_cast %get3A_633 : vector<16xf32> to vector<1x16xf32>
        tpu.vector_store %arg10[%swap3A_634, %swap3A_635], %swap3A_638 {add = true, strides = array<i32>} : memref<128x128xf32, #tpu.memory_space<vmem>>, vector<1x16xf32>,
        %add3A_639 = arith.constant 3 : i32
        %add3A_640 = arith.addi %mul3A_458, %add3A_639 : i32
        %add3A_641 = arith.constant 3 : i32
        %add3A_642 = arith.addi %mul3A_458, %add3A_641 : i32
        %get3A_643 = arith.index_cast %add3A_642 : i32 to index
        %get3A_644 = arith.constant 32 : index
        %get3A_645 = tpu.vector_load %arg6[%get3A_643, %get3A_644] {strides = array<i32>} : memref<128x64xf32, #tpu.memory_space<vmem>>, vector<1x16xf32>,
        %get3A_646 = vector.shape_cast %get3A_645 : vector<1x16xf32> to vector<16xf32>
        %swap3A_647 = arith.index_cast %add3A_640 : i32 to index
        %swap3A_648 = arith.constant 32 : index
        %swap3A_649 = tpu.vector_load %arg10[%swap3A_647, %swap3A_648] {strides = array<i32>} : memref<128x128xf32, #tpu.memory_space<vmem>>, vector<1x16xf32>,
        %swap3A_650 = vector.shape_cast %swap3A_649 : vector<1x16xf32> to vector<16xf32>
        %swap3A_651 = vector.shape_cast %get3A_646 : vector<16xf32> to vector<1x16xf32>
        tpu.vector_store %arg10[%swap3A_647, %swap3A_648], %swap3A_651 {add = true, strides = array<i32>} : memref<128x128xf32, #tpu.memory_space<vmem>>, vector<1x16xf32>,
        %add3A_652 = arith.constant 3 : i32
        %add3A_653 = arith.addi %mul3A_458, %add3A_652 : i32
        %add3A_654 = arith.constant 3 : i32
        %add3A_655 = arith.addi %mul3A_458, %add3A_654 : i32
        %get3A_656 = arith.index_cast %add3A_655 : i32 to index
        %get3A_657 = arith.constant 48 : index
        %get3A_658 = tpu.vector_load %arg6[%get3A_656, %get3A_657] {strides = array<i32>} : memref<128x64xf32, #tpu.memory_space<vmem>>, vector<1x16xf32>,
        %get3A_659 = vector.shape_cast %get3A_658 : vector<1x16xf32> to vector<16xf32>
        %swap3A_660 = arith.index_cast %add3A_653 : i32 to index
        %swap3A_661 = arith.constant 48 : index
        %swap3A_662 = tpu.vector_load %arg10[%swap3A_660, %swap3A_661] {strides = array<i32>} : memref<128x128xf32, #tpu.memory_space<vmem>>, vector<1x16xf32>,
        %swap3A_663 = vector.shape_cast %swap3A_662 : vector<1x16xf32> to vector<16xf32>
        %swap3A_664 = vector.shape_cast %get3A_659 : vector<16xf32> to vector<1x16xf32>
        tpu.vector_store %arg10[%swap3A_660, %swap3A_661], %swap3A_664 {add = true, strides = array<i32>} : memref<128x128xf32, #tpu.memory_space<vmem>>, vector<1x16xf32>,
      }
      %scan3A_242 = arith.constant 32 : i32
      %add3A_243 = arith.addi %mul3A_34, %add3A_212 : i32
      %mul3A_244 = arith.constant 2048 : i32
      %mul3A_245 = arith.muli %add3A_243, %mul3A_244 : i32
      %add3A_246 = arith.addi %mul3A_245, %mul3A_11 : i32
      %dma_start3A_247 = arith.constant 0 : i32
      %dma_start3A_248 = tpu.memref_slice %arg5[%add3A_246, %dma_start3A_247] : memref<2097152x128xf32, #tpu.memory_space<hbm>> -> memref<128x128xf32, #tpu.memory_space<hbm>>
      %dma_start3A_249 = arith.constant 0 : i32
      %dma_start3A_250 = tpu.memref_slice %arg5[%add3A_246, %dma_start3A_249] : memref<2097152x128xf32, #tpu.memory_space<hbm>> -> memref<128x128xf32, #tpu.memory_space<hbm>>
      tpu.enqueue_dma source(%arg10 : memref<128x128xf32, #tpu.memory_space<vmem>>) target(%dma_start3A_250 : memref<128x128xf32, #tpu.memory_space<hbm>>) target_semaphore(%arg18 : memref<!tpu.dma_semaphore, #tpu.memory_space<semaphore_mem>>)
      %mul3A_251 = arith.constant 8 : i32
      %mul3A_252 = arith.muli %scan3A_98, %mul3A_251 : i32
      %add3A_253 = arith.constant 3 : i32
      %add3A_254 = arith.addi %mul3A_252, %add3A_253 : i32
      %sub3A_255 = arith.constant 2 : i32
      %sub3A_256 = arith.subi %add3A_254, %sub3A_255 : i32
      %add3A_257 = arith.addi %mul3A_34, %sub3A_256 : i32
      %mul3A_258 = arith.constant 2048 : i32
      %mul3A_259 = arith.muli %add3A_257, %mul3A_258 : i32
      %add3A_260 = arith.addi %mul3A_259, %mul3A_11 : i32
      %dma_wait3A_261 = arith.constant 0 : i32
      %dma_wait3A_262 = tpu.memref_slice %arg5[%add3A_260, %dma_wait3A_261] : memref<2097152x128xf32, #tpu.memory_space<hbm>> -> memref<128x128xf32, #tpu.memory_space<hbm>>
      %dma_wait3A_263 = arith.constant 0 : i32
      %dma_wait3A_264 = tpu.memref_slice %arg5[%add3A_260, %dma_wait3A_263] : memref<2097152x128xf32, #tpu.memory_space<hbm>> -> memref<128x128xf32, #tpu.memory_space<hbm>>
      tpu.wait_dma2 semaphore(%arg17 : memref<!tpu.dma_semaphore, #tpu.memory_space<semaphore_mem>>) src(%arg9 : memref<128x128xf32, #tpu.memory_space<vmem>>) dst(%dma_wait3A_264 : memref<128x128xf32, #tpu.memory_space<hbm>>)
      %dma_start3A_265 = arith.constant 5 : i32
      %dma_start3A_266 = arith.constant 0 : i32
      %dma_start3A_267 = tpu.memref_slice %arg7[%select_n3A_114, %dma_start3A_265, %dma_start3A_266] : memref<2x8x128xi32, #tpu.memory_space<vmem>> -> memref<1x1x128xi32, #tpu.memory_space<vmem>>
      %dma_start3A_268 = tpu.memref_squeeze %dma_start3A_267 : memref<1x1x128xi32, #tpu.memory_space<vmem>> -> memref<128xi32, #tpu.memory_space<vmem>>
      %dma_start3A_269 = arith.constant 0 : i32
      %dma_start3A_270 = arith.constant 0 : i32
      %dma_start3A_271 = tpu.memref_slice %arg3[%dma_start3A_269, %dma_start3A_270] : memref<1000000x128xf32, #tpu.memory_space<hbm>> -> memref<1000000x128xf32, #tpu.memory_space<hbm>>
      tpu.enqueue_indirect_dma source(%dma_start3A_271 : memref<1000000x128xf32, #tpu.memory_space<hbm>>) target(%arg9 : memref<128x128xf32, #tpu.memory_space<vmem>>) offsets(%dma_start3A_268 : memref<128xi32, #tpu.memory_space<vmem>>) semaphore(%arg13 : memref<!tpu.dma_semaphore, #tpu.memory_space<semaphore_mem>>)
      %dma_wait3A_272 = arith.constant 3 : i32
      %dma_wait3A_273 = arith.constant 0 : i32
      %dma_wait3A_274 = tpu.memref_slice %arg7[%select_n3A_114, %dma_wait3A_272, %dma_wait3A_273] : memref<2x8x128xi32, #tpu.memory_space<vmem>> -> memref<1x1x128xi32, #tpu.memory_space<vmem>>
      %dma_wait3A_275 = tpu.memref_squeeze %dma_wait3A_274 : memref<1x1x128xi32, #tpu.memory_space<vmem>> -> memref<128xi32, #tpu.memory_space<vmem>>
      %dma_wait3A_276 = arith.constant 0 : i32
      %dma_wait3A_277 = arith.constant 0 : i32
      %dma_wait3A_278 = tpu.memref_slice %arg3[%dma_wait3A_276, %dma_wait3A_277] : memref<1000000x128xf32, #tpu.memory_space<hbm>> -> memref<1000000x128xf32, #tpu.memory_space<hbm>>
      tpu.wait_indirect_dma semaphore(%arg15 : memref<!tpu.dma_semaphore, #tpu.memory_space<semaphore_mem>>) src(%dma_wait3A_278 : memref<1000000x128xf32, #tpu.memory_space<hbm>>) dst(%arg11 : memref<128x128xf32, #tpu.memory_space<vmem>>)
      %scan3A_279 = arith.constant 0 : i32
      %scan3A_280 = arith.constant 0 : i32
      %scan3A_281 = arith.constant 32 : i32
      %scan3A_282 = arith.addi %scan3A_280, %scan3A_281 : i32
      %scan3A_283 = arith.constant 1 : i32
      scf.for %scan3A_456 = %scan3A_280 to %scan3A_282 step %scan3A_283  : i32 {
        %mul3A_457 = arith.constant 4 : i32
        %mul3A_458 = arith.muli %scan3A_456, %mul3A_457 : i32
        %add3A_459 = arith.constant 0 : i32
        %add3A_460 = arith.addi %mul3A_458, %add3A_459 : i32
        %add3A_461 = arith.constant 0 : i32
        %add3A_462 = arith.addi %mul3A_458, %add3A_461 : i32
        %get3A = arith.index_cast %add3A_462 : i32 to index
        %get3A_463 = arith.constant 0 : index
        %get3A_464 = tpu.vector_load %arg6[%get3A, %get3A_463] {strides = array<i32>} : memref<128x64xf32, #tpu.memory_space<vmem>>, vector<1x16xf32>,
        %get3A_465 = vector.shape_cast %get3A_464 : vector<1x16xf32> to vector<16xf32>
        %swap3A = arith.index_cast %add3A_460 : i32 to index
        %swap3A_466 = arith.constant 0 : index
        %swap3A_467 = tpu.vector_load %arg11[%swap3A, %swap3A_466] {strides = array<i32>} : memref<128x128xf32, #tpu.memory_space<vmem>>, vector<1x16xf32>,
        %swap3A_468 = vector.shape_cast %swap3A_467 : vector<1x16xf32> to vector<16xf32>
        %swap3A_469 = vector.shape_cast %get3A_465 : vector<16xf32> to vector<1x16xf32>
        tpu.vector_store %arg11[%swap3A, %swap3A_466], %swap3A_469 {add = true, strides = array<i32>} : memref<128x128xf32, #tpu.memory_space<vmem>>, vector<1x16xf32>,
        %add3A_470 = arith.constant 0 : i32
        %add3A_471 = arith.addi %mul3A_458, %add3A_470 : i32
        %add3A_472 = arith.constant 0 : i32
        %add3A_473 = arith.addi %mul3A_458, %add3A_472 : i32
        %get3A_474 = arith.index_cast %add3A_473 : i32 to index
        %get3A_475 = arith.constant 16 : index
        %get3A_476 = tpu.vector_load %arg6[%get3A_474, %get3A_475] {strides = array<i32>} : memref<128x64xf32, #tpu.memory_space<vmem>>, vector<1x16xf32>,
        %get3A_477 = vector.shape_cast %get3A_476 : vector<1x16xf32> to vector<16xf32>
        %swap3A_478 = arith.index_cast %add3A_471 : i32 to index
        %swap3A_479 = arith.constant 16 : index
        %swap3A_480 = tpu.vector_load %arg11[%swap3A_478, %swap3A_479] {strides = array<i32>} : memref<128x128xf32, #tpu.memory_space<vmem>>, vector<1x16xf32>,
        %swap3A_481 = vector.shape_cast %swap3A_480 : vector<1x16xf32> to vector<16xf32>
        %swap3A_482 = vector.shape_cast %get3A_477 : vector<16xf32> to vector<1x16xf32>
        tpu.vector_store %arg11[%swap3A_478, %swap3A_479], %swap3A_482 {add = true, strides = array<i32>} : memref<128x128xf32, #tpu.memory_space<vmem>>, vector<1x16xf32>,
        %add3A_483 = arith.constant 0 : i32
        %add3A_484 = arith.addi %mul3A_458, %add3A_483 : i32
        %add3A_485 = arith.constant 0 : i32
        %add3A_486 = arith.addi %mul3A_458, %add3A_485 : i32
        %get3A_487 = arith.index_cast %add3A_486 : i32 to index
        %get3A_488 = arith.constant 32 : index
        %get3A_489 = tpu.vector_load %arg6[%get3A_487, %get3A_488] {strides = array<i32>} : memref<128x64xf32, #tpu.memory_space<vmem>>, vector<1x16xf32>,
        %get3A_490 = vector.shape_cast %get3A_489 : vector<1x16xf32> to vector<16xf32>
        %swap3A_491 = arith.index_cast %add3A_484 : i32 to index
        %swap3A_492 = arith.constant 32 : index
        %swap3A_493 = tpu.vector_load %arg11[%swap3A_491, %swap3A_492] {strides = array<i32>} : memref<128x128xf32, #tpu.memory_space<vmem>>, vector<1x16xf32>,
        %swap3A_494 = vector.shape_cast %swap3A_493 : vector<1x16xf32> to vector<16xf32>
        %swap3A_495 = vector.shape_cast %get3A_490 : vector<16xf32> to vector<1x16xf32>
        tpu.vector_store %arg11[%swap3A_491, %swap3A_492], %swap3A_495 {add = true, strides = array<i32>} : memref<128x128xf32, #tpu.memory_space<vmem>>, vector<1x16xf32>,
        %add3A_496 = arith.constant 0 : i32
        %add3A_497 = arith.addi %mul3A_458, %add3A_496 : i32
        %add3A_498 = arith.constant 0 : i32
        %add3A_499 = arith.addi %mul3A_458, %add3A_498 : i32
        %get3A_500 = arith.index_cast %add3A_499 : i32 to index
        %get3A_501 = arith.constant 48 : index
        %get3A_502 = tpu.vector_load %arg6[%get3A_500, %get3A_501] {strides = array<i32>} : memref<128x64xf32, #tpu.memory_space<vmem>>, vector<1x16xf32>,
        %get3A_503 = vector.shape_cast %get3A_502 : vector<1x16xf32> to vector<16xf32>
        %swap3A_504 = arith.index_cast %add3A_497 : i32 to index
        %swap3A_505 = arith.constant 48 : index
        %swap3A_506 = tpu.vector_load %arg11[%swap3A_504, %swap3A_505] {strides = array<i32>} : memref<128x128xf32, #tpu.memory_space<vmem>>, vector<1x16xf32>,
        %swap3A_507 = vector.shape_cast %swap3A_506 : vector<1x16xf32> to vector<16xf32>
        %swap3A_508 = vector.shape_cast %get3A_503 : vector<16xf32> to vector<1x16xf32>
        tpu.vector_store %arg11[%swap3A_504, %swap3A_505], %swap3A_508 {add = true, strides = array<i32>} : memref<128x128xf32, #tpu.memory_space<vmem>>, vector<1x16xf32>,
        %add3A_509 = arith.constant 1 : i32
        %add3A_510 = arith.addi %mul3A_458, %add3A_509 : i32
        %add3A_511 = arith.constant 1 : i32
        %add3A_512 = arith.addi %mul3A_458, %add3A_511 : i32
        %get3A_513 = arith.index_cast %add3A_512 : i32 to index
        %get3A_514 = arith.constant 0 : index
        %get3A_515 = tpu.vector_load %arg6[%get3A_513, %get3A_514] {strides = array<i32>} : memref<128x64xf32, #tpu.memory_space<vmem>>, vector<1x16xf32>,
        %get3A_516 = vector.shape_cast %get3A_515 : vector<1x16xf32> to vector<16xf32>
        %swap3A_517 = arith.index_cast %add3A_510 : i32 to index
        %swap3A_518 = arith.constant 0 : index
        %swap3A_519 = tpu.vector_load %arg11[%swap3A_517, %swap3A_518] {strides = array<i32>} : memref<128x128xf32, #tpu.memory_space<vmem>>, vector<1x16xf32>,
        %swap3A_520 = vector.shape_cast %swap3A_519 : vector<1x16xf32> to vector<16xf32>
        %swap3A_521 = vector.shape_cast %get3A_516 : vector<16xf32> to vector<1x16xf32>
        tpu.vector_store %arg11[%swap3A_517, %swap3A_518], %swap3A_521 {add = true, strides = array<i32>} : memref<128x128xf32, #tpu.memory_space<vmem>>, vector<1x16xf32>,
        %add3A_522 = arith.constant 1 : i32
        %add3A_523 = arith.addi %mul3A_458, %add3A_522 : i32
        %add3A_524 = arith.constant 1 : i32
        %add3A_525 = arith.addi %mul3A_458, %add3A_524 : i32
        %get3A_526 = arith.index_cast %add3A_525 : i32 to index
        %get3A_527 = arith.constant 16 : index
        %get3A_528 = tpu.vector_load %arg6[%get3A_526, %get3A_527] {strides = array<i32>} : memref<128x64xf32, #tpu.memory_space<vmem>>, vector<1x16xf32>,
        %get3A_529 = vector.shape_cast %get3A_528 : vector<1x16xf32> to vector<16xf32>
        %swap3A_530 = arith.index_cast %add3A_523 : i32 to index
        %swap3A_531 = arith.constant 16 : index
        %swap3A_532 = tpu.vector_load %arg11[%swap3A_530, %swap3A_531] {strides = array<i32>} : memref<128x128xf32, #tpu.memory_space<vmem>>, vector<1x16xf32>,
        %swap3A_533 = vector.shape_cast %swap3A_532 : vector<1x16xf32> to vector<16xf32>
        %swap3A_534 = vector.shape_cast %get3A_529 : vector<16xf32> to vector<1x16xf32>
        tpu.vector_store %arg11[%swap3A_530, %swap3A_531], %swap3A_534 {add = true, strides = array<i32>} : memref<128x128xf32, #tpu.memory_space<vmem>>, vector<1x16xf32>,
        %add3A_535 = arith.constant 1 : i32
        %add3A_536 = arith.addi %mul3A_458, %add3A_535 : i32
        %add3A_537 = arith.constant 1 : i32
        %add3A_538 = arith.addi %mul3A_458, %add3A_537 : i32
        %get3A_539 = arith.index_cast %add3A_538 : i32 to index
        %get3A_540 = arith.constant 32 : index
        %get3A_541 = tpu.vector_load %arg6[%get3A_539, %get3A_540] {strides = array<i32>} : memref<128x64xf32, #tpu.memory_space<vmem>>, vector<1x16xf32>,
        %get3A_542 = vector.shape_cast %get3A_541 : vector<1x16xf32> to vector<16xf32>
        %swap3A_543 = arith.index_cast %add3A_536 : i32 to index
        %swap3A_544 = arith.constant 32 : index
        %swap3A_545 = tpu.vector_load %arg11[%swap3A_543, %swap3A_544] {strides = array<i32>} : memref<128x128xf32, #tpu.memory_space<vmem>>, vector<1x16xf32>,
        %swap3A_546 = vector.shape_cast %swap3A_545 : vector<1x16xf32> to vector<16xf32>
        %swap3A_547 = vector.shape_cast %get3A_542 : vector<16xf32> to vector<1x16xf32>
        tpu.vector_store %arg11[%swap3A_543, %swap3A_544], %swap3A_547 {add = true, strides = array<i32>} : memref<128x128xf32, #tpu.memory_space<vmem>>, vector<1x16xf32>,
        %add3A_548 = arith.constant 1 : i32
        %add3A_549 = arith.addi %mul3A_458, %add3A_548 : i32
        %add3A_550 = arith.constant 1 : i32
        %add3A_551 = arith.addi %mul3A_458, %add3A_550 : i32
        %get3A_552 = arith.index_cast %add3A_551 : i32 to index
        %get3A_553 = arith.constant 48 : index
        %get3A_554 = tpu.vector_load %arg6[%get3A_552, %get3A_553] {strides = array<i32>} : memref<128x64xf32, #tpu.memory_space<vmem>>, vector<1x16xf32>,
        %get3A_555 = vector.shape_cast %get3A_554 : vector<1x16xf32> to vector<16xf32>
        %swap3A_556 = arith.index_cast %add3A_549 : i32 to index
        %swap3A_557 = arith.constant 48 : index
        %swap3A_558 = tpu.vector_load %arg11[%swap3A_556, %swap3A_557] {strides = array<i32>} : memref<128x128xf32, #tpu.memory_space<vmem>>, vector<1x16xf32>,
        %swap3A_559 = vector.shape_cast %swap3A_558 : vector<1x16xf32> to vector<16xf32>
        %swap3A_560 = vector.shape_cast %get3A_555 : vector<16xf32> to vector<1x16xf32>
        tpu.vector_store %arg11[%swap3A_556, %swap3A_557], %swap3A_560 {add = true, strides = array<i32>} : memref<128x128xf32, #tpu.memory_space<vmem>>, vector<1x16xf32>,
        %add3A_561 = arith.constant 2 : i32
        %add3A_562 = arith.addi %mul3A_458, %add3A_561 : i32
        %add3A_563 = arith.constant 2 : i32
        %add3A_564 = arith.addi %mul3A_458, %add3A_563 : i32
        %get3A_565 = arith.index_cast %add3A_564 : i32 to index
        %get3A_566 = arith.constant 0 : index
        %get3A_567 = tpu.vector_load %arg6[%get3A_565, %get3A_566] {strides = array<i32>} : memref<128x64xf32, #tpu.memory_space<vmem>>, vector<1x16xf32>,
        %get3A_568 = vector.shape_cast %get3A_567 : vector<1x16xf32> to vector<16xf32>
        %swap3A_569 = arith.index_cast %add3A_562 : i32 to index
        %swap3A_570 = arith.constant 0 : index
        %swap3A_571 = tpu.vector_load %arg11[%swap3A_569, %swap3A_570] {strides = array<i32>} : memref<128x128xf32, #tpu.memory_space<vmem>>, vector<1x16xf32>,
        %swap3A_572 = vector.shape_cast %swap3A_571 : vector<1x16xf32> to vector<16xf32>
        %swap3A_573 = vector.shape_cast %get3A_568 : vector<16xf32> to vector<1x16xf32>
        tpu.vector_store %arg11[%swap3A_569, %swap3A_570], %swap3A_573 {add = true, strides = array<i32>} : memref<128x128xf32, #tpu.memory_space<vmem>>, vector<1x16xf32>,
        %add3A_574 = arith.constant 2 : i32
        %add3A_575 = arith.addi %mul3A_458, %add3A_574 : i32
        %add3A_576 = arith.constant 2 : i32
        %add3A_577 = arith.addi %mul3A_458, %add3A_576 : i32
        %get3A_578 = arith.index_cast %add3A_577 : i32 to index
        %get3A_579 = arith.constant 16 : index
        %get3A_580 = tpu.vector_load %arg6[%get3A_578, %get3A_579] {strides = array<i32>} : memref<128x64xf32, #tpu.memory_space<vmem>>, vector<1x16xf32>,
        %get3A_581 = vector.shape_cast %get3A_580 : vector<1x16xf32> to vector<16xf32>
        %swap3A_582 = arith.index_cast %add3A_575 : i32 to index
        %swap3A_583 = arith.constant 16 : index
        %swap3A_584 = tpu.vector_load %arg11[%swap3A_582, %swap3A_583] {strides = array<i32>} : memref<128x128xf32, #tpu.memory_space<vmem>>, vector<1x16xf32>,
        %swap3A_585 = vector.shape_cast %swap3A_584 : vector<1x16xf32> to vector<16xf32>
        %swap3A_586 = vector.shape_cast %get3A_581 : vector<16xf32> to vector<1x16xf32>
        tpu.vector_store %arg11[%swap3A_582, %swap3A_583], %swap3A_586 {add = true, strides = array<i32>} : memref<128x128xf32, #tpu.memory_space<vmem>>, vector<1x16xf32>,
        %add3A_587 = arith.constant 2 : i32
        %add3A_588 = arith.addi %mul3A_458, %add3A_587 : i32
        %add3A_589 = arith.constant 2 : i32
        %add3A_590 = arith.addi %mul3A_458, %add3A_589 : i32
        %get3A_591 = arith.index_cast %add3A_590 : i32 to index
        %get3A_592 = arith.constant 32 : index
        %get3A_593 = tpu.vector_load %arg6[%get3A_591, %get3A_592] {strides = array<i32>} : memref<128x64xf32, #tpu.memory_space<vmem>>, vector<1x16xf32>,
        %get3A_594 = vector.shape_cast %get3A_593 : vector<1x16xf32> to vector<16xf32>
        %swap3A_595 = arith.index_cast %add3A_588 : i32 to index
        %swap3A_596 = arith.constant 32 : index
        %swap3A_597 = tpu.vector_load %arg11[%swap3A_595, %swap3A_596] {strides = array<i32>} : memref<128x128xf32, #tpu.memory_space<vmem>>, vector<1x16xf32>,
        %swap3A_598 = vector.shape_cast %swap3A_597 : vector<1x16xf32> to vector<16xf32>
        %swap3A_599 = vector.shape_cast %get3A_594 : vector<16xf32> to vector<1x16xf32>
        tpu.vector_store %arg11[%swap3A_595, %swap3A_596], %swap3A_599 {add = true, strides = array<i32>} : memref<128x128xf32, #tpu.memory_space<vmem>>, vector<1x16xf32>,
        %add3A_600 = arith.constant 2 : i32
        %add3A_601 = arith.addi %mul3A_458, %add3A_600 : i32
        %add3A_602 = arith.constant 2 : i32
        %add3A_603 = arith.addi %mul3A_458, %add3A_602 : i32
        %get3A_604 = arith.index_cast %add3A_603 : i32 to index
        %get3A_605 = arith.constant 48 : index
        %get3A_606 = tpu.vector_load %arg6[%get3A_604, %get3A_605] {strides = array<i32>} : memref<128x64xf32, #tpu.memory_space<vmem>>, vector<1x16xf32>,
        %get3A_607 = vector.shape_cast %get3A_606 : vector<1x16xf32> to vector<16xf32>
        %swap3A_608 = arith.index_cast %add3A_601 : i32 to index
        %swap3A_609 = arith.constant 48 : index
        %swap3A_610 = tpu.vector_load %arg11[%swap3A_608, %swap3A_609] {strides = array<i32>} : memref<128x128xf32, #tpu.memory_space<vmem>>, vector<1x16xf32>,
        %swap3A_611 = vector.shape_cast %swap3A_610 : vector<1x16xf32> to vector<16xf32>
        %swap3A_612 = vector.shape_cast %get3A_607 : vector<16xf32> to vector<1x16xf32>
        tpu.vector_store %arg11[%swap3A_608, %swap3A_609], %swap3A_612 {add = true, strides = array<i32>} : memref<128x128xf32, #tpu.memory_space<vmem>>, vector<1x16xf32>,
        %add3A_613 = arith.constant 3 : i32
        %add3A_614 = arith.addi %mul3A_458, %add3A_613 : i32
        %add3A_615 = arith.constant 3 : i32
        %add3A_616 = arith.addi %mul3A_458, %add3A_615 : i32
        %get3A_617 = arith.index_cast %add3A_616 : i32 to index
        %get3A_618 = arith.constant 0 : index
        %get3A_619 = tpu.vector_load %arg6[%get3A_617, %get3A_618] {strides = array<i32>} : memref<128x64xf32, #tpu.memory_space<vmem>>, vector<1x16xf32>,
        %get3A_620 = vector.shape_cast %get3A_619 : vector<1x16xf32> to vector<16xf32>
        %swap3A_621 = arith.index_cast %add3A_614 : i32 to index
        %swap3A_622 = arith.constant 0 : index
        %swap3A_623 = tpu.vector_load %arg11[%swap3A_621, %swap3A_622] {strides = array<i32>} : memref<128x128xf32, #tpu.memory_space<vmem>>, vector<1x16xf32>,
        %swap3A_624 = vector.shape_cast %swap3A_623 : vector<1x16xf32> to vector<16xf32>
        %swap3A_625 = vector.shape_cast %get3A_620 : vector<16xf32> to vector<1x16xf32>
        tpu.vector_store %arg11[%swap3A_621, %swap3A_622], %swap3A_625 {add = true, strides = array<i32>} : memref<128x128xf32, #tpu.memory_space<vmem>>, vector<1x16xf32>,
        %add3A_626 = arith.constant 3 : i32
        %add3A_627 = arith.addi %mul3A_458, %add3A_626 : i32
        %add3A_628 = arith.constant 3 : i32
        %add3A_629 = arith.addi %mul3A_458, %add3A_628 : i32
        %get3A_630 = arith.index_cast %add3A_629 : i32 to index
        %get3A_631 = arith.constant 16 : index
        %get3A_632 = tpu.vector_load %arg6[%get3A_630, %get3A_631] {strides = array<i32>} : memref<128x64xf32, #tpu.memory_space<vmem>>, vector<1x16xf32>,
        %get3A_633 = vector.shape_cast %get3A_632 : vector<1x16xf32> to vector<16xf32>
        %swap3A_634 = arith.index_cast %add3A_627 : i32 to index
        %swap3A_635 = arith.constant 16 : index
        %swap3A_636 = tpu.vector_load %arg11[%swap3A_634, %swap3A_635] {strides = array<i32>} : memref<128x128xf32, #tpu.memory_space<vmem>>, vector<1x16xf32>,
        %swap3A_637 = vector.shape_cast %swap3A_636 : vector<1x16xf32> to vector<16xf32>
        %swap3A_638 = vector.shape_cast %get3A_633 : vector<16xf32> to vector<1x16xf32>
        tpu.vector_store %arg11[%swap3A_634, %swap3A_635], %swap3A_638 {add = true, strides = array<i32>} : memref<128x128xf32, #tpu.memory_space<vmem>>, vector<1x16xf32>,
        %add3A_639 = arith.constant 3 : i32
        %add3A_640 = arith.addi %mul3A_458, %add3A_639 : i32
        %add3A_641 = arith.constant 3 : i32
        %add3A_642 = arith.addi %mul3A_458, %add3A_641 : i32
        %get3A_643 = arith.index_cast %add3A_642 : i32 to index
        %get3A_644 = arith.constant 32 : index
        %get3A_645 = tpu.vector_load %arg6[%get3A_643, %get3A_644] {strides = array<i32>} : memref<128x64xf32, #tpu.memory_space<vmem>>, vector<1x16xf32>,
        %get3A_646 = vector.shape_cast %get3A_645 : vector<1x16xf32> to vector<16xf32>
        %swap3A_647 = arith.index_cast %add3A_640 : i32 to index
        %swap3A_648 = arith.constant 32 : index
        %swap3A_649 = tpu.vector_load %arg11[%swap3A_647, %swap3A_648] {strides = array<i32>} : memref<128x128xf32, #tpu.memory_space<vmem>>, vector<1x16xf32>,
        %swap3A_650 = vector.shape_cast %swap3A_649 : vector<1x16xf32> to vector<16xf32>
        %swap3A_651 = vector.shape_cast %get3A_646 : vector<16xf32> to vector<1x16xf32>
        tpu.vector_store %arg11[%swap3A_647, %swap3A_648], %swap3A_651 {add = true, strides = array<i32>} : memref<128x128xf32, #tpu.memory_space<vmem>>, vector<1x16xf32>,
        %add3A_652 = arith.constant 3 : i32
        %add3A_653 = arith.addi %mul3A_458, %add3A_652 : i32
        %add3A_654 = arith.constant 3 : i32
        %add3A_655 = arith.addi %mul3A_458, %add3A_654 : i32
        %get3A_656 = arith.index_cast %add3A_655 : i32 to index
        %get3A_657 = arith.constant 48 : index
        %get3A_658 = tpu.vector_load %arg6[%get3A_656, %get3A_657] {strides = array<i32>} : memref<128x64xf32, #tpu.memory_space<vmem>>, vector<1x16xf32>,
        %get3A_659 = vector.shape_cast %get3A_658 : vector<1x16xf32> to vector<16xf32>
        %swap3A_660 = arith.index_cast %add3A_653 : i32 to index
        %swap3A_661 = arith.constant 48 : index
        %swap3A_662 = tpu.vector_load %arg11[%swap3A_660, %swap3A_661] {strides = array<i32>} : memref<128x128xf32, #tpu.memory_space<vmem>>, vector<1x16xf32>,
        %swap3A_663 = vector.shape_cast %swap3A_662 : vector<1x16xf32> to vector<16xf32>
        %swap3A_664 = vector.shape_cast %get3A_659 : vector<16xf32> to vector<1x16xf32>
        tpu.vector_store %arg11[%swap3A_660, %swap3A_661], %swap3A_664 {add = true, strides = array<i32>} : memref<128x128xf32, #tpu.memory_space<vmem>>, vector<1x16xf32>,
      }
      %scan3A_284 = arith.constant 32 : i32
      %add3A_285 = arith.addi %mul3A_34, %add3A_254 : i32
      %mul3A_286 = arith.constant 2048 : i32
      %mul3A_287 = arith.muli %add3A_285, %mul3A_286 : i32
      %add3A_288 = arith.addi %mul3A_287, %mul3A_11 : i32
      %dma_start3A_289 = arith.constant 0 : i32
      %dma_start3A_290 = tpu.memref_slice %arg5[%add3A_288, %dma_start3A_289] : memref<2097152x128xf32, #tpu.memory_space<hbm>> -> memref<128x128xf32, #tpu.memory_space<hbm>>
      %dma_start3A_291 = arith.constant 0 : i32
      %dma_start3A_292 = tpu.memref_slice %arg5[%add3A_288, %dma_start3A_291] : memref<2097152x128xf32, #tpu.memory_space<hbm>> -> memref<128x128xf32, #tpu.memory_space<hbm>>
      tpu.enqueue_dma source(%arg11 : memref<128x128xf32, #tpu.memory_space<vmem>>) target(%dma_start3A_292 : memref<128x128xf32, #tpu.memory_space<hbm>>) target_semaphore(%arg19 : memref<!tpu.dma_semaphore, #tpu.memory_space<semaphore_mem>>)
      %mul3A_293 = arith.constant 8 : i32
      %mul3A_294 = arith.muli %scan3A_98, %mul3A_293 : i32
      %add3A_295 = arith.constant 4 : i32
      %add3A_296 = arith.addi %mul3A_294, %add3A_295 : i32
      %sub3A_297 = arith.constant 2 : i32
      %sub3A_298 = arith.subi %add3A_296, %sub3A_297 : i32
      %add3A_299 = arith.addi %mul3A_34, %sub3A_298 : i32
      %mul3A_300 = arith.constant 2048 : i32
      %mul3A_301 = arith.muli %add3A_299, %mul3A_300 : i32
      %add3A_302 = arith.addi %mul3A_301, %mul3A_11 : i32
      %dma_wait3A_303 = arith.constant 0 : i32
      %dma_wait3A_304 = tpu.memref_slice %arg5[%add3A_302, %dma_wait3A_303] : memref<2097152x128xf32, #tpu.memory_space<hbm>> -> memref<128x128xf32, #tpu.memory_space<hbm>>
      %dma_wait3A_305 = arith.constant 0 : i32
      %dma_wait3A_306 = tpu.memref_slice %arg5[%add3A_302, %dma_wait3A_305] : memref<2097152x128xf32, #tpu.memory_space<hbm>> -> memref<128x128xf32, #tpu.memory_space<hbm>>
      tpu.wait_dma2 semaphore(%arg18 : memref<!tpu.dma_semaphore, #tpu.memory_space<semaphore_mem>>) src(%arg10 : memref<128x128xf32, #tpu.memory_space<vmem>>) dst(%dma_wait3A_306 : memref<128x128xf32, #tpu.memory_space<hbm>>)
      %dma_start3A_307 = arith.constant 6 : i32
      %dma_start3A_308 = arith.constant 0 : i32
      %dma_start3A_309 = tpu.memref_slice %arg7[%select_n3A_114, %dma_start3A_307, %dma_start3A_308] : memref<2x8x128xi32, #tpu.memory_space<vmem>> -> memref<1x1x128xi32, #tpu.memory_space<vmem>>
      %dma_start3A_310 = tpu.memref_squeeze %dma_start3A_309 : memref<1x1x128xi32, #tpu.memory_space<vmem>> -> memref<128xi32, #tpu.memory_space<vmem>>
      %dma_start3A_311 = arith.constant 0 : i32
      %dma_start3A_312 = arith.constant 0 : i32
      %dma_start3A_313 = tpu.memref_slice %arg3[%dma_start3A_311, %dma_start3A_312] : memref<1000000x128xf32, #tpu.memory_space<hbm>> -> memref<1000000x128xf32, #tpu.memory_space<hbm>>
      tpu.enqueue_indirect_dma source(%dma_start3A_313 : memref<1000000x128xf32, #tpu.memory_space<hbm>>) target(%arg10 : memref<128x128xf32, #tpu.memory_space<vmem>>) offsets(%dma_start3A_310 : memref<128xi32, #tpu.memory_space<vmem>>) semaphore(%arg14 : memref<!tpu.dma_semaphore, #tpu.memory_space<semaphore_mem>>)
      %dma_wait3A_314 = arith.constant 4 : i32
      %dma_wait3A_315 = arith.constant 0 : i32
      %dma_wait3A_316 = tpu.memref_slice %arg7[%select_n3A_114, %dma_wait3A_314, %dma_wait3A_315] : memref<2x8x128xi32, #tpu.memory_space<vmem>> -> memref<1x1x128xi32, #tpu.memory_space<vmem>>
      %dma_wait3A_317 = tpu.memref_squeeze %dma_wait3A_316 : memref<1x1x128xi32, #tpu.memory_space<vmem>> -> memref<128xi32, #tpu.memory_space<vmem>>
      %dma_wait3A_318 = arith.constant 0 : i32
      %dma_wait3A_319 = arith.constant 0 : i32
      %dma_wait3A_320 = tpu.memref_slice %arg3[%dma_wait3A_318, %dma_wait3A_319] : memref<1000000x128xf32, #tpu.memory_space<hbm>> -> memref<1000000x128xf32, #tpu.memory_space<hbm>>
      tpu.wait_indirect_dma semaphore(%arg12 : memref<!tpu.dma_semaphore, #tpu.memory_space<semaphore_mem>>) src(%dma_wait3A_320 : memref<1000000x128xf32, #tpu.memory_space<hbm>>) dst(%arg8 : memref<128x128xf32, #tpu.memory_space<vmem>>)
      %scan3A_321 = arith.constant 0 : i32
      %scan3A_322 = arith.constant 0 : i32
      %scan3A_323 = arith.constant 32 : i32
      %scan3A_324 = arith.addi %scan3A_322, %scan3A_323 : i32
      %scan3A_325 = arith.constant 1 : i32
      scf.for %scan3A_456 = %scan3A_322 to %scan3A_324 step %scan3A_325  : i32 {
        %mul3A_457 = arith.constant 4 : i32
        %mul3A_458 = arith.muli %scan3A_456, %mul3A_457 : i32
        %add3A_459 = arith.constant 0 : i32
        %add3A_460 = arith.addi %mul3A_458, %add3A_459 : i32
        %add3A_461 = arith.constant 0 : i32
        %add3A_462 = arith.addi %mul3A_458, %add3A_461 : i32
        %get3A = arith.index_cast %add3A_462 : i32 to index
        %get3A_463 = arith.constant 0 : index
        %get3A_464 = tpu.vector_load %arg6[%get3A, %get3A_463] {strides = array<i32>} : memref<128x64xf32, #tpu.memory_space<vmem>>, vector<1x16xf32>,
        %get3A_465 = vector.shape_cast %get3A_464 : vector<1x16xf32> to vector<16xf32>
        %swap3A = arith.index_cast %add3A_460 : i32 to index
        %swap3A_466 = arith.constant 0 : index
        %swap3A_467 = tpu.vector_load %arg8[%swap3A, %swap3A_466] {strides = array<i32>} : memref<128x128xf32, #tpu.memory_space<vmem>>, vector<1x16xf32>,
        %swap3A_468 = vector.shape_cast %swap3A_467 : vector<1x16xf32> to vector<16xf32>
        %swap3A_469 = vector.shape_cast %get3A_465 : vector<16xf32> to vector<1x16xf32>
        tpu.vector_store %arg8[%swap3A, %swap3A_466], %swap3A_469 {add = true, strides = array<i32>} : memref<128x128xf32, #tpu.memory_space<vmem>>, vector<1x16xf32>,
        %add3A_470 = arith.constant 0 : i32
        %add3A_471 = arith.addi %mul3A_458, %add3A_470 : i32
        %add3A_472 = arith.constant 0 : i32
        %add3A_473 = arith.addi %mul3A_458, %add3A_472 : i32
        %get3A_474 = arith.index_cast %add3A_473 : i32 to index
        %get3A_475 = arith.constant 16 : index
        %get3A_476 = tpu.vector_load %arg6[%get3A_474, %get3A_475] {strides = array<i32>} : memref<128x64xf32, #tpu.memory_space<vmem>>, vector<1x16xf32>,
        %get3A_477 = vector.shape_cast %get3A_476 : vector<1x16xf32> to vector<16xf32>
        %swap3A_478 = arith.index_cast %add3A_471 : i32 to index
        %swap3A_479 = arith.constant 16 : index
        %swap3A_480 = tpu.vector_load %arg8[%swap3A_478, %swap3A_479] {strides = array<i32>} : memref<128x128xf32, #tpu.memory_space<vmem>>, vector<1x16xf32>,
        %swap3A_481 = vector.shape_cast %swap3A_480 : vector<1x16xf32> to vector<16xf32>
        %swap3A_482 = vector.shape_cast %get3A_477 : vector<16xf32> to vector<1x16xf32>
        tpu.vector_store %arg8[%swap3A_478, %swap3A_479], %swap3A_482 {add = true, strides = array<i32>} : memref<128x128xf32, #tpu.memory_space<vmem>>, vector<1x16xf32>,
        %add3A_483 = arith.constant 0 : i32
        %add3A_484 = arith.addi %mul3A_458, %add3A_483 : i32
        %add3A_485 = arith.constant 0 : i32
        %add3A_486 = arith.addi %mul3A_458, %add3A_485 : i32
        %get3A_487 = arith.index_cast %add3A_486 : i32 to index
        %get3A_488 = arith.constant 32 : index
        %get3A_489 = tpu.vector_load %arg6[%get3A_487, %get3A_488] {strides = array<i32>} : memref<128x64xf32, #tpu.memory_space<vmem>>, vector<1x16xf32>,
        %get3A_490 = vector.shape_cast %get3A_489 : vector<1x16xf32> to vector<16xf32>
        %swap3A_491 = arith.index_cast %add3A_484 : i32 to index
        %swap3A_492 = arith.constant 32 : index
        %swap3A_493 = tpu.vector_load %arg8[%swap3A_491, %swap3A_492] {strides = array<i32>} : memref<128x128xf32, #tpu.memory_space<vmem>>, vector<1x16xf32>,
        %swap3A_494 = vector.shape_cast %swap3A_493 : vector<1x16xf32> to vector<16xf32>
        %swap3A_495 = vector.shape_cast %get3A_490 : vector<16xf32> to vector<1x16xf32>
        tpu.vector_store %arg8[%swap3A_491, %swap3A_492], %swap3A_495 {add = true, strides = array<i32>} : memref<128x128xf32, #tpu.memory_space<vmem>>, vector<1x16xf32>,
        %add3A_496 = arith.constant 0 : i32
        %add3A_497 = arith.addi %mul3A_458, %add3A_496 : i32
        %add3A_498 = arith.constant 0 : i32
        %add3A_499 = arith.addi %mul3A_458, %add3A_498 : i32
        %get3A_500 = arith.index_cast %add3A_499 : i32 to index
        %get3A_501 = arith.constant 48 : index
        %get3A_502 = tpu.vector_load %arg6[%get3A_500, %get3A_501] {strides = array<i32>} : memref<128x64xf32, #tpu.memory_space<vmem>>, vector<1x16xf32>,
        %get3A_503 = vector.shape_cast %get3A_502 : vector<1x16xf32> to vector<16xf32>
        %swap3A_504 = arith.index_cast %add3A_497 : i32 to index
        %swap3A_505 = arith.constant 48 : index
        %swap3A_506 = tpu.vector_load %arg8[%swap3A_504, %swap3A_505] {strides = array<i32>} : memref<128x128xf32, #tpu.memory_space<vmem>>, vector<1x16xf32>,
        %swap3A_507 = vector.shape_cast %swap3A_506 : vector<1x16xf32> to vector<16xf32>
        %swap3A_508 = vector.shape_cast %get3A_503 : vector<16xf32> to vector<1x16xf32>
        tpu.vector_store %arg8[%swap3A_504, %swap3A_505], %swap3A_508 {add = true, strides = array<i32>} : memref<128x128xf32, #tpu.memory_space<vmem>>, vector<1x16xf32>,
        %add3A_509 = arith.constant 1 : i32
        %add3A_510 = arith.addi %mul3A_458, %add3A_509 : i32
        %add3A_511 = arith.constant 1 : i32
        %add3A_512 = arith.addi %mul3A_458, %add3A_511 : i32
        %get3A_513 = arith.index_cast %add3A_512 : i32 to index
        %get3A_514 = arith.constant 0 : index
        %get3A_515 = tpu.vector_load %arg6[%get3A_513, %get3A_514] {strides = array<i32>} : memref<128x64xf32, #tpu.memory_space<vmem>>, vector<1x16xf32>,
        %get3A_516 = vector.shape_cast %get3A_515 : vector<1x16xf32> to vector<16xf32>
        %swap3A_517 = arith.index_cast %add3A_510 : i32 to index
        %swap3A_518 = arith.constant 0 : index
        %swap3A_519 = tpu.vector_load %arg8[%swap3A_517, %swap3A_518] {strides = array<i32>} : memref<128x128xf32, #tpu.memory_space<vmem>>, vector<1x16xf32>,
        %swap3A_520 = vector.shape_cast %swap3A_519 : vector<1x16xf32> to vector<16xf32>
        %swap3A_521 = vector.shape_cast %get3A_516 : vector<16xf32> to vector<1x16xf32>
        tpu.vector_store %arg8[%swap3A_517, %swap3A_518], %swap3A_521 {add = true, strides = array<i32>} : memref<128x128xf32, #tpu.memory_space<vmem>>, vector<1x16xf32>,
        %add3A_522 = arith.constant 1 : i32
        %add3A_523 = arith.addi %mul3A_458, %add3A_522 : i32
        %add3A_524 = arith.constant 1 : i32
        %add3A_525 = arith.addi %mul3A_458, %add3A_524 : i32
        %get3A_526 = arith.index_cast %add3A_525 : i32 to index
        %get3A_527 = arith.constant 16 : index
        %get3A_528 = tpu.vector_load %arg6[%get3A_526, %get3A_527] {strides = array<i32>} : memref<128x64xf32, #tpu.memory_space<vmem>>, vector<1x16xf32>,
        %get3A_529 = vector.shape_cast %get3A_528 : vector<1x16xf32> to vector<16xf32>
        %swap3A_530 = arith.index_cast %add3A_523 : i32 to index
        %swap3A_531 = arith.constant 16 : index
        %swap3A_532 = tpu.vector_load %arg8[%swap3A_530, %swap3A_531] {strides = array<i32>} : memref<128x128xf32, #tpu.memory_space<vmem>>, vector<1x16xf32>,
        %swap3A_533 = vector.shape_cast %swap3A_532 : vector<1x16xf32> to vector<16xf32>
        %swap3A_534 = vector.shape_cast %get3A_529 : vector<16xf32> to vector<1x16xf32>
        tpu.vector_store %arg8[%swap3A_530, %swap3A_531], %swap3A_534 {add = true, strides = array<i32>} : memref<128x128xf32, #tpu.memory_space<vmem>>, vector<1x16xf32>,
        %add3A_535 = arith.constant 1 : i32
        %add3A_536 = arith.addi %mul3A_458, %add3A_535 : i32
        %add3A_537 = arith.constant 1 : i32
        %add3A_538 = arith.addi %mul3A_458, %add3A_537 : i32
        %get3A_539 = arith.index_cast %add3A_538 : i32 to index
        %get3A_540 = arith.constant 32 : index
        %get3A_541 = tpu.vector_load %arg6[%get3A_539, %get3A_540] {strides = array<i32>} : memref<128x64xf32, #tpu.memory_space<vmem>>, vector<1x16xf32>,
        %get3A_542 = vector.shape_cast %get3A_541 : vector<1x16xf32> to vector<16xf32>
        %swap3A_543 = arith.index_cast %add3A_536 : i32 to index
        %swap3A_544 = arith.constant 32 : index
        %swap3A_545 = tpu.vector_load %arg8[%swap3A_543, %swap3A_544] {strides = array<i32>} : memref<128x128xf32, #tpu.memory_space<vmem>>, vector<1x16xf32>,
        %swap3A_546 = vector.shape_cast %swap3A_545 : vector<1x16xf32> to vector<16xf32>
        %swap3A_547 = vector.shape_cast %get3A_542 : vector<16xf32> to vector<1x16xf32>
        tpu.vector_store %arg8[%swap3A_543, %swap3A_544], %swap3A_547 {add = true, strides = array<i32>} : memref<128x128xf32, #tpu.memory_space<vmem>>, vector<1x16xf32>,
        %add3A_548 = arith.constant 1 : i32
        %add3A_549 = arith.addi %mul3A_458, %add3A_548 : i32
        %add3A_550 = arith.constant 1 : i32
        %add3A_551 = arith.addi %mul3A_458, %add3A_550 : i32
        %get3A_552 = arith.index_cast %add3A_551 : i32 to index
        %get3A_553 = arith.constant 48 : index
        %get3A_554 = tpu.vector_load %arg6[%get3A_552, %get3A_553] {strides = array<i32>} : memref<128x64xf32, #tpu.memory_space<vmem>>, vector<1x16xf32>,
        %get3A_555 = vector.shape_cast %get3A_554 : vector<1x16xf32> to vector<16xf32>
        %swap3A_556 = arith.index_cast %add3A_549 : i32 to index
        %swap3A_557 = arith.constant 48 : index
        %swap3A_558 = tpu.vector_load %arg8[%swap3A_556, %swap3A_557] {strides = array<i32>} : memref<128x128xf32, #tpu.memory_space<vmem>>, vector<1x16xf32>,
        %swap3A_559 = vector.shape_cast %swap3A_558 : vector<1x16xf32> to vector<16xf32>
        %swap3A_560 = vector.shape_cast %get3A_555 : vector<16xf32> to vector<1x16xf32>
        tpu.vector_store %arg8[%swap3A_556, %swap3A_557], %swap3A_560 {add = true, strides = array<i32>} : memref<128x128xf32, #tpu.memory_space<vmem>>, vector<1x16xf32>,
        %add3A_561 = arith.constant 2 : i32
        %add3A_562 = arith.addi %mul3A_458, %add3A_561 : i32
        %add3A_563 = arith.constant 2 : i32
        %add3A_564 = arith.addi %mul3A_458, %add3A_563 : i32
        %get3A_565 = arith.index_cast %add3A_564 : i32 to index
        %get3A_566 = arith.constant 0 : index
        %get3A_567 = tpu.vector_load %arg6[%get3A_565, %get3A_566] {strides = array<i32>} : memref<128x64xf32, #tpu.memory_space<vmem>>, vector<1x16xf32>,
        %get3A_568 = vector.shape_cast %get3A_567 : vector<1x16xf32> to vector<16xf32>
        %swap3A_569 = arith.index_cast %add3A_562 : i32 to index
        %swap3A_570 = arith.constant 0 : index
        %swap3A_571 = tpu.vector_load %arg8[%swap3A_569, %swap3A_570] {strides = array<i32>} : memref<128x128xf32, #tpu.memory_space<vmem>>, vector<1x16xf32>,
        %swap3A_572 = vector.shape_cast %swap3A_571 : vector<1x16xf32> to vector<16xf32>
        %swap3A_573 = vector.shape_cast %get3A_568 : vector<16xf32> to vector<1x16xf32>
        tpu.vector_store %arg8[%swap3A_569, %swap3A_570], %swap3A_573 {add = true, strides = array<i32>} : memref<128x128xf32, #tpu.memory_space<vmem>>, vector<1x16xf32>,
        %add3A_574 = arith.constant 2 : i32
        %add3A_575 = arith.addi %mul3A_458, %add3A_574 : i32
        %add3A_576 = arith.constant 2 : i32
        %add3A_577 = arith.addi %mul3A_458, %add3A_576 : i32
        %get3A_578 = arith.index_cast %add3A_577 : i32 to index
        %get3A_579 = arith.constant 16 : index
        %get3A_580 = tpu.vector_load %arg6[%get3A_578, %get3A_579] {strides = array<i32>} : memref<128x64xf32, #tpu.memory_space<vmem>>, vector<1x16xf32>,
        %get3A_581 = vector.shape_cast %get3A_580 : vector<1x16xf32> to vector<16xf32>
        %swap3A_582 = arith.index_cast %add3A_575 : i32 to index
        %swap3A_583 = arith.constant 16 : index
        %swap3A_584 = tpu.vector_load %arg8[%swap3A_582, %swap3A_583] {strides = array<i32>} : memref<128x128xf32, #tpu.memory_space<vmem>>, vector<1x16xf32>,
        %swap3A_585 = vector.shape_cast %swap3A_584 : vector<1x16xf32> to vector<16xf32>
        %swap3A_586 = vector.shape_cast %get3A_581 : vector<16xf32> to vector<1x16xf32>
        tpu.vector_store %arg8[%swap3A_582, %swap3A_583], %swap3A_586 {add = true, strides = array<i32>} : memref<128x128xf32, #tpu.memory_space<vmem>>, vector<1x16xf32>,
        %add3A_587 = arith.constant 2 : i32
        %add3A_588 = arith.addi %mul3A_458, %add3A_587 : i32
        %add3A_589 = arith.constant 2 : i32
        %add3A_590 = arith.addi %mul3A_458, %add3A_589 : i32
        %get3A_591 = arith.index_cast %add3A_590 : i32 to index
        %get3A_592 = arith.constant 32 : index
        %get3A_593 = tpu.vector_load %arg6[%get3A_591, %get3A_592] {strides = array<i32>} : memref<128x64xf32, #tpu.memory_space<vmem>>, vector<1x16xf32>,
        %get3A_594 = vector.shape_cast %get3A_593 : vector<1x16xf32> to vector<16xf32>
        %swap3A_595 = arith.index_cast %add3A_588 : i32 to index
        %swap3A_596 = arith.constant 32 : index
        %swap3A_597 = tpu.vector_load %arg8[%swap3A_595, %swap3A_596] {strides = array<i32>} : memref<128x128xf32, #tpu.memory_space<vmem>>, vector<1x16xf32>,
        %swap3A_598 = vector.shape_cast %swap3A_597 : vector<1x16xf32> to vector<16xf32>
        %swap3A_599 = vector.shape_cast %get3A_594 : vector<16xf32> to vector<1x16xf32>
        tpu.vector_store %arg8[%swap3A_595, %swap3A_596], %swap3A_599 {add = true, strides = array<i32>} : memref<128x128xf32, #tpu.memory_space<vmem>>, vector<1x16xf32>,
        %add3A_600 = arith.constant 2 : i32
        %add3A_601 = arith.addi %mul3A_458, %add3A_600 : i32
        %add3A_602 = arith.constant 2 : i32
        %add3A_603 = arith.addi %mul3A_458, %add3A_602 : i32
        %get3A_604 = arith.index_cast %add3A_603 : i32 to index
        %get3A_605 = arith.constant 48 : index
        %get3A_606 = tpu.vector_load %arg6[%get3A_604, %get3A_605] {strides = array<i32>} : memref<128x64xf32, #tpu.memory_space<vmem>>, vector<1x16xf32>,
        %get3A_607 = vector.shape_cast %get3A_606 : vector<1x16xf32> to vector<16xf32>
        %swap3A_608 = arith.index_cast %add3A_601 : i32 to index
        %swap3A_609 = arith.constant 48 : index
        %swap3A_610 = tpu.vector_load %arg8[%swap3A_608, %swap3A_609] {strides = array<i32>} : memref<128x128xf32, #tpu.memory_space<vmem>>, vector<1x16xf32>,
        %swap3A_611 = vector.shape_cast %swap3A_610 : vector<1x16xf32> to vector<16xf32>
        %swap3A_612 = vector.shape_cast %get3A_607 : vector<16xf32> to vector<1x16xf32>
        tpu.vector_store %arg8[%swap3A_608, %swap3A_609], %swap3A_612 {add = true, strides = array<i32>} : memref<128x128xf32, #tpu.memory_space<vmem>>, vector<1x16xf32>,
        %add3A_613 = arith.constant 3 : i32
        %add3A_614 = arith.addi %mul3A_458, %add3A_613 : i32
        %add3A_615 = arith.constant 3 : i32
        %add3A_616 = arith.addi %mul3A_458, %add3A_615 : i32
        %get3A_617 = arith.index_cast %add3A_616 : i32 to index
        %get3A_618 = arith.constant 0 : index
        %get3A_619 = tpu.vector_load %arg6[%get3A_617, %get3A_618] {strides = array<i32>} : memref<128x64xf32, #tpu.memory_space<vmem>>, vector<1x16xf32>,
        %get3A_620 = vector.shape_cast %get3A_619 : vector<1x16xf32> to vector<16xf32>
        %swap3A_621 = arith.index_cast %add3A_614 : i32 to index
        %swap3A_622 = arith.constant 0 : index
        %swap3A_623 = tpu.vector_load %arg8[%swap3A_621, %swap3A_622] {strides = array<i32>} : memref<128x128xf32, #tpu.memory_space<vmem>>, vector<1x16xf32>,
        %swap3A_624 = vector.shape_cast %swap3A_623 : vector<1x16xf32> to vector<16xf32>
        %swap3A_625 = vector.shape_cast %get3A_620 : vector<16xf32> to vector<1x16xf32>
        tpu.vector_store %arg8[%swap3A_621, %swap3A_622], %swap3A_625 {add = true, strides = array<i32>} : memref<128x128xf32, #tpu.memory_space<vmem>>, vector<1x16xf32>,
        %add3A_626 = arith.constant 3 : i32
        %add3A_627 = arith.addi %mul3A_458, %add3A_626 : i32
        %add3A_628 = arith.constant 3 : i32
        %add3A_629 = arith.addi %mul3A_458, %add3A_628 : i32
        %get3A_630 = arith.index_cast %add3A_629 : i32 to index
        %get3A_631 = arith.constant 16 : index
        %get3A_632 = tpu.vector_load %arg6[%get3A_630, %get3A_631] {strides = array<i32>} : memref<128x64xf32, #tpu.memory_space<vmem>>, vector<1x16xf32>,
        %get3A_633 = vector.shape_cast %get3A_632 : vector<1x16xf32> to vector<16xf32>
        %swap3A_634 = arith.index_cast %add3A_627 : i32 to index
        %swap3A_635 = arith.constant 16 : index
        %swap3A_636 = tpu.vector_load %arg8[%swap3A_634, %swap3A_635] {strides = array<i32>} : memref<128x128xf32, #tpu.memory_space<vmem>>, vector<1x16xf32>,
        %swap3A_637 = vector.shape_cast %swap3A_636 : vector<1x16xf32> to vector<16xf32>
        %swap3A_638 = vector.shape_cast %get3A_633 : vector<16xf32> to vector<1x16xf32>
        tpu.vector_store %arg8[%swap3A_634, %swap3A_635], %swap3A_638 {add = true, strides = array<i32>} : memref<128x128xf32, #tpu.memory_space<vmem>>, vector<1x16xf32>,
        %add3A_639 = arith.constant 3 : i32
        %add3A_640 = arith.addi %mul3A_458, %add3A_639 : i32
        %add3A_641 = arith.constant 3 : i32
        %add3A_642 = arith.addi %mul3A_458, %add3A_641 : i32
        %get3A_643 = arith.index_cast %add3A_642 : i32 to index
        %get3A_644 = arith.constant 32 : index
        %get3A_645 = tpu.vector_load %arg6[%get3A_643, %get3A_644] {strides = array<i32>} : memref<128x64xf32, #tpu.memory_space<vmem>>, vector<1x16xf32>,
        %get3A_646 = vector.shape_cast %get3A_645 : vector<1x16xf32> to vector<16xf32>
        %swap3A_647 = arith.index_cast %add3A_640 : i32 to index
        %swap3A_648 = arith.constant 32 : index
        %swap3A_649 = tpu.vector_load %arg8[%swap3A_647, %swap3A_648] {strides = array<i32>} : memref<128x128xf32, #tpu.memory_space<vmem>>, vector<1x16xf32>,
        %swap3A_650 = vector.shape_cast %swap3A_649 : vector<1x16xf32> to vector<16xf32>
        %swap3A_651 = vector.shape_cast %get3A_646 : vector<16xf32> to vector<1x16xf32>
        tpu.vector_store %arg8[%swap3A_647, %swap3A_648], %swap3A_651 {add = true, strides = array<i32>} : memref<128x128xf32, #tpu.memory_space<vmem>>, vector<1x16xf32>,
        %add3A_652 = arith.constant 3 : i32
        %add3A_653 = arith.addi %mul3A_458, %add3A_652 : i32
        %add3A_654 = arith.constant 3 : i32
        %add3A_655 = arith.addi %mul3A_458, %add3A_654 : i32
        %get3A_656 = arith.index_cast %add3A_655 : i32 to index
        %get3A_657 = arith.constant 48 : index
        %get3A_658 = tpu.vector_load %arg6[%get3A_656, %get3A_657] {strides = array<i32>} : memref<128x64xf32, #tpu.memory_space<vmem>>, vector<1x16xf32>,
        %get3A_659 = vector.shape_cast %get3A_658 : vector<1x16xf32> to vector<16xf32>
        %swap3A_660 = arith.index_cast %add3A_653 : i32 to index
        %swap3A_661 = arith.constant 48 : index
        %swap3A_662 = tpu.vector_load %arg8[%swap3A_660, %swap3A_661] {strides = array<i32>} : memref<128x128xf32, #tpu.memory_space<vmem>>, vector<1x16xf32>,
        %swap3A_663 = vector.shape_cast %swap3A_662 : vector<1x16xf32> to vector<16xf32>
        %swap3A_664 = vector.shape_cast %get3A_659 : vector<16xf32> to vector<1x16xf32>
        tpu.vector_store %arg8[%swap3A_660, %swap3A_661], %swap3A_664 {add = true, strides = array<i32>} : memref<128x128xf32, #tpu.memory_space<vmem>>, vector<1x16xf32>,
      }
      %scan3A_326 = arith.constant 32 : i32
      %add3A_327 = arith.addi %mul3A_34, %add3A_296 : i32
      %mul3A_328 = arith.constant 2048 : i32
      %mul3A_329 = arith.muli %add3A_327, %mul3A_328 : i32
      %add3A_330 = arith.addi %mul3A_329, %mul3A_11 : i32
      %dma_start3A_331 = arith.constant 0 : i32
      %dma_start3A_332 = tpu.memref_slice %arg5[%add3A_330, %dma_start3A_331] : memref<2097152x128xf32, #tpu.memory_space<hbm>> -> memref<128x128xf32, #tpu.memory_space<hbm>>
      %dma_start3A_333 = arith.constant 0 : i32
      %dma_start3A_334 = tpu.memref_slice %arg5[%add3A_330, %dma_start3A_333] : memref<2097152x128xf32, #tpu.memory_space<hbm>> -> memref<128x128xf32, #tpu.memory_space<hbm>>
      tpu.enqueue_dma source(%arg8 : memref<128x128xf32, #tpu.memory_space<vmem>>) target(%dma_start3A_334 : memref<128x128xf32, #tpu.memory_space<hbm>>) target_semaphore(%arg16 : memref<!tpu.dma_semaphore, #tpu.memory_space<semaphore_mem>>)
      %mul3A_335 = arith.constant 8 : i32
      %mul3A_336 = arith.muli %scan3A_98, %mul3A_335 : i32
      %add3A_337 = arith.constant 5 : i32
      %add3A_338 = arith.addi %mul3A_336, %add3A_337 : i32
      %sub3A_339 = arith.constant 2 : i32
      %sub3A_340 = arith.subi %add3A_338, %sub3A_339 : i32
      %add3A_341 = arith.addi %mul3A_34, %sub3A_340 : i32
      %mul3A_342 = arith.constant 2048 : i32
      %mul3A_343 = arith.muli %add3A_341, %mul3A_342 : i32
      %add3A_344 = arith.addi %mul3A_343, %mul3A_11 : i32
      %dma_wait3A_345 = arith.constant 0 : i32
      %dma_wait3A_346 = tpu.memref_slice %arg5[%add3A_344, %dma_wait3A_345] : memref<2097152x128xf32, #tpu.memory_space<hbm>> -> memref<128x128xf32, #tpu.memory_space<hbm>>
      %dma_wait3A_347 = arith.constant 0 : i32
      %dma_wait3A_348 = tpu.memref_slice %arg5[%add3A_344, %dma_wait3A_347] : memref<2097152x128xf32, #tpu.memory_space<hbm>> -> memref<128x128xf32, #tpu.memory_space<hbm>>
      tpu.wait_dma2 semaphore(%arg19 : memref<!tpu.dma_semaphore, #tpu.memory_space<semaphore_mem>>) src(%arg11 : memref<128x128xf32, #tpu.memory_space<vmem>>) dst(%dma_wait3A_348 : memref<128x128xf32, #tpu.memory_space<hbm>>)
      %dma_start3A_349 = arith.constant 7 : i32
      %dma_start3A_350 = arith.constant 0 : i32
      %dma_start3A_351 = tpu.memref_slice %arg7[%select_n3A_114, %dma_start3A_349, %dma_start3A_350] : memref<2x8x128xi32, #tpu.memory_space<vmem>> -> memref<1x1x128xi32, #tpu.memory_space<vmem>>
      %dma_start3A_352 = tpu.memref_squeeze %dma_start3A_351 : memref<1x1x128xi32, #tpu.memory_space<vmem>> -> memref<128xi32, #tpu.memory_space<vmem>>
      %dma_start3A_353 = arith.constant 0 : i32
      %dma_start3A_354 = arith.constant 0 : i32
      %dma_start3A_355 = tpu.memref_slice %arg3[%dma_start3A_353, %dma_start3A_354] : memref<1000000x128xf32, #tpu.memory_space<hbm>> -> memref<1000000x128xf32, #tpu.memory_space<hbm>>
      tpu.enqueue_indirect_dma source(%dma_start3A_355 : memref<1000000x128xf32, #tpu.memory_space<hbm>>) target(%arg11 : memref<128x128xf32, #tpu.memory_space<vmem>>) offsets(%dma_start3A_352 : memref<128xi32, #tpu.memory_space<vmem>>) semaphore(%arg15 : memref<!tpu.dma_semaphore, #tpu.memory_space<semaphore_mem>>)
      %dma_wait3A_356 = arith.constant 5 : i32
      %dma_wait3A_357 = arith.constant 0 : i32
      %dma_wait3A_358 = tpu.memref_slice %arg7[%select_n3A_114, %dma_wait3A_356, %dma_wait3A_357] : memref<2x8x128xi32, #tpu.memory_space<vmem>> -> memref<1x1x128xi32, #tpu.memory_space<vmem>>
      %dma_wait3A_359 = tpu.memref_squeeze %dma_wait3A_358 : memref<1x1x128xi32, #tpu.memory_space<vmem>> -> memref<128xi32, #tpu.memory_space<vmem>>
      %dma_wait3A_360 = arith.constant 0 : i32
      %dma_wait3A_361 = arith.constant 0 : i32
      %dma_wait3A_362 = tpu.memref_slice %arg3[%dma_wait3A_360, %dma_wait3A_361] : memref<1000000x128xf32, #tpu.memory_space<hbm>> -> memref<1000000x128xf32, #tpu.memory_space<hbm>>
      tpu.wait_indirect_dma semaphore(%arg13 : memref<!tpu.dma_semaphore, #tpu.memory_space<semaphore_mem>>) src(%dma_wait3A_362 : memref<1000000x128xf32, #tpu.memory_space<hbm>>) dst(%arg9 : memref<128x128xf32, #tpu.memory_space<vmem>>)
      %scan3A_363 = arith.constant 0 : i32
      %scan3A_364 = arith.constant 0 : i32
      %scan3A_365 = arith.constant 32 : i32
      %scan3A_366 = arith.addi %scan3A_364, %scan3A_365 : i32
      %scan3A_367 = arith.constant 1 : i32
      scf.for %scan3A_456 = %scan3A_364 to %scan3A_366 step %scan3A_367  : i32 {
        %mul3A_457 = arith.constant 4 : i32
        %mul3A_458 = arith.muli %scan3A_456, %mul3A_457 : i32
        %add3A_459 = arith.constant 0 : i32
        %add3A_460 = arith.addi %mul3A_458, %add3A_459 : i32
        %add3A_461 = arith.constant 0 : i32
        %add3A_462 = arith.addi %mul3A_458, %add3A_461 : i32
        %get3A = arith.index_cast %add3A_462 : i32 to index
        %get3A_463 = arith.constant 0 : index
        %get3A_464 = tpu.vector_load %arg6[%get3A, %get3A_463] {strides = array<i32>} : memref<128x64xf32, #tpu.memory_space<vmem>>, vector<1x16xf32>,
        %get3A_465 = vector.shape_cast %get3A_464 : vector<1x16xf32> to vector<16xf32>
        %swap3A = arith.index_cast %add3A_460 : i32 to index
        %swap3A_466 = arith.constant 0 : index
        %swap3A_467 = tpu.vector_load %arg9[%swap3A, %swap3A_466] {strides = array<i32>} : memref<128x128xf32, #tpu.memory_space<vmem>>, vector<1x16xf32>,
        %swap3A_468 = vector.shape_cast %swap3A_467 : vector<1x16xf32> to vector<16xf32>
        %swap3A_469 = vector.shape_cast %get3A_465 : vector<16xf32> to vector<1x16xf32>
        tpu.vector_store %arg9[%swap3A, %swap3A_466], %swap3A_469 {add = true, strides = array<i32>} : memref<128x128xf32, #tpu.memory_space<vmem>>, vector<1x16xf32>,
        %add3A_470 = arith.constant 0 : i32
        %add3A_471 = arith.addi %mul3A_458, %add3A_470 : i32
        %add3A_472 = arith.constant 0 : i32
        %add3A_473 = arith.addi %mul3A_458, %add3A_472 : i32
        %get3A_474 = arith.index_cast %add3A_473 : i32 to index
        %get3A_475 = arith.constant 16 : index
        %get3A_476 = tpu.vector_load %arg6[%get3A_474, %get3A_475] {strides = array<i32>} : memref<128x64xf32, #tpu.memory_space<vmem>>, vector<1x16xf32>,
        %get3A_477 = vector.shape_cast %get3A_476 : vector<1x16xf32> to vector<16xf32>
        %swap3A_478 = arith.index_cast %add3A_471 : i32 to index
        %swap3A_479 = arith.constant 16 : index
        %swap3A_480 = tpu.vector_load %arg9[%swap3A_478, %swap3A_479] {strides = array<i32>} : memref<128x128xf32, #tpu.memory_space<vmem>>, vector<1x16xf32>,
        %swap3A_481 = vector.shape_cast %swap3A_480 : vector<1x16xf32> to vector<16xf32>
        %swap3A_482 = vector.shape_cast %get3A_477 : vector<16xf32> to vector<1x16xf32>
        tpu.vector_store %arg9[%swap3A_478, %swap3A_479], %swap3A_482 {add = true, strides = array<i32>} : memref<128x128xf32, #tpu.memory_space<vmem>>, vector<1x16xf32>,
        %add3A_483 = arith.constant 0 : i32
        %add3A_484 = arith.addi %mul3A_458, %add3A_483 : i32
        %add3A_485 = arith.constant 0 : i32
        %add3A_486 = arith.addi %mul3A_458, %add3A_485 : i32
        %get3A_487 = arith.index_cast %add3A_486 : i32 to index
        %get3A_488 = arith.constant 32 : index
        %get3A_489 = tpu.vector_load %arg6[%get3A_487, %get3A_488] {strides = array<i32>} : memref<128x64xf32, #tpu.memory_space<vmem>>, vector<1x16xf32>,
        %get3A_490 = vector.shape_cast %get3A_489 : vector<1x16xf32> to vector<16xf32>
        %swap3A_491 = arith.index_cast %add3A_484 : i32 to index
        %swap3A_492 = arith.constant 32 : index
        %swap3A_493 = tpu.vector_load %arg9[%swap3A_491, %swap3A_492] {strides = array<i32>} : memref<128x128xf32, #tpu.memory_space<vmem>>, vector<1x16xf32>,
        %swap3A_494 = vector.shape_cast %swap3A_493 : vector<1x16xf32> to vector<16xf32>
        %swap3A_495 = vector.shape_cast %get3A_490 : vector<16xf32> to vector<1x16xf32>
        tpu.vector_store %arg9[%swap3A_491, %swap3A_492], %swap3A_495 {add = true, strides = array<i32>} : memref<128x128xf32, #tpu.memory_space<vmem>>, vector<1x16xf32>,
        %add3A_496 = arith.constant 0 : i32
        %add3A_497 = arith.addi %mul3A_458, %add3A_496 : i32
        %add3A_498 = arith.constant 0 : i32
        %add3A_499 = arith.addi %mul3A_458, %add3A_498 : i32
        %get3A_500 = arith.index_cast %add3A_499 : i32 to index
        %get3A_501 = arith.constant 48 : index
        %get3A_502 = tpu.vector_load %arg6[%get3A_500, %get3A_501] {strides = array<i32>} : memref<128x64xf32, #tpu.memory_space<vmem>>, vector<1x16xf32>,
        %get3A_503 = vector.shape_cast %get3A_502 : vector<1x16xf32> to vector<16xf32>
        %swap3A_504 = arith.index_cast %add3A_497 : i32 to index
        %swap3A_505 = arith.constant 48 : index
        %swap3A_506 = tpu.vector_load %arg9[%swap3A_504, %swap3A_505] {strides = array<i32>} : memref<128x128xf32, #tpu.memory_space<vmem>>, vector<1x16xf32>,
        %swap3A_507 = vector.shape_cast %swap3A_506 : vector<1x16xf32> to vector<16xf32>
        %swap3A_508 = vector.shape_cast %get3A_503 : vector<16xf32> to vector<1x16xf32>
        tpu.vector_store %arg9[%swap3A_504, %swap3A_505], %swap3A_508 {add = true, strides = array<i32>} : memref<128x128xf32, #tpu.memory_space<vmem>>, vector<1x16xf32>,
        %add3A_509 = arith.constant 1 : i32
        %add3A_510 = arith.addi %mul3A_458, %add3A_509 : i32
        %add3A_511 = arith.constant 1 : i32
        %add3A_512 = arith.addi %mul3A_458, %add3A_511 : i32
        %get3A_513 = arith.index_cast %add3A_512 : i32 to index
        %get3A_514 = arith.constant 0 : index
        %get3A_515 = tpu.vector_load %arg6[%get3A_513, %get3A_514] {strides = array<i32>} : memref<128x64xf32, #tpu.memory_space<vmem>>, vector<1x16xf32>,
        %get3A_516 = vector.shape_cast %get3A_515 : vector<1x16xf32> to vector<16xf32>
        %swap3A_517 = arith.index_cast %add3A_510 : i32 to index
        %swap3A_518 = arith.constant 0 : index
        %swap3A_519 = tpu.vector_load %arg9[%swap3A_517, %swap3A_518] {strides = array<i32>} : memref<128x128xf32, #tpu.memory_space<vmem>>, vector<1x16xf32>,
        %swap3A_520 = vector.shape_cast %swap3A_519 : vector<1x16xf32> to vector<16xf32>
        %swap3A_521 = vector.shape_cast %get3A_516 : vector<16xf32> to vector<1x16xf32>
        tpu.vector_store %arg9[%swap3A_517, %swap3A_518], %swap3A_521 {add = true, strides = array<i32>} : memref<128x128xf32, #tpu.memory_space<vmem>>, vector<1x16xf32>,
        %add3A_522 = arith.constant 1 : i32
        %add3A_523 = arith.addi %mul3A_458, %add3A_522 : i32
        %add3A_524 = arith.constant 1 : i32
        %add3A_525 = arith.addi %mul3A_458, %add3A_524 : i32
        %get3A_526 = arith.index_cast %add3A_525 : i32 to index
        %get3A_527 = arith.constant 16 : index
        %get3A_528 = tpu.vector_load %arg6[%get3A_526, %get3A_527] {strides = array<i32>} : memref<128x64xf32, #tpu.memory_space<vmem>>, vector<1x16xf32>,
        %get3A_529 = vector.shape_cast %get3A_528 : vector<1x16xf32> to vector<16xf32>
        %swap3A_530 = arith.index_cast %add3A_523 : i32 to index
        %swap3A_531 = arith.constant 16 : index
        %swap3A_532 = tpu.vector_load %arg9[%swap3A_530, %swap3A_531] {strides = array<i32>} : memref<128x128xf32, #tpu.memory_space<vmem>>, vector<1x16xf32>,
        %swap3A_533 = vector.shape_cast %swap3A_532 : vector<1x16xf32> to vector<16xf32>
        %swap3A_534 = vector.shape_cast %get3A_529 : vector<16xf32> to vector<1x16xf32>
        tpu.vector_store %arg9[%swap3A_530, %swap3A_531], %swap3A_534 {add = true, strides = array<i32>} : memref<128x128xf32, #tpu.memory_space<vmem>>, vector<1x16xf32>,
        %add3A_535 = arith.constant 1 : i32
        %add3A_536 = arith.addi %mul3A_458, %add3A_535 : i32
        %add3A_537 = arith.constant 1 : i32
        %add3A_538 = arith.addi %mul3A_458, %add3A_537 : i32
        %get3A_539 = arith.index_cast %add3A_538 : i32 to index
        %get3A_540 = arith.constant 32 : index
        %get3A_541 = tpu.vector_load %arg6[%get3A_539, %get3A_540] {strides = array<i32>} : memref<128x64xf32, #tpu.memory_space<vmem>>, vector<1x16xf32>,
        %get3A_542 = vector.shape_cast %get3A_541 : vector<1x16xf32> to vector<16xf32>
        %swap3A_543 = arith.index_cast %add3A_536 : i32 to index
        %swap3A_544 = arith.constant 32 : index
        %swap3A_545 = tpu.vector_load %arg9[%swap3A_543, %swap3A_544] {strides = array<i32>} : memref<128x128xf32, #tpu.memory_space<vmem>>, vector<1x16xf32>,
        %swap3A_546 = vector.shape_cast %swap3A_545 : vector<1x16xf32> to vector<16xf32>
        %swap3A_547 = vector.shape_cast %get3A_542 : vector<16xf32> to vector<1x16xf32>
        tpu.vector_store %arg9[%swap3A_543, %swap3A_544], %swap3A_547 {add = true, strides = array<i32>} : memref<128x128xf32, #tpu.memory_space<vmem>>, vector<1x16xf32>,
        %add3A_548 = arith.constant 1 : i32
        %add3A_549 = arith.addi %mul3A_458, %add3A_548 : i32
        %add3A_550 = arith.constant 1 : i32
        %add3A_551 = arith.addi %mul3A_458, %add3A_550 : i32
        %get3A_552 = arith.index_cast %add3A_551 : i32 to index
        %get3A_553 = arith.constant 48 : index
        %get3A_554 = tpu.vector_load %arg6[%get3A_552, %get3A_553] {strides = array<i32>} : memref<128x64xf32, #tpu.memory_space<vmem>>, vector<1x16xf32>,
        %get3A_555 = vector.shape_cast %get3A_554 : vector<1x16xf32> to vector<16xf32>
        %swap3A_556 = arith.index_cast %add3A_549 : i32 to index
        %swap3A_557 = arith.constant 48 : index
        %swap3A_558 = tpu.vector_load %arg9[%swap3A_556, %swap3A_557] {strides = array<i32>} : memref<128x128xf32, #tpu.memory_space<vmem>>, vector<1x16xf32>,
        %swap3A_559 = vector.shape_cast %swap3A_558 : vector<1x16xf32> to vector<16xf32>
        %swap3A_560 = vector.shape_cast %get3A_555 : vector<16xf32> to vector<1x16xf32>
        tpu.vector_store %arg9[%swap3A_556, %swap3A_557], %swap3A_560 {add = true, strides = array<i32>} : memref<128x128xf32, #tpu.memory_space<vmem>>, vector<1x16xf32>,
        %add3A_561 = arith.constant 2 : i32
        %add3A_562 = arith.addi %mul3A_458, %add3A_561 : i32
        %add3A_563 = arith.constant 2 : i32
        %add3A_564 = arith.addi %mul3A_458, %add3A_563 : i32
        %get3A_565 = arith.index_cast %add3A_564 : i32 to index
        %get3A_566 = arith.constant 0 : index
        %get3A_567 = tpu.vector_load %arg6[%get3A_565, %get3A_566] {strides = array<i32>} : memref<128x64xf32, #tpu.memory_space<vmem>>, vector<1x16xf32>,
        %get3A_568 = vector.shape_cast %get3A_567 : vector<1x16xf32> to vector<16xf32>
        %swap3A_569 = arith.index_cast %add3A_562 : i32 to index
        %swap3A_570 = arith.constant 0 : index
        %swap3A_571 = tpu.vector_load %arg9[%swap3A_569, %swap3A_570] {strides = array<i32>} : memref<128x128xf32, #tpu.memory_space<vmem>>, vector<1x16xf32>,
        %swap3A_572 = vector.shape_cast %swap3A_571 : vector<1x16xf32> to vector<16xf32>
        %swap3A_573 = vector.shape_cast %get3A_568 : vector<16xf32> to vector<1x16xf32>
        tpu.vector_store %arg9[%swap3A_569, %swap3A_570], %swap3A_573 {add = true, strides = array<i32>} : memref<128x128xf32, #tpu.memory_space<vmem>>, vector<1x16xf32>,
        %add3A_574 = arith.constant 2 : i32
        %add3A_575 = arith.addi %mul3A_458, %add3A_574 : i32
        %add3A_576 = arith.constant 2 : i32
        %add3A_577 = arith.addi %mul3A_458, %add3A_576 : i32
        %get3A_578 = arith.index_cast %add3A_577 : i32 to index
        %get3A_579 = arith.constant 16 : index
        %get3A_580 = tpu.vector_load %arg6[%get3A_578, %get3A_579] {strides = array<i32>} : memref<128x64xf32, #tpu.memory_space<vmem>>, vector<1x16xf32>,
        %get3A_581 = vector.shape_cast %get3A_580 : vector<1x16xf32> to vector<16xf32>
        %swap3A_582 = arith.index_cast %add3A_575 : i32 to index
        %swap3A_583 = arith.constant 16 : index
        %swap3A_584 = tpu.vector_load %arg9[%swap3A_582, %swap3A_583] {strides = array<i32>} : memref<128x128xf32, #tpu.memory_space<vmem>>, vector<1x16xf32>,
        %swap3A_585 = vector.shape_cast %swap3A_584 : vector<1x16xf32> to vector<16xf32>
        %swap3A_586 = vector.shape_cast %get3A_581 : vector<16xf32> to vector<1x16xf32>
        tpu.vector_store %arg9[%swap3A_582, %swap3A_583], %swap3A_586 {add = true, strides = array<i32>} : memref<128x128xf32, #tpu.memory_space<vmem>>, vector<1x16xf32>,
        %add3A_587 = arith.constant 2 : i32
        %add3A_588 = arith.addi %mul3A_458, %add3A_587 : i32
        %add3A_589 = arith.constant 2 : i32
        %add3A_590 = arith.addi %mul3A_458, %add3A_589 : i32
        %get3A_591 = arith.index_cast %add3A_590 : i32 to index
        %get3A_592 = arith.constant 32 : index
        %get3A_593 = tpu.vector_load %arg6[%get3A_591, %get3A_592] {strides = array<i32>} : memref<128x64xf32, #tpu.memory_space<vmem>>, vector<1x16xf32>,
        %get3A_594 = vector.shape_cast %get3A_593 : vector<1x16xf32> to vector<16xf32>
        %swap3A_595 = arith.index_cast %add3A_588 : i32 to index
        %swap3A_596 = arith.constant 32 : index
        %swap3A_597 = tpu.vector_load %arg9[%swap3A_595, %swap3A_596] {strides = array<i32>} : memref<128x128xf32, #tpu.memory_space<vmem>>, vector<1x16xf32>,
        %swap3A_598 = vector.shape_cast %swap3A_597 : vector<1x16xf32> to vector<16xf32>
        %swap3A_599 = vector.shape_cast %get3A_594 : vector<16xf32> to vector<1x16xf32>
        tpu.vector_store %arg9[%swap3A_595, %swap3A_596], %swap3A_599 {add = true, strides = array<i32>} : memref<128x128xf32, #tpu.memory_space<vmem>>, vector<1x16xf32>,
        %add3A_600 = arith.constant 2 : i32
        %add3A_601 = arith.addi %mul3A_458, %add3A_600 : i32
        %add3A_602 = arith.constant 2 : i32
        %add3A_603 = arith.addi %mul3A_458, %add3A_602 : i32
        %get3A_604 = arith.index_cast %add3A_603 : i32 to index
        %get3A_605 = arith.constant 48 : index
        %get3A_606 = tpu.vector_load %arg6[%get3A_604, %get3A_605] {strides = array<i32>} : memref<128x64xf32, #tpu.memory_space<vmem>>, vector<1x16xf32>,
        %get3A_607 = vector.shape_cast %get3A_606 : vector<1x16xf32> to vector<16xf32>
        %swap3A_608 = arith.index_cast %add3A_601 : i32 to index
        %swap3A_609 = arith.constant 48 : index
        %swap3A_610 = tpu.vector_load %arg9[%swap3A_608, %swap3A_609] {strides = array<i32>} : memref<128x128xf32, #tpu.memory_space<vmem>>, vector<1x16xf32>,
        %swap3A_611 = vector.shape_cast %swap3A_610 : vector<1x16xf32> to vector<16xf32>
        %swap3A_612 = vector.shape_cast %get3A_607 : vector<16xf32> to vector<1x16xf32>
        tpu.vector_store %arg9[%swap3A_608, %swap3A_609], %swap3A_612 {add = true, strides = array<i32>} : memref<128x128xf32, #tpu.memory_space<vmem>>, vector<1x16xf32>,
        %add3A_613 = arith.constant 3 : i32
        %add3A_614 = arith.addi %mul3A_458, %add3A_613 : i32
        %add3A_615 = arith.constant 3 : i32
        %add3A_616 = arith.addi %mul3A_458, %add3A_615 : i32
        %get3A_617 = arith.index_cast %add3A_616 : i32 to index
        %get3A_618 = arith.constant 0 : index
        %get3A_619 = tpu.vector_load %arg6[%get3A_617, %get3A_618] {strides = array<i32>} : memref<128x64xf32, #tpu.memory_space<vmem>>, vector<1x16xf32>,
        %get3A_620 = vector.shape_cast %get3A_619 : vector<1x16xf32> to vector<16xf32>
        %swap3A_621 = arith.index_cast %add3A_614 : i32 to index
        %swap3A_622 = arith.constant 0 : index
        %swap3A_623 = tpu.vector_load %arg9[%swap3A_621, %swap3A_622] {strides = array<i32>} : memref<128x128xf32, #tpu.memory_space<vmem>>, vector<1x16xf32>,
        %swap3A_624 = vector.shape_cast %swap3A_623 : vector<1x16xf32> to vector<16xf32>
        %swap3A_625 = vector.shape_cast %get3A_620 : vector<16xf32> to vector<1x16xf32>
        tpu.vector_store %arg9[%swap3A_621, %swap3A_622], %swap3A_625 {add = true, strides = array<i32>} : memref<128x128xf32, #tpu.memory_space<vmem>>, vector<1x16xf32>,
        %add3A_626 = arith.constant 3 : i32
        %add3A_627 = arith.addi %mul3A_458, %add3A_626 : i32
        %add3A_628 = arith.constant 3 : i32
        %add3A_629 = arith.addi %mul3A_458, %add3A_628 : i32
        %get3A_630 = arith.index_cast %add3A_629 : i32 to index
        %get3A_631 = arith.constant 16 : index
        %get3A_632 = tpu.vector_load %arg6[%get3A_630, %get3A_631] {strides = array<i32>} : memref<128x64xf32, #tpu.memory_space<vmem>>, vector<1x16xf32>,
        %get3A_633 = vector.shape_cast %get3A_632 : vector<1x16xf32> to vector<16xf32>
        %swap3A_634 = arith.index_cast %add3A_627 : i32 to index
        %swap3A_635 = arith.constant 16 : index
        %swap3A_636 = tpu.vector_load %arg9[%swap3A_634, %swap3A_635] {strides = array<i32>} : memref<128x128xf32, #tpu.memory_space<vmem>>, vector<1x16xf32>,
        %swap3A_637 = vector.shape_cast %swap3A_636 : vector<1x16xf32> to vector<16xf32>
        %swap3A_638 = vector.shape_cast %get3A_633 : vector<16xf32> to vector<1x16xf32>
        tpu.vector_store %arg9[%swap3A_634, %swap3A_635], %swap3A_638 {add = true, strides = array<i32>} : memref<128x128xf32, #tpu.memory_space<vmem>>, vector<1x16xf32>,
        %add3A_639 = arith.constant 3 : i32
        %add3A_640 = arith.addi %mul3A_458, %add3A_639 : i32
        %add3A_641 = arith.constant 3 : i32
        %add3A_642 = arith.addi %mul3A_458, %add3A_641 : i32
        %get3A_643 = arith.index_cast %add3A_642 : i32 to index
        %get3A_644 = arith.constant 32 : index
        %get3A_645 = tpu.vector_load %arg6[%get3A_643, %get3A_644] {strides = array<i32>} : memref<128x64xf32, #tpu.memory_space<vmem>>, vector<1x16xf32>,
        %get3A_646 = vector.shape_cast %get3A_645 : vector<1x16xf32> to vector<16xf32>
        %swap3A_647 = arith.index_cast %add3A_640 : i32 to index
        %swap3A_648 = arith.constant 32 : index
        %swap3A_649 = tpu.vector_load %arg9[%swap3A_647, %swap3A_648] {strides = array<i32>} : memref<128x128xf32, #tpu.memory_space<vmem>>, vector<1x16xf32>,
        %swap3A_650 = vector.shape_cast %swap3A_649 : vector<1x16xf32> to vector<16xf32>
        %swap3A_651 = vector.shape_cast %get3A_646 : vector<16xf32> to vector<1x16xf32>
        tpu.vector_store %arg9[%swap3A_647, %swap3A_648], %swap3A_651 {add = true, strides = array<i32>} : memref<128x128xf32, #tpu.memory_space<vmem>>, vector<1x16xf32>,
        %add3A_652 = arith.constant 3 : i32
        %add3A_653 = arith.addi %mul3A_458, %add3A_652 : i32
        %add3A_654 = arith.constant 3 : i32
        %add3A_655 = arith.addi %mul3A_458, %add3A_654 : i32
        %get3A_656 = arith.index_cast %add3A_655 : i32 to index
        %get3A_657 = arith.constant 48 : index
        %get3A_658 = tpu.vector_load %arg6[%get3A_656, %get3A_657] {strides = array<i32>} : memref<128x64xf32, #tpu.memory_space<vmem>>, vector<1x16xf32>,
        %get3A_659 = vector.shape_cast %get3A_658 : vector<1x16xf32> to vector<16xf32>
        %swap3A_660 = arith.index_cast %add3A_653 : i32 to index
        %swap3A_661 = arith.constant 48 : index
        %swap3A_662 = tpu.vector_load %arg9[%swap3A_660, %swap3A_661] {strides = array<i32>} : memref<128x128xf32, #tpu.memory_space<vmem>>, vector<1x16xf32>,
        %swap3A_663 = vector.shape_cast %swap3A_662 : vector<1x16xf32> to vector<16xf32>
        %swap3A_664 = vector.shape_cast %get3A_659 : vector<16xf32> to vector<1x16xf32>
        tpu.vector_store %arg9[%swap3A_660, %swap3A_661], %swap3A_664 {add = true, strides = array<i32>} : memref<128x128xf32, #tpu.memory_space<vmem>>, vector<1x16xf32>,
      }
      %scan3A_368 = arith.constant 32 : i32
      %add3A_369 = arith.addi %mul3A_34, %add3A_338 : i32
      %mul3A_370 = arith.constant 2048 : i32
      %mul3A_371 = arith.muli %add3A_369, %mul3A_370 : i32
      %add3A_372 = arith.addi %mul3A_371, %mul3A_11 : i32
      %dma_start3A_373 = arith.constant 0 : i32
      %dma_start3A_374 = tpu.memref_slice %arg5[%add3A_372, %dma_start3A_373] : memref<2097152x128xf32, #tpu.memory_space<hbm>> -> memref<128x128xf32, #tpu.memory_space<hbm>>
      %dma_start3A_375 = arith.constant 0 : i32
      %dma_start3A_376 = tpu.memref_slice %arg5[%add3A_372, %dma_start3A_375] : memref<2097152x128xf32, #tpu.memory_space<hbm>> -> memref<128x128xf32, #tpu.memory_space<hbm>>
      tpu.enqueue_dma source(%arg9 : memref<128x128xf32, #tpu.memory_space<vmem>>) target(%dma_start3A_376 : memref<128x128xf32, #tpu.memory_space<hbm>>) target_semaphore(%arg17 : memref<!tpu.dma_semaphore, #tpu.memory_space<semaphore_mem>>)
      %mul3A_377 = arith.constant 8 : i32
      %mul3A_378 = arith.muli %scan3A_98, %mul3A_377 : i32
      %add3A_379 = arith.constant 6 : i32
      %add3A_380 = arith.addi %mul3A_378, %add3A_379 : i32
      %sub3A_381 = arith.constant 2 : i32
      %sub3A_382 = arith.subi %add3A_380, %sub3A_381 : i32
      %add3A_383 = arith.addi %mul3A_34, %sub3A_382 : i32
      %mul3A_384 = arith.constant 2048 : i32
      %mul3A_385 = arith.muli %add3A_383, %mul3A_384 : i32
      %add3A_386 = arith.addi %mul3A_385, %mul3A_11 : i32
      %dma_wait3A_387 = arith.constant 0 : i32
      %dma_wait3A_388 = tpu.memref_slice %arg5[%add3A_386, %dma_wait3A_387] : memref<2097152x128xf32, #tpu.memory_space<hbm>> -> memref<128x128xf32, #tpu.memory_space<hbm>>
      %dma_wait3A_389 = arith.constant 0 : i32
      %dma_wait3A_390 = tpu.memref_slice %arg5[%add3A_386, %dma_wait3A_389] : memref<2097152x128xf32, #tpu.memory_space<hbm>> -> memref<128x128xf32, #tpu.memory_space<hbm>>
      tpu.wait_dma2 semaphore(%arg16 : memref<!tpu.dma_semaphore, #tpu.memory_space<semaphore_mem>>) src(%arg8 : memref<128x128xf32, #tpu.memory_space<vmem>>) dst(%dma_wait3A_390 : memref<128x128xf32, #tpu.memory_space<hbm>>)
      %convert_element_type3A_391 = arith.extui %lt3A_134 : i1 to i32
      %cond3A_392 = arith.constant 0 : i32
      %cond3A_393 = arith.cmpi ne, %convert_element_type3A_391, %cond3A_392 : i32
      scf.if %cond3A_393 {
        %add3A_456 = arith.constant 1 : i32
        %add3A_457 = arith.addi %scan3A_98, %add3A_456 : i32
        %mul3A_458 = arith.constant 8 : i32
        %mul3A_459 = arith.muli %add3A_457, %mul3A_458 : i32
        %add3A_460 = arith.addi %mul3A_34, %mul3A_459 : i32
        %dma_wait3A_461 = arith.constant 0 : i32
        %dma_wait3A_462 = arith.constant 0 : i32
        %dma_wait3A_463 = tpu.memref_slice %arg7[%select_n3A_132, %dma_wait3A_461, %dma_wait3A_462] : memref<2x8x128xi32, #tpu.memory_space<vmem>> -> memref<1x8x128xi32, #tpu.memory_space<vmem>>
        %dma_wait3A_464 = tpu.memref_squeeze %dma_wait3A_463 : memref<1x8x128xi32, #tpu.memory_space<vmem>> -> memref<8x128xi32, #tpu.memory_space<vmem>>
        %dma_wait3A_465 = tpu.memref_slice %arg2[%add3A_460, %mul3A_11] : memref<1024x2048xi32, #tpu.memory_space<hbm>> -> memref<8x128xi32, #tpu.memory_space<hbm>>
        %dma_wait3A_466 = arith.constant 0 : i32
        %dma_wait3A_467 = arith.constant 0 : i32
        %dma_wait3A_468 = tpu.memref_slice %arg7[%select_n3A_132, %dma_wait3A_466, %dma_wait3A_467] : memref<2x8x128xi32, #tpu.memory_space<vmem>> -> memref<1x8x128xi32, #tpu.memory_space<vmem>>
        %dma_wait3A_469 = tpu.memref_squeeze %dma_wait3A_468 : memref<1x8x128xi32, #tpu.memory_space<vmem>> -> memref<8x128xi32, #tpu.memory_space<vmem>>
        %dma_wait3A_470 = tpu.memref_slice %arg2[%add3A_460, %mul3A_11] : memref<1024x2048xi32, #tpu.memory_space<hbm>> -> memref<8x128xi32, #tpu.memory_space<hbm>>
        tpu.wait_dma2 semaphore(%arg20 : memref<!tpu.dma_semaphore, #tpu.memory_space<semaphore_mem>>) src(%dma_wait3A_470 : memref<8x128xi32, #tpu.memory_space<hbm>>) dst(%dma_wait3A_469 : memref<8x128xi32, #tpu.memory_space<vmem>>)
      } else {
      }
      %convert_element_type3A_394 = arith.extui %lt3A_134 : i1 to i32
      %cond3A_395 = arith.constant 0 : i32
      %cond3A_396 = arith.cmpi ne, %convert_element_type3A_394, %cond3A_395 : i32
      scf.if %cond3A_396 {
        %dma_start3A_456 = arith.constant 0 : i32
        %dma_start3A_457 = arith.constant 0 : i32
        %dma_start3A_458 = tpu.memref_slice %arg7[%select_n3A_132, %dma_start3A_456, %dma_start3A_457] : memref<2x8x128xi32, #tpu.memory_space<vmem>> -> memref<1x1x128xi32, #tpu.memory_space<vmem>>
        %dma_start3A_459 = tpu.memref_squeeze %dma_start3A_458 : memref<1x1x128xi32, #tpu.memory_space<vmem>> -> memref<128xi32, #tpu.memory_space<vmem>>
        %dma_start3A_460 = arith.constant 0 : i32
        %dma_start3A_461 = arith.constant 0 : i32
        %dma_start3A_462 = tpu.memref_slice %arg3[%dma_start3A_460, %dma_start3A_461] : memref<1000000x128xf32, #tpu.memory_space<hbm>> -> memref<1000000x128xf32, #tpu.memory_space<hbm>>
        tpu.enqueue_indirect_dma source(%dma_start3A_462 : memref<1000000x128xf32, #tpu.memory_space<hbm>>) target(%arg8 : memref<128x128xf32, #tpu.memory_space<vmem>>) offsets(%dma_start3A_459 : memref<128xi32, #tpu.memory_space<vmem>>) semaphore(%arg12 : memref<!tpu.dma_semaphore, #tpu.memory_space<semaphore_mem>>)
      } else {
      }
      %dma_wait3A_397 = arith.constant 6 : i32
      %dma_wait3A_398 = arith.constant 0 : i32
      %dma_wait3A_399 = tpu.memref_slice %arg7[%select_n3A_114, %dma_wait3A_397, %dma_wait3A_398] : memref<2x8x128xi32, #tpu.memory_space<vmem>> -> memref<1x1x128xi32, #tpu.memory_space<vmem>>
      %dma_wait3A_400 = tpu.memref_squeeze %dma_wait3A_399 : memref<1x1x128xi32, #tpu.memory_space<vmem>> -> memref<128xi32, #tpu.memory_space<vmem>>
      %dma_wait3A_401 = arith.constant 0 : i32
      %dma_wait3A_402 = arith.constant 0 : i32
      %dma_wait3A_403 = tpu.memref_slice %arg3[%dma_wait3A_401, %dma_wait3A_402] : memref<1000000x128xf32, #tpu.memory_space<hbm>> -> memref<1000000x128xf32, #tpu.memory_space<hbm>>
      tpu.wait_indirect_dma semaphore(%arg14 : memref<!tpu.dma_semaphore, #tpu.memory_space<semaphore_mem>>) src(%dma_wait3A_403 : memref<1000000x128xf32, #tpu.memory_space<hbm>>) dst(%arg10 : memref<128x128xf32, #tpu.memory_space<vmem>>)
      %scan3A_404 = arith.constant 0 : i32
      %scan3A_405 = arith.constant 0 : i32
      %scan3A_406 = arith.constant 32 : i32
      %scan3A_407 = arith.addi %scan3A_405, %scan3A_406 : i32
      %scan3A_408 = arith.constant 1 : i32
      scf.for %scan3A_456 = %scan3A_405 to %scan3A_407 step %scan3A_408  : i32 {
        %mul3A_457 = arith.constant 4 : i32
        %mul3A_458 = arith.muli %scan3A_456, %mul3A_457 : i32
        %add3A_459 = arith.constant 0 : i32
        %add3A_460 = arith.addi %mul3A_458, %add3A_459 : i32
        %add3A_461 = arith.constant 0 : i32
        %add3A_462 = arith.addi %mul3A_458, %add3A_461 : i32
        %get3A = arith.index_cast %add3A_462 : i32 to index
        %get3A_463 = arith.constant 0 : index
        %get3A_464 = tpu.vector_load %arg6[%get3A, %get3A_463] {strides = array<i32>} : memref<128x64xf32, #tpu.memory_space<vmem>>, vector<1x16xf32>,
        %get3A_465 = vector.shape_cast %get3A_464 : vector<1x16xf32> to vector<16xf32>
        %swap3A = arith.index_cast %add3A_460 : i32 to index
        %swap3A_466 = arith.constant 0 : index
        %swap3A_467 = tpu.vector_load %arg10[%swap3A, %swap3A_466] {strides = array<i32>} : memref<128x128xf32, #tpu.memory_space<vmem>>, vector<1x16xf32>,
        %swap3A_468 = vector.shape_cast %swap3A_467 : vector<1x16xf32> to vector<16xf32>
        %swap3A_469 = vector.shape_cast %get3A_465 : vector<16xf32> to vector<1x16xf32>
        tpu.vector_store %arg10[%swap3A, %swap3A_466], %swap3A_469 {add = true, strides = array<i32>} : memref<128x128xf32, #tpu.memory_space<vmem>>, vector<1x16xf32>,
        %add3A_470 = arith.constant 0 : i32
        %add3A_471 = arith.addi %mul3A_458, %add3A_470 : i32
        %add3A_472 = arith.constant 0 : i32
        %add3A_473 = arith.addi %mul3A_458, %add3A_472 : i32
        %get3A_474 = arith.index_cast %add3A_473 : i32 to index
        %get3A_475 = arith.constant 16 : index
        %get3A_476 = tpu.vector_load %arg6[%get3A_474, %get3A_475] {strides = array<i32>} : memref<128x64xf32, #tpu.memory_space<vmem>>, vector<1x16xf32>,
        %get3A_477 = vector.shape_cast %get3A_476 : vector<1x16xf32> to vector<16xf32>
        %swap3A_478 = arith.index_cast %add3A_471 : i32 to index
        %swap3A_479 = arith.constant 16 : index
        %swap3A_480 = tpu.vector_load %arg10[%swap3A_478, %swap3A_479] {strides = array<i32>} : memref<128x128xf32, #tpu.memory_space<vmem>>, vector<1x16xf32>,
        %swap3A_481 = vector.shape_cast %swap3A_480 : vector<1x16xf32> to vector<16xf32>
        %swap3A_482 = vector.shape_cast %get3A_477 : vector<16xf32> to vector<1x16xf32>
        tpu.vector_store %arg10[%swap3A_478, %swap3A_479], %swap3A_482 {add = true, strides = array<i32>} : memref<128x128xf32, #tpu.memory_space<vmem>>, vector<1x16xf32>,
        %add3A_483 = arith.constant 0 : i32
        %add3A_484 = arith.addi %mul3A_458, %add3A_483 : i32
        %add3A_485 = arith.constant 0 : i32
        %add3A_486 = arith.addi %mul3A_458, %add3A_485 : i32
        %get3A_487 = arith.index_cast %add3A_486 : i32 to index
        %get3A_488 = arith.constant 32 : index
        %get3A_489 = tpu.vector_load %arg6[%get3A_487, %get3A_488] {strides = array<i32>} : memref<128x64xf32, #tpu.memory_space<vmem>>, vector<1x16xf32>,
        %get3A_490 = vector.shape_cast %get3A_489 : vector<1x16xf32> to vector<16xf32>
        %swap3A_491 = arith.index_cast %add3A_484 : i32 to index
        %swap3A_492 = arith.constant 32 : index
        %swap3A_493 = tpu.vector_load %arg10[%swap3A_491, %swap3A_492] {strides = array<i32>} : memref<128x128xf32, #tpu.memory_space<vmem>>, vector<1x16xf32>,
        %swap3A_494 = vector.shape_cast %swap3A_493 : vector<1x16xf32> to vector<16xf32>
        %swap3A_495 = vector.shape_cast %get3A_490 : vector<16xf32> to vector<1x16xf32>
        tpu.vector_store %arg10[%swap3A_491, %swap3A_492], %swap3A_495 {add = true, strides = array<i32>} : memref<128x128xf32, #tpu.memory_space<vmem>>, vector<1x16xf32>,
        %add3A_496 = arith.constant 0 : i32
        %add3A_497 = arith.addi %mul3A_458, %add3A_496 : i32
        %add3A_498 = arith.constant 0 : i32
        %add3A_499 = arith.addi %mul3A_458, %add3A_498 : i32
        %get3A_500 = arith.index_cast %add3A_499 : i32 to index
        %get3A_501 = arith.constant 48 : index
        %get3A_502 = tpu.vector_load %arg6[%get3A_500, %get3A_501] {strides = array<i32>} : memref<128x64xf32, #tpu.memory_space<vmem>>, vector<1x16xf32>,
        %get3A_503 = vector.shape_cast %get3A_502 : vector<1x16xf32> to vector<16xf32>
        %swap3A_504 = arith.index_cast %add3A_497 : i32 to index
        %swap3A_505 = arith.constant 48 : index
        %swap3A_506 = tpu.vector_load %arg10[%swap3A_504, %swap3A_505] {strides = array<i32>} : memref<128x128xf32, #tpu.memory_space<vmem>>, vector<1x16xf32>,
        %swap3A_507 = vector.shape_cast %swap3A_506 : vector<1x16xf32> to vector<16xf32>
        %swap3A_508 = vector.shape_cast %get3A_503 : vector<16xf32> to vector<1x16xf32>
        tpu.vector_store %arg10[%swap3A_504, %swap3A_505], %swap3A_508 {add = true, strides = array<i32>} : memref<128x128xf32, #tpu.memory_space<vmem>>, vector<1x16xf32>,
        %add3A_509 = arith.constant 1 : i32
        %add3A_510 = arith.addi %mul3A_458, %add3A_509 : i32
        %add3A_511 = arith.constant 1 : i32
        %add3A_512 = arith.addi %mul3A_458, %add3A_511 : i32
        %get3A_513 = arith.index_cast %add3A_512 : i32 to index
        %get3A_514 = arith.constant 0 : index
        %get3A_515 = tpu.vector_load %arg6[%get3A_513, %get3A_514] {strides = array<i32>} : memref<128x64xf32, #tpu.memory_space<vmem>>, vector<1x16xf32>,
        %get3A_516 = vector.shape_cast %get3A_515 : vector<1x16xf32> to vector<16xf32>
        %swap3A_517 = arith.index_cast %add3A_510 : i32 to index
        %swap3A_518 = arith.constant 0 : index
        %swap3A_519 = tpu.vector_load %arg10[%swap3A_517, %swap3A_518] {strides = array<i32>} : memref<128x128xf32, #tpu.memory_space<vmem>>, vector<1x16xf32>,
        %swap3A_520 = vector.shape_cast %swap3A_519 : vector<1x16xf32> to vector<16xf32>
        %swap3A_521 = vector.shape_cast %get3A_516 : vector<16xf32> to vector<1x16xf32>
        tpu.vector_store %arg10[%swap3A_517, %swap3A_518], %swap3A_521 {add = true, strides = array<i32>} : memref<128x128xf32, #tpu.memory_space<vmem>>, vector<1x16xf32>,
        %add3A_522 = arith.constant 1 : i32
        %add3A_523 = arith.addi %mul3A_458, %add3A_522 : i32
        %add3A_524 = arith.constant 1 : i32
        %add3A_525 = arith.addi %mul3A_458, %add3A_524 : i32
        %get3A_526 = arith.index_cast %add3A_525 : i32 to index
        %get3A_527 = arith.constant 16 : index
        %get3A_528 = tpu.vector_load %arg6[%get3A_526, %get3A_527] {strides = array<i32>} : memref<128x64xf32, #tpu.memory_space<vmem>>, vector<1x16xf32>,
        %get3A_529 = vector.shape_cast %get3A_528 : vector<1x16xf32> to vector<16xf32>
        %swap3A_530 = arith.index_cast %add3A_523 : i32 to index
        %swap3A_531 = arith.constant 16 : index
        %swap3A_532 = tpu.vector_load %arg10[%swap3A_530, %swap3A_531] {strides = array<i32>} : memref<128x128xf32, #tpu.memory_space<vmem>>, vector<1x16xf32>,
        %swap3A_533 = vector.shape_cast %swap3A_532 : vector<1x16xf32> to vector<16xf32>
        %swap3A_534 = vector.shape_cast %get3A_529 : vector<16xf32> to vector<1x16xf32>
        tpu.vector_store %arg10[%swap3A_530, %swap3A_531], %swap3A_534 {add = true, strides = array<i32>} : memref<128x128xf32, #tpu.memory_space<vmem>>, vector<1x16xf32>,
        %add3A_535 = arith.constant 1 : i32
        %add3A_536 = arith.addi %mul3A_458, %add3A_535 : i32
        %add3A_537 = arith.constant 1 : i32
        %add3A_538 = arith.addi %mul3A_458, %add3A_537 : i32
        %get3A_539 = arith.index_cast %add3A_538 : i32 to index
        %get3A_540 = arith.constant 32 : index
        %get3A_541 = tpu.vector_load %arg6[%get3A_539, %get3A_540] {strides = array<i32>} : memref<128x64xf32, #tpu.memory_space<vmem>>, vector<1x16xf32>,
        %get3A_542 = vector.shape_cast %get3A_541 : vector<1x16xf32> to vector<16xf32>
        %swap3A_543 = arith.index_cast %add3A_536 : i32 to index
        %swap3A_544 = arith.constant 32 : index
        %swap3A_545 = tpu.vector_load %arg10[%swap3A_543, %swap3A_544] {strides = array<i32>} : memref<128x128xf32, #tpu.memory_space<vmem>>, vector<1x16xf32>,
        %swap3A_546 = vector.shape_cast %swap3A_545 : vector<1x16xf32> to vector<16xf32>
        %swap3A_547 = vector.shape_cast %get3A_542 : vector<16xf32> to vector<1x16xf32>
        tpu.vector_store %arg10[%swap3A_543, %swap3A_544], %swap3A_547 {add = true, strides = array<i32>} : memref<128x128xf32, #tpu.memory_space<vmem>>, vector<1x16xf32>,
        %add3A_548 = arith.constant 1 : i32
        %add3A_549 = arith.addi %mul3A_458, %add3A_548 : i32
        %add3A_550 = arith.constant 1 : i32
        %add3A_551 = arith.addi %mul3A_458, %add3A_550 : i32
        %get3A_552 = arith.index_cast %add3A_551 : i32 to index
        %get3A_553 = arith.constant 48 : index
        %get3A_554 = tpu.vector_load %arg6[%get3A_552, %get3A_553] {strides = array<i32>} : memref<128x64xf32, #tpu.memory_space<vmem>>, vector<1x16xf32>,
        %get3A_555 = vector.shape_cast %get3A_554 : vector<1x16xf32> to vector<16xf32>
        %swap3A_556 = arith.index_cast %add3A_549 : i32 to index
        %swap3A_557 = arith.constant 48 : index
        %swap3A_558 = tpu.vector_load %arg10[%swap3A_556, %swap3A_557] {strides = array<i32>} : memref<128x128xf32, #tpu.memory_space<vmem>>, vector<1x16xf32>,
        %swap3A_559 = vector.shape_cast %swap3A_558 : vector<1x16xf32> to vector<16xf32>
        %swap3A_560 = vector.shape_cast %get3A_555 : vector<16xf32> to vector<1x16xf32>
        tpu.vector_store %arg10[%swap3A_556, %swap3A_557], %swap3A_560 {add = true, strides = array<i32>} : memref<128x128xf32, #tpu.memory_space<vmem>>, vector<1x16xf32>,
        %add3A_561 = arith.constant 2 : i32
        %add3A_562 = arith.addi %mul3A_458, %add3A_561 : i32
        %add3A_563 = arith.constant 2 : i32
        %add3A_564 = arith.addi %mul3A_458, %add3A_563 : i32
        %get3A_565 = arith.index_cast %add3A_564 : i32 to index
        %get3A_566 = arith.constant 0 : index
        %get3A_567 = tpu.vector_load %arg6[%get3A_565, %get3A_566] {strides = array<i32>} : memref<128x64xf32, #tpu.memory_space<vmem>>, vector<1x16xf32>,
        %get3A_568 = vector.shape_cast %get3A_567 : vector<1x16xf32> to vector<16xf32>
        %swap3A_569 = arith.index_cast %add3A_562 : i32 to index
        %swap3A_570 = arith.constant 0 : index
        %swap3A_571 = tpu.vector_load %arg10[%swap3A_569, %swap3A_570] {strides = array<i32>} : memref<128x128xf32, #tpu.memory_space<vmem>>, vector<1x16xf32>,
        %swap3A_572 = vector.shape_cast %swap3A_571 : vector<1x16xf32> to vector<16xf32>
        %swap3A_573 = vector.shape_cast %get3A_568 : vector<16xf32> to vector<1x16xf32>
        tpu.vector_store %arg10[%swap3A_569, %swap3A_570], %swap3A_573 {add = true, strides = array<i32>} : memref<128x128xf32, #tpu.memory_space<vmem>>, vector<1x16xf32>,
        %add3A_574 = arith.constant 2 : i32
        %add3A_575 = arith.addi %mul3A_458, %add3A_574 : i32
        %add3A_576 = arith.constant 2 : i32
        %add3A_577 = arith.addi %mul3A_458, %add3A_576 : i32
        %get3A_578 = arith.index_cast %add3A_577 : i32 to index
        %get3A_579 = arith.constant 16 : index
        %get3A_580 = tpu.vector_load %arg6[%get3A_578, %get3A_579] {strides = array<i32>} : memref<128x64xf32, #tpu.memory_space<vmem>>, vector<1x16xf32>,
        %get3A_581 = vector.shape_cast %get3A_580 : vector<1x16xf32> to vector<16xf32>
        %swap3A_582 = arith.index_cast %add3A_575 : i32 to index
        %swap3A_583 = arith.constant 16 : index
        %swap3A_584 = tpu.vector_load %arg10[%swap3A_582, %swap3A_583] {strides = array<i32>} : memref<128x128xf32, #tpu.memory_space<vmem>>, vector<1x16xf32>,
        %swap3A_585 = vector.shape_cast %swap3A_584 : vector<1x16xf32> to vector<16xf32>
        %swap3A_586 = vector.shape_cast %get3A_581 : vector<16xf32> to vector<1x16xf32>
        tpu.vector_store %arg10[%swap3A_582, %swap3A_583], %swap3A_586 {add = true, strides = array<i32>} : memref<128x128xf32, #tpu.memory_space<vmem>>, vector<1x16xf32>,
        %add3A_587 = arith.constant 2 : i32
        %add3A_588 = arith.addi %mul3A_458, %add3A_587 : i32
        %add3A_589 = arith.constant 2 : i32
        %add3A_590 = arith.addi %mul3A_458, %add3A_589 : i32
        %get3A_591 = arith.index_cast %add3A_590 : i32 to index
        %get3A_592 = arith.constant 32 : index
        %get3A_593 = tpu.vector_load %arg6[%get3A_591, %get3A_592] {strides = array<i32>} : memref<128x64xf32, #tpu.memory_space<vmem>>, vector<1x16xf32>,
        %get3A_594 = vector.shape_cast %get3A_593 : vector<1x16xf32> to vector<16xf32>
        %swap3A_595 = arith.index_cast %add3A_588 : i32 to index
        %swap3A_596 = arith.constant 32 : index
        %swap3A_597 = tpu.vector_load %arg10[%swap3A_595, %swap3A_596] {strides = array<i32>} : memref<128x128xf32, #tpu.memory_space<vmem>>, vector<1x16xf32>,
        %swap3A_598 = vector.shape_cast %swap3A_597 : vector<1x16xf32> to vector<16xf32>
        %swap3A_599 = vector.shape_cast %get3A_594 : vector<16xf32> to vector<1x16xf32>
        tpu.vector_store %arg10[%swap3A_595, %swap3A_596], %swap3A_599 {add = true, strides = array<i32>} : memref<128x128xf32, #tpu.memory_space<vmem>>, vector<1x16xf32>,
        %add3A_600 = arith.constant 2 : i32
        %add3A_601 = arith.addi %mul3A_458, %add3A_600 : i32
        %add3A_602 = arith.constant 2 : i32
        %add3A_603 = arith.addi %mul3A_458, %add3A_602 : i32
        %get3A_604 = arith.index_cast %add3A_603 : i32 to index
        %get3A_605 = arith.constant 48 : index
        %get3A_606 = tpu.vector_load %arg6[%get3A_604, %get3A_605] {strides = array<i32>} : memref<128x64xf32, #tpu.memory_space<vmem>>, vector<1x16xf32>,
        %get3A_607 = vector.shape_cast %get3A_606 : vector<1x16xf32> to vector<16xf32>
        %swap3A_608 = arith.index_cast %add3A_601 : i32 to index
        %swap3A_609 = arith.constant 48 : index
        %swap3A_610 = tpu.vector_load %arg10[%swap3A_608, %swap3A_609] {strides = array<i32>} : memref<128x128xf32, #tpu.memory_space<vmem>>, vector<1x16xf32>,
        %swap3A_611 = vector.shape_cast %swap3A_610 : vector<1x16xf32> to vector<16xf32>
        %swap3A_612 = vector.shape_cast %get3A_607 : vector<16xf32> to vector<1x16xf32>
        tpu.vector_store %arg10[%swap3A_608, %swap3A_609], %swap3A_612 {add = true, strides = array<i32>} : memref<128x128xf32, #tpu.memory_space<vmem>>, vector<1x16xf32>,
        %add3A_613 = arith.constant 3 : i32
        %add3A_614 = arith.addi %mul3A_458, %add3A_613 : i32
        %add3A_615 = arith.constant 3 : i32
        %add3A_616 = arith.addi %mul3A_458, %add3A_615 : i32
        %get3A_617 = arith.index_cast %add3A_616 : i32 to index
        %get3A_618 = arith.constant 0 : index
        %get3A_619 = tpu.vector_load %arg6[%get3A_617, %get3A_618] {strides = array<i32>} : memref<128x64xf32, #tpu.memory_space<vmem>>, vector<1x16xf32>,
        %get3A_620 = vector.shape_cast %get3A_619 : vector<1x16xf32> to vector<16xf32>
        %swap3A_621 = arith.index_cast %add3A_614 : i32 to index
        %swap3A_622 = arith.constant 0 : index
        %swap3A_623 = tpu.vector_load %arg10[%swap3A_621, %swap3A_622] {strides = array<i32>} : memref<128x128xf32, #tpu.memory_space<vmem>>, vector<1x16xf32>,
        %swap3A_624 = vector.shape_cast %swap3A_623 : vector<1x16xf32> to vector<16xf32>
        %swap3A_625 = vector.shape_cast %get3A_620 : vector<16xf32> to vector<1x16xf32>
        tpu.vector_store %arg10[%swap3A_621, %swap3A_622], %swap3A_625 {add = true, strides = array<i32>} : memref<128x128xf32, #tpu.memory_space<vmem>>, vector<1x16xf32>,
        %add3A_626 = arith.constant 3 : i32
        %add3A_627 = arith.addi %mul3A_458, %add3A_626 : i32
        %add3A_628 = arith.constant 3 : i32
        %add3A_629 = arith.addi %mul3A_458, %add3A_628 : i32
        %get3A_630 = arith.index_cast %add3A_629 : i32 to index
        %get3A_631 = arith.constant 16 : index
        %get3A_632 = tpu.vector_load %arg6[%get3A_630, %get3A_631] {strides = array<i32>} : memref<128x64xf32, #tpu.memory_space<vmem>>, vector<1x16xf32>,
        %get3A_633 = vector.shape_cast %get3A_632 : vector<1x16xf32> to vector<16xf32>
        %swap3A_634 = arith.index_cast %add3A_627 : i32 to index
        %swap3A_635 = arith.constant 16 : index
        %swap3A_636 = tpu.vector_load %arg10[%swap3A_634, %swap3A_635] {strides = array<i32>} : memref<128x128xf32, #tpu.memory_space<vmem>>, vector<1x16xf32>,
        %swap3A_637 = vector.shape_cast %swap3A_636 : vector<1x16xf32> to vector<16xf32>
        %swap3A_638 = vector.shape_cast %get3A_633 : vector<16xf32> to vector<1x16xf32>
        tpu.vector_store %arg10[%swap3A_634, %swap3A_635], %swap3A_638 {add = true, strides = array<i32>} : memref<128x128xf32, #tpu.memory_space<vmem>>, vector<1x16xf32>,
        %add3A_639 = arith.constant 3 : i32
        %add3A_640 = arith.addi %mul3A_458, %add3A_639 : i32
        %add3A_641 = arith.constant 3 : i32
        %add3A_642 = arith.addi %mul3A_458, %add3A_641 : i32
        %get3A_643 = arith.index_cast %add3A_642 : i32 to index
        %get3A_644 = arith.constant 32 : index
        %get3A_645 = tpu.vector_load %arg6[%get3A_643, %get3A_644] {strides = array<i32>} : memref<128x64xf32, #tpu.memory_space<vmem>>, vector<1x16xf32>,
        %get3A_646 = vector.shape_cast %get3A_645 : vector<1x16xf32> to vector<16xf32>
        %swap3A_647 = arith.index_cast %add3A_640 : i32 to index
        %swap3A_648 = arith.constant 32 : index
        %swap3A_649 = tpu.vector_load %arg10[%swap3A_647, %swap3A_648] {strides = array<i32>} : memref<128x128xf32, #tpu.memory_space<vmem>>, vector<1x16xf32>,
        %swap3A_650 = vector.shape_cast %swap3A_649 : vector<1x16xf32> to vector<16xf32>
        %swap3A_651 = vector.shape_cast %get3A_646 : vector<16xf32> to vector<1x16xf32>
        tpu.vector_store %arg10[%swap3A_647, %swap3A_648], %swap3A_651 {add = true, strides = array<i32>} : memref<128x128xf32, #tpu.memory_space<vmem>>, vector<1x16xf32>,
        %add3A_652 = arith.constant 3 : i32
        %add3A_653 = arith.addi %mul3A_458, %add3A_652 : i32
        %add3A_654 = arith.constant 3 : i32
        %add3A_655 = arith.addi %mul3A_458, %add3A_654 : i32
        %get3A_656 = arith.index_cast %add3A_655 : i32 to index
        %get3A_657 = arith.constant 48 : index
        %get3A_658 = tpu.vector_load %arg6[%get3A_656, %get3A_657] {strides = array<i32>} : memref<128x64xf32, #tpu.memory_space<vmem>>, vector<1x16xf32>,
        %get3A_659 = vector.shape_cast %get3A_658 : vector<1x16xf32> to vector<16xf32>
        %swap3A_660 = arith.index_cast %add3A_653 : i32 to index
        %swap3A_661 = arith.constant 48 : index
        %swap3A_662 = tpu.vector_load %arg10[%swap3A_660, %swap3A_661] {strides = array<i32>} : memref<128x128xf32, #tpu.memory_space<vmem>>, vector<1x16xf32>,
        %swap3A_663 = vector.shape_cast %swap3A_662 : vector<1x16xf32> to vector<16xf32>
        %swap3A_664 = vector.shape_cast %get3A_659 : vector<16xf32> to vector<1x16xf32>
        tpu.vector_store %arg10[%swap3A_660, %swap3A_661], %swap3A_664 {add = true, strides = array<i32>} : memref<128x128xf32, #tpu.memory_space<vmem>>, vector<1x16xf32>,
      }
      %scan3A_409 = arith.constant 32 : i32
      %add3A_410 = arith.addi %mul3A_34, %add3A_380 : i32
      %mul3A_411 = arith.constant 2048 : i32
      %mul3A_412 = arith.muli %add3A_410, %mul3A_411 : i32
      %add3A_413 = arith.addi %mul3A_412, %mul3A_11 : i32
      %dma_start3A_414 = arith.constant 0 : i32
      %dma_start3A_415 = tpu.memref_slice %arg5[%add3A_413, %dma_start3A_414] : memref<2097152x128xf32, #tpu.memory_space<hbm>> -> memref<128x128xf32, #tpu.memory_space<hbm>>
      %dma_start3A_416 = arith.constant 0 : i32
      %dma_start3A_417 = tpu.memref_slice %arg5[%add3A_413, %dma_start3A_416] : memref<2097152x128xf32, #tpu.memory_space<hbm>> -> memref<128x128xf32, #tpu.memory_space<hbm>>
      tpu.enqueue_dma source(%arg10 : memref<128x128xf32, #tpu.memory_space<vmem>>) target(%dma_start3A_417 : memref<128x128xf32, #tpu.memory_space<hbm>>) target_semaphore(%arg18 : memref<!tpu.dma_semaphore, #tpu.memory_space<semaphore_mem>>)
      %mul3A_418 = arith.constant 8 : i32
      %mul3A_419 = arith.muli %scan3A_98, %mul3A_418 : i32
      %add3A_420 = arith.constant 7 : i32
      %add3A_421 = arith.addi %mul3A_419, %add3A_420 : i32
      %sub3A_422 = arith.constant 2 : i32
      %sub3A_423 = arith.subi %add3A_421, %sub3A_422 : i32
      %add3A_424 = arith.addi %mul3A_34, %sub3A_423 : i32
      %mul3A_425 = arith.constant 2048 : i32
      %mul3A_426 = arith.muli %add3A_424, %mul3A_425 : i32
      %add3A_427 = arith.addi %mul3A_426, %mul3A_11 : i32
      %dma_wait3A_428 = arith.constant 0 : i32
      %dma_wait3A_429 = tpu.memref_slice %arg5[%add3A_427, %dma_wait3A_428] : memref<2097152x128xf32, #tpu.memory_space<hbm>> -> memref<128x128xf32, #tpu.memory_space<hbm>>
      %dma_wait3A_430 = arith.constant 0 : i32
      %dma_wait3A_431 = tpu.memref_slice %arg5[%add3A_427, %dma_wait3A_430] : memref<2097152x128xf32, #tpu.memory_space<hbm>> -> memref<128x128xf32, #tpu.memory_space<hbm>>
      tpu.wait_dma2 semaphore(%arg17 : memref<!tpu.dma_semaphore, #tpu.memory_space<semaphore_mem>>) src(%arg9 : memref<128x128xf32, #tpu.memory_space<vmem>>) dst(%dma_wait3A_431 : memref<128x128xf32, #tpu.memory_space<hbm>>)
      %convert_element_type3A_432 = arith.extui %lt3A_134 : i1 to i32
      %cond3A_433 = arith.constant 0 : i32
      %cond3A_434 = arith.cmpi ne, %convert_element_type3A_432, %cond3A_433 : i32
      scf.if %cond3A_434 {
        %dma_start3A_456 = arith.constant 1 : i32
        %dma_start3A_457 = arith.constant 0 : i32
        %dma_start3A_458 = tpu.memref_slice %arg7[%select_n3A_132, %dma_start3A_456, %dma_start3A_457] : memref<2x8x128xi32, #tpu.memory_space<vmem>> -> memref<1x1x128xi32, #tpu.memory_space<vmem>>
        %dma_start3A_459 = tpu.memref_squeeze %dma_start3A_458 : memref<1x1x128xi32, #tpu.memory_space<vmem>> -> memref<128xi32, #tpu.memory_space<vmem>>
        %dma_start3A_460 = arith.constant 0 : i32
        %dma_start3A_461 = arith.constant 0 : i32
        %dma_start3A_462 = tpu.memref_slice %arg3[%dma_start3A_460, %dma_start3A_461] : memref<1000000x128xf32, #tpu.memory_space<hbm>> -> memref<1000000x128xf32, #tpu.memory_space<hbm>>
        tpu.enqueue_indirect_dma source(%dma_start3A_462 : memref<1000000x128xf32, #tpu.memory_space<hbm>>) target(%arg9 : memref<128x128xf32, #tpu.memory_space<vmem>>) offsets(%dma_start3A_459 : memref<128xi32, #tpu.memory_space<vmem>>) semaphore(%arg13 : memref<!tpu.dma_semaphore, #tpu.memory_space<semaphore_mem>>)
      } else {
      }
      %dma_wait3A_435 = arith.constant 7 : i32
      %dma_wait3A_436 = arith.constant 0 : i32
      %dma_wait3A_437 = tpu.memref_slice %arg7[%select_n3A_114, %dma_wait3A_435, %dma_wait3A_436] : memref<2x8x128xi32, #tpu.memory_space<vmem>> -> memref<1x1x128xi32, #tpu.memory_space<vmem>>
      %dma_wait3A_438 = tpu.memref_squeeze %dma_wait3A_437 : memref<1x1x128xi32, #tpu.memory_space<vmem>> -> memref<128xi32, #tpu.memory_space<vmem>>
      %dma_wait3A_439 = arith.constant 0 : i32
      %dma_wait3A_440 = arith.constant 0 : i32
      %dma_wait3A_441 = tpu.memref_slice %arg3[%dma_wait3A_439, %dma_wait3A_440] : memref<1000000x128xf32, #tpu.memory_space<hbm>> -> memref<1000000x128xf32, #tpu.memory_space<hbm>>
      tpu.wait_indirect_dma semaphore(%arg15 : memref<!tpu.dma_semaphore, #tpu.memory_space<semaphore_mem>>) src(%dma_wait3A_441 : memref<1000000x128xf32, #tpu.memory_space<hbm>>) dst(%arg11 : memref<128x128xf32, #tpu.memory_space<vmem>>)
      %scan3A_442 = arith.constant 0 : i32
      %scan3A_443 = arith.constant 0 : i32
      %scan3A_444 = arith.constant 32 : i32
      %scan3A_445 = arith.addi %scan3A_443, %scan3A_444 : i32
      %scan3A_446 = arith.constant 1 : i32
      scf.for %scan3A_456 = %scan3A_443 to %scan3A_445 step %scan3A_446  : i32 {
        %mul3A_457 = arith.constant 4 : i32
        %mul3A_458 = arith.muli %scan3A_456, %mul3A_457 : i32
        %add3A_459 = arith.constant 0 : i32
        %add3A_460 = arith.addi %mul3A_458, %add3A_459 : i32
        %add3A_461 = arith.constant 0 : i32
        %add3A_462 = arith.addi %mul3A_458, %add3A_461 : i32
        %get3A = arith.index_cast %add3A_462 : i32 to index
        %get3A_463 = arith.constant 0 : index
        %get3A_464 = tpu.vector_load %arg6[%get3A, %get3A_463] {strides = array<i32>} : memref<128x64xf32, #tpu.memory_space<vmem>>, vector<1x16xf32>,
        %get3A_465 = vector.shape_cast %get3A_464 : vector<1x16xf32> to vector<16xf32>
        %swap3A = arith.index_cast %add3A_460 : i32 to index
        %swap3A_466 = arith.constant 0 : index
        %swap3A_467 = tpu.vector_load %arg11[%swap3A, %swap3A_466] {strides = array<i32>} : memref<128x128xf32, #tpu.memory_space<vmem>>, vector<1x16xf32>,
        %swap3A_468 = vector.shape_cast %swap3A_467 : vector<1x16xf32> to vector<16xf32>
        %swap3A_469 = vector.shape_cast %get3A_465 : vector<16xf32> to vector<1x16xf32>
        tpu.vector_store %arg11[%swap3A, %swap3A_466], %swap3A_469 {add = true, strides = array<i32>} : memref<128x128xf32, #tpu.memory_space<vmem>>, vector<1x16xf32>,
        %add3A_470 = arith.constant 0 : i32
        %add3A_471 = arith.addi %mul3A_458, %add3A_470 : i32
        %add3A_472 = arith.constant 0 : i32
        %add3A_473 = arith.addi %mul3A_458, %add3A_472 : i32
        %get3A_474 = arith.index_cast %add3A_473 : i32 to index
        %get3A_475 = arith.constant 16 : index
        %get3A_476 = tpu.vector_load %arg6[%get3A_474, %get3A_475] {strides = array<i32>} : memref<128x64xf32, #tpu.memory_space<vmem>>, vector<1x16xf32>,
        %get3A_477 = vector.shape_cast %get3A_476 : vector<1x16xf32> to vector<16xf32>
        %swap3A_478 = arith.index_cast %add3A_471 : i32 to index
        %swap3A_479 = arith.constant 16 : index
        %swap3A_480 = tpu.vector_load %arg11[%swap3A_478, %swap3A_479] {strides = array<i32>} : memref<128x128xf32, #tpu.memory_space<vmem>>, vector<1x16xf32>,
        %swap3A_481 = vector.shape_cast %swap3A_480 : vector<1x16xf32> to vector<16xf32>
        %swap3A_482 = vector.shape_cast %get3A_477 : vector<16xf32> to vector<1x16xf32>
        tpu.vector_store %arg11[%swap3A_478, %swap3A_479], %swap3A_482 {add = true, strides = array<i32>} : memref<128x128xf32, #tpu.memory_space<vmem>>, vector<1x16xf32>,
        %add3A_483 = arith.constant 0 : i32
        %add3A_484 = arith.addi %mul3A_458, %add3A_483 : i32
        %add3A_485 = arith.constant 0 : i32
        %add3A_486 = arith.addi %mul3A_458, %add3A_485 : i32
        %get3A_487 = arith.index_cast %add3A_486 : i32 to index
        %get3A_488 = arith.constant 32 : index
        %get3A_489 = tpu.vector_load %arg6[%get3A_487, %get3A_488] {strides = array<i32>} : memref<128x64xf32, #tpu.memory_space<vmem>>, vector<1x16xf32>,
        %get3A_490 = vector.shape_cast %get3A_489 : vector<1x16xf32> to vector<16xf32>
        %swap3A_491 = arith.index_cast %add3A_484 : i32 to index
        %swap3A_492 = arith.constant 32 : index
        %swap3A_493 = tpu.vector_load %arg11[%swap3A_491, %swap3A_492] {strides = array<i32>} : memref<128x128xf32, #tpu.memory_space<vmem>>, vector<1x16xf32>,
        %swap3A_494 = vector.shape_cast %swap3A_493 : vector<1x16xf32> to vector<16xf32>
        %swap3A_495 = vector.shape_cast %get3A_490 : vector<16xf32> to vector<1x16xf32>
        tpu.vector_store %arg11[%swap3A_491, %swap3A_492], %swap3A_495 {add = true, strides = array<i32>} : memref<128x128xf32, #tpu.memory_space<vmem>>, vector<1x16xf32>,
        %add3A_496 = arith.constant 0 : i32
        %add3A_497 = arith.addi %mul3A_458, %add3A_496 : i32
        %add3A_498 = arith.constant 0 : i32
        %add3A_499 = arith.addi %mul3A_458, %add3A_498 : i32
        %get3A_500 = arith.index_cast %add3A_499 : i32 to index
        %get3A_501 = arith.constant 48 : index
        %get3A_502 = tpu.vector_load %arg6[%get3A_500, %get3A_501] {strides = array<i32>} : memref<128x64xf32, #tpu.memory_space<vmem>>, vector<1x16xf32>,
        %get3A_503 = vector.shape_cast %get3A_502 : vector<1x16xf32> to vector<16xf32>
        %swap3A_504 = arith.index_cast %add3A_497 : i32 to index
        %swap3A_505 = arith.constant 48 : index
        %swap3A_506 = tpu.vector_load %arg11[%swap3A_504, %swap3A_505] {strides = array<i32>} : memref<128x128xf32, #tpu.memory_space<vmem>>, vector<1x16xf32>,
        %swap3A_507 = vector.shape_cast %swap3A_506 : vector<1x16xf32> to vector<16xf32>
        %swap3A_508 = vector.shape_cast %get3A_503 : vector<16xf32> to vector<1x16xf32>
        tpu.vector_store %arg11[%swap3A_504, %swap3A_505], %swap3A_508 {add = true, strides = array<i32>} : memref<128x128xf32, #tpu.memory_space<vmem>>, vector<1x16xf32>,
        %add3A_509 = arith.constant 1 : i32
        %add3A_510 = arith.addi %mul3A_458, %add3A_509 : i32
        %add3A_511 = arith.constant 1 : i32
        %add3A_512 = arith.addi %mul3A_458, %add3A_511 : i32
        %get3A_513 = arith.index_cast %add3A_512 : i32 to index
        %get3A_514 = arith.constant 0 : index
        %get3A_515 = tpu.vector_load %arg6[%get3A_513, %get3A_514] {strides = array<i32>} : memref<128x64xf32, #tpu.memory_space<vmem>>, vector<1x16xf32>,
        %get3A_516 = vector.shape_cast %get3A_515 : vector<1x16xf32> to vector<16xf32>
        %swap3A_517 = arith.index_cast %add3A_510 : i32 to index
        %swap3A_518 = arith.constant 0 : index
        %swap3A_519 = tpu.vector_load %arg11[%swap3A_517, %swap3A_518] {strides = array<i32>} : memref<128x128xf32, #tpu.memory_space<vmem>>, vector<1x16xf32>,
        %swap3A_520 = vector.shape_cast %swap3A_519 : vector<1x16xf32> to vector<16xf32>
        %swap3A_521 = vector.shape_cast %get3A_516 : vector<16xf32> to vector<1x16xf32>
        tpu.vector_store %arg11[%swap3A_517, %swap3A_518], %swap3A_521 {add = true, strides = array<i32>} : memref<128x128xf32, #tpu.memory_space<vmem>>, vector<1x16xf32>,
        %add3A_522 = arith.constant 1 : i32
        %add3A_523 = arith.addi %mul3A_458, %add3A_522 : i32
        %add3A_524 = arith.constant 1 : i32
        %add3A_525 = arith.addi %mul3A_458, %add3A_524 : i32
        %get3A_526 = arith.index_cast %add3A_525 : i32 to index
        %get3A_527 = arith.constant 16 : index
        %get3A_528 = tpu.vector_load %arg6[%get3A_526, %get3A_527] {strides = array<i32>} : memref<128x64xf32, #tpu.memory_space<vmem>>, vector<1x16xf32>,
        %get3A_529 = vector.shape_cast %get3A_528 : vector<1x16xf32> to vector<16xf32>
        %swap3A_530 = arith.index_cast %add3A_523 : i32 to index
        %swap3A_531 = arith.constant 16 : index
        %swap3A_532 = tpu.vector_load %arg11[%swap3A_530, %swap3A_531] {strides = array<i32>} : memref<128x128xf32, #tpu.memory_space<vmem>>, vector<1x16xf32>,
        %swap3A_533 = vector.shape_cast %swap3A_532 : vector<1x16xf32> to vector<16xf32>
        %swap3A_534 = vector.shape_cast %get3A_529 : vector<16xf32> to vector<1x16xf32>
        tpu.vector_store %arg11[%swap3A_530, %swap3A_531], %swap3A_534 {add = true, strides = array<i32>} : memref<128x128xf32, #tpu.memory_space<vmem>>, vector<1x16xf32>,
        %add3A_535 = arith.constant 1 : i32
        %add3A_536 = arith.addi %mul3A_458, %add3A_535 : i32
        %add3A_537 = arith.constant 1 : i32
        %add3A_538 = arith.addi %mul3A_458, %add3A_537 : i32
        %get3A_539 = arith.index_cast %add3A_538 : i32 to index
        %get3A_540 = arith.constant 32 : index
        %get3A_541 = tpu.vector_load %arg6[%get3A_539, %get3A_540] {strides = array<i32>} : memref<128x64xf32, #tpu.memory_space<vmem>>, vector<1x16xf32>,
        %get3A_542 = vector.shape_cast %get3A_541 : vector<1x16xf32> to vector<16xf32>
        %swap3A_543 = arith.index_cast %add3A_536 : i32 to index
        %swap3A_544 = arith.constant 32 : index
        %swap3A_545 = tpu.vector_load %arg11[%swap3A_543, %swap3A_544] {strides = array<i32>} : memref<128x128xf32, #tpu.memory_space<vmem>>, vector<1x16xf32>,
        %swap3A_546 = vector.shape_cast %swap3A_545 : vector<1x16xf32> to vector<16xf32>
        %swap3A_547 = vector.shape_cast %get3A_542 : vector<16xf32> to vector<1x16xf32>
        tpu.vector_store %arg11[%swap3A_543, %swap3A_544], %swap3A_547 {add = true, strides = array<i32>} : memref<128x128xf32, #tpu.memory_space<vmem>>, vector<1x16xf32>,
        %add3A_548 = arith.constant 1 : i32
        %add3A_549 = arith.addi %mul3A_458, %add3A_548 : i32
        %add3A_550 = arith.constant 1 : i32
        %add3A_551 = arith.addi %mul3A_458, %add3A_550 : i32
        %get3A_552 = arith.index_cast %add3A_551 : i32 to index
        %get3A_553 = arith.constant 48 : index
        %get3A_554 = tpu.vector_load %arg6[%get3A_552, %get3A_553] {strides = array<i32>} : memref<128x64xf32, #tpu.memory_space<vmem>>, vector<1x16xf32>,
        %get3A_555 = vector.shape_cast %get3A_554 : vector<1x16xf32> to vector<16xf32>
        %swap3A_556 = arith.index_cast %add3A_549 : i32 to index
        %swap3A_557 = arith.constant 48 : index
        %swap3A_558 = tpu.vector_load %arg11[%swap3A_556, %swap3A_557] {strides = array<i32>} : memref<128x128xf32, #tpu.memory_space<vmem>>, vector<1x16xf32>,
        %swap3A_559 = vector.shape_cast %swap3A_558 : vector<1x16xf32> to vector<16xf32>
        %swap3A_560 = vector.shape_cast %get3A_555 : vector<16xf32> to vector<1x16xf32>
        tpu.vector_store %arg11[%swap3A_556, %swap3A_557], %swap3A_560 {add = true, strides = array<i32>} : memref<128x128xf32, #tpu.memory_space<vmem>>, vector<1x16xf32>,
        %add3A_561 = arith.constant 2 : i32
        %add3A_562 = arith.addi %mul3A_458, %add3A_561 : i32
        %add3A_563 = arith.constant 2 : i32
        %add3A_564 = arith.addi %mul3A_458, %add3A_563 : i32
        %get3A_565 = arith.index_cast %add3A_564 : i32 to index
        %get3A_566 = arith.constant 0 : index
        %get3A_567 = tpu.vector_load %arg6[%get3A_565, %get3A_566] {strides = array<i32>} : memref<128x64xf32, #tpu.memory_space<vmem>>, vector<1x16xf32>,
        %get3A_568 = vector.shape_cast %get3A_567 : vector<1x16xf32> to vector<16xf32>
        %swap3A_569 = arith.index_cast %add3A_562 : i32 to index
        %swap3A_570 = arith.constant 0 : index
        %swap3A_571 = tpu.vector_load %arg11[%swap3A_569, %swap3A_570] {strides = array<i32>} : memref<128x128xf32, #tpu.memory_space<vmem>>, vector<1x16xf32>,
        %swap3A_572 = vector.shape_cast %swap3A_571 : vector<1x16xf32> to vector<16xf32>
        %swap3A_573 = vector.shape_cast %get3A_568 : vector<16xf32> to vector<1x16xf32>
        tpu.vector_store %arg11[%swap3A_569, %swap3A_570], %swap3A_573 {add = true, strides = array<i32>} : memref<128x128xf32, #tpu.memory_space<vmem>>, vector<1x16xf32>,
        %add3A_574 = arith.constant 2 : i32
        %add3A_575 = arith.addi %mul3A_458, %add3A_574 : i32
        %add3A_576 = arith.constant 2 : i32
        %add3A_577 = arith.addi %mul3A_458, %add3A_576 : i32
        %get3A_578 = arith.index_cast %add3A_577 : i32 to index
        %get3A_579 = arith.constant 16 : index
        %get3A_580 = tpu.vector_load %arg6[%get3A_578, %get3A_579] {strides = array<i32>} : memref<128x64xf32, #tpu.memory_space<vmem>>, vector<1x16xf32>,
        %get3A_581 = vector.shape_cast %get3A_580 : vector<1x16xf32> to vector<16xf32>
        %swap3A_582 = arith.index_cast %add3A_575 : i32 to index
        %swap3A_583 = arith.constant 16 : index
        %swap3A_584 = tpu.vector_load %arg11[%swap3A_582, %swap3A_583] {strides = array<i32>} : memref<128x128xf32, #tpu.memory_space<vmem>>, vector<1x16xf32>,
        %swap3A_585 = vector.shape_cast %swap3A_584 : vector<1x16xf32> to vector<16xf32>
        %swap3A_586 = vector.shape_cast %get3A_581 : vector<16xf32> to vector<1x16xf32>
        tpu.vector_store %arg11[%swap3A_582, %swap3A_583], %swap3A_586 {add = true, strides = array<i32>} : memref<128x128xf32, #tpu.memory_space<vmem>>, vector<1x16xf32>,
        %add3A_587 = arith.constant 2 : i32
        %add3A_588 = arith.addi %mul3A_458, %add3A_587 : i32
        %add3A_589 = arith.constant 2 : i32
        %add3A_590 = arith.addi %mul3A_458, %add3A_589 : i32
        %get3A_591 = arith.index_cast %add3A_590 : i32 to index
        %get3A_592 = arith.constant 32 : index
        %get3A_593 = tpu.vector_load %arg6[%get3A_591, %get3A_592] {strides = array<i32>} : memref<128x64xf32, #tpu.memory_space<vmem>>, vector<1x16xf32>,
        %get3A_594 = vector.shape_cast %get3A_593 : vector<1x16xf32> to vector<16xf32>
        %swap3A_595 = arith.index_cast %add3A_588 : i32 to index
        %swap3A_596 = arith.constant 32 : index
        %swap3A_597 = tpu.vector_load %arg11[%swap3A_595, %swap3A_596] {strides = array<i32>} : memref<128x128xf32, #tpu.memory_space<vmem>>, vector<1x16xf32>,
        %swap3A_598 = vector.shape_cast %swap3A_597 : vector<1x16xf32> to vector<16xf32>
        %swap3A_599 = vector.shape_cast %get3A_594 : vector<16xf32> to vector<1x16xf32>
        tpu.vector_store %arg11[%swap3A_595, %swap3A_596], %swap3A_599 {add = true, strides = array<i32>} : memref<128x128xf32, #tpu.memory_space<vmem>>, vector<1x16xf32>,
        %add3A_600 = arith.constant 2 : i32
        %add3A_601 = arith.addi %mul3A_458, %add3A_600 : i32
        %add3A_602 = arith.constant 2 : i32
        %add3A_603 = arith.addi %mul3A_458, %add3A_602 : i32
        %get3A_604 = arith.index_cast %add3A_603 : i32 to index
        %get3A_605 = arith.constant 48 : index
        %get3A_606 = tpu.vector_load %arg6[%get3A_604, %get3A_605] {strides = array<i32>} : memref<128x64xf32, #tpu.memory_space<vmem>>, vector<1x16xf32>,
        %get3A_607 = vector.shape_cast %get3A_606 : vector<1x16xf32> to vector<16xf32>
        %swap3A_608 = arith.index_cast %add3A_601 : i32 to index
        %swap3A_609 = arith.constant 48 : index
        %swap3A_610 = tpu.vector_load %arg11[%swap3A_608, %swap3A_609] {strides = array<i32>} : memref<128x128xf32, #tpu.memory_space<vmem>>, vector<1x16xf32>,
        %swap3A_611 = vector.shape_cast %swap3A_610 : vector<1x16xf32> to vector<16xf32>
        %swap3A_612 = vector.shape_cast %get3A_607 : vector<16xf32> to vector<1x16xf32>
        tpu.vector_store %arg11[%swap3A_608, %swap3A_609], %swap3A_612 {add = true, strides = array<i32>} : memref<128x128xf32, #tpu.memory_space<vmem>>, vector<1x16xf32>,
        %add3A_613 = arith.constant 3 : i32
        %add3A_614 = arith.addi %mul3A_458, %add3A_613 : i32
        %add3A_615 = arith.constant 3 : i32
        %add3A_616 = arith.addi %mul3A_458, %add3A_615 : i32
        %get3A_617 = arith.index_cast %add3A_616 : i32 to index
        %get3A_618 = arith.constant 0 : index
        %get3A_619 = tpu.vector_load %arg6[%get3A_617, %get3A_618] {strides = array<i32>} : memref<128x64xf32, #tpu.memory_space<vmem>>, vector<1x16xf32>,
        %get3A_620 = vector.shape_cast %get3A_619 : vector<1x16xf32> to vector<16xf32>
        %swap3A_621 = arith.index_cast %add3A_614 : i32 to index
        %swap3A_622 = arith.constant 0 : index
        %swap3A_623 = tpu.vector_load %arg11[%swap3A_621, %swap3A_622] {strides = array<i32>} : memref<128x128xf32, #tpu.memory_space<vmem>>, vector<1x16xf32>,
        %swap3A_624 = vector.shape_cast %swap3A_623 : vector<1x16xf32> to vector<16xf32>
        %swap3A_625 = vector.shape_cast %get3A_620 : vector<16xf32> to vector<1x16xf32>
        tpu.vector_store %arg11[%swap3A_621, %swap3A_622], %swap3A_625 {add = true, strides = array<i32>} : memref<128x128xf32, #tpu.memory_space<vmem>>, vector<1x16xf32>,
        %add3A_626 = arith.constant 3 : i32
        %add3A_627 = arith.addi %mul3A_458, %add3A_626 : i32
        %add3A_628 = arith.constant 3 : i32
        %add3A_629 = arith.addi %mul3A_458, %add3A_628 : i32
        %get3A_630 = arith.index_cast %add3A_629 : i32 to index
        %get3A_631 = arith.constant 16 : index
        %get3A_632 = tpu.vector_load %arg6[%get3A_630, %get3A_631] {strides = array<i32>} : memref<128x64xf32, #tpu.memory_space<vmem>>, vector<1x16xf32>,
        %get3A_633 = vector.shape_cast %get3A_632 : vector<1x16xf32> to vector<16xf32>
        %swap3A_634 = arith.index_cast %add3A_627 : i32 to index
        %swap3A_635 = arith.constant 16 : index
        %swap3A_636 = tpu.vector_load %arg11[%swap3A_634, %swap3A_635] {strides = array<i32>} : memref<128x128xf32, #tpu.memory_space<vmem>>, vector<1x16xf32>,
        %swap3A_637 = vector.shape_cast %swap3A_636 : vector<1x16xf32> to vector<16xf32>
        %swap3A_638 = vector.shape_cast %get3A_633 : vector<16xf32> to vector<1x16xf32>
        tpu.vector_store %arg11[%swap3A_634, %swap3A_635], %swap3A_638 {add = true, strides = array<i32>} : memref<128x128xf32, #tpu.memory_space<vmem>>, vector<1x16xf32>,
        %add3A_639 = arith.constant 3 : i32
        %add3A_640 = arith.addi %mul3A_458, %add3A_639 : i32
        %add3A_641 = arith.constant 3 : i32
        %add3A_642 = arith.addi %mul3A_458, %add3A_641 : i32
        %get3A_643 = arith.index_cast %add3A_642 : i32 to index
        %get3A_644 = arith.constant 32 : index
        %get3A_645 = tpu.vector_load %arg6[%get3A_643, %get3A_644] {strides = array<i32>} : memref<128x64xf32, #tpu.memory_space<vmem>>, vector<1x16xf32>,
        %get3A_646 = vector.shape_cast %get3A_645 : vector<1x16xf32> to vector<16xf32>
        %swap3A_647 = arith.index_cast %add3A_640 : i32 to index
        %swap3A_648 = arith.constant 32 : index
        %swap3A_649 = tpu.vector_load %arg11[%swap3A_647, %swap3A_648] {strides = array<i32>} : memref<128x128xf32, #tpu.memory_space<vmem>>, vector<1x16xf32>,
        %swap3A_650 = vector.shape_cast %swap3A_649 : vector<1x16xf32> to vector<16xf32>
        %swap3A_651 = vector.shape_cast %get3A_646 : vector<16xf32> to vector<1x16xf32>
        tpu.vector_store %arg11[%swap3A_647, %swap3A_648], %swap3A_651 {add = true, strides = array<i32>} : memref<128x128xf32, #tpu.memory_space<vmem>>, vector<1x16xf32>,
        %add3A_652 = arith.constant 3 : i32
        %add3A_653 = arith.addi %mul3A_458, %add3A_652 : i32
        %add3A_654 = arith.constant 3 : i32
        %add3A_655 = arith.addi %mul3A_458, %add3A_654 : i32
        %get3A_656 = arith.index_cast %add3A_655 : i32 to index
        %get3A_657 = arith.constant 48 : index
        %get3A_658 = tpu.vector_load %arg6[%get3A_656, %get3A_657] {strides = array<i32>} : memref<128x64xf32, #tpu.memory_space<vmem>>, vector<1x16xf32>,
        %get3A_659 = vector.shape_cast %get3A_658 : vector<1x16xf32> to vector<16xf32>
        %swap3A_660 = arith.index_cast %add3A_653 : i32 to index
        %swap3A_661 = arith.constant 48 : index
        %swap3A_662 = tpu.vector_load %arg11[%swap3A_660, %swap3A_661] {strides = array<i32>} : memref<128x128xf32, #tpu.memory_space<vmem>>, vector<1x16xf32>,
        %swap3A_663 = vector.shape_cast %swap3A_662 : vector<1x16xf32> to vector<16xf32>
        %swap3A_664 = vector.shape_cast %get3A_659 : vector<16xf32> to vector<1x16xf32>
        tpu.vector_store %arg11[%swap3A_660, %swap3A_661], %swap3A_664 {add = true, strides = array<i32>} : memref<128x128xf32, #tpu.memory_space<vmem>>, vector<1x16xf32>,
      }
      %scan3A_447 = arith.constant 32 : i32
      %add3A_448 = arith.addi %mul3A_34, %add3A_421 : i32
      %mul3A_449 = arith.constant 2048 : i32
      %mul3A_450 = arith.muli %add3A_448, %mul3A_449 : i32
      %add3A_451 = arith.addi %mul3A_450, %mul3A_11 : i32
      %dma_start3A_452 = arith.constant 0 : i32
      %dma_start3A_453 = tpu.memref_slice %arg5[%add3A_451, %dma_start3A_452] : memref<2097152x128xf32, #tpu.memory_space<hbm>> -> memref<128x128xf32, #tpu.memory_space<hbm>>
      %dma_start3A_454 = arith.constant 0 : i32
      %dma_start3A_455 = tpu.memref_slice %arg5[%add3A_451, %dma_start3A_454] : memref<2097152x128xf32, #tpu.memory_space<hbm>> -> memref<128x128xf32, #tpu.memory_space<hbm>>
      tpu.enqueue_dma source(%arg11 : memref<128x128xf32, #tpu.memory_space<vmem>>) target(%dma_start3A_455 : memref<128x128xf32, #tpu.memory_space<hbm>>) target_semaphore(%arg19 : memref<!tpu.dma_semaphore, #tpu.memory_space<semaphore_mem>>)
    }
    %scan3A_79 = arith.constant 64 : i32
    %add3A_80 = arith.constant 510 : i32
    %add3A_81 = arith.addi %mul3A_34, %add3A_80 : i32
    %mul3A_82 = arith.constant 2048 : i32
    %mul3A_83 = arith.muli %add3A_81, %mul3A_82 : i32
    %add3A_84 = arith.addi %mul3A_83, %mul3A_11 : i32
    %dma_wait3A_85 = arith.constant 0 : i32
    %dma_wait3A_86 = tpu.memref_slice %arg5[%add3A_84, %dma_wait3A_85] : memref<2097152x128xf32, #tpu.memory_space<hbm>> -> memref<128x128xf32, #tpu.memory_space<hbm>>
    %dma_wait3A_87 = arith.constant 0 : i32
    %dma_wait3A_88 = tpu.memref_slice %arg5[%add3A_84, %dma_wait3A_87] : memref<2097152x128xf32, #tpu.memory_space<hbm>> -> memref<128x128xf32, #tpu.memory_space<hbm>>
    tpu.wait_dma2 semaphore(%arg18 : memref<!tpu.dma_semaphore, #tpu.memory_space<semaphore_mem>>) src(%arg10 : memref<128x128xf32, #tpu.memory_space<vmem>>) dst(%dma_wait3A_88 : memref<128x128xf32, #tpu.memory_space<hbm>>)
    %add3A_89 = arith.constant 511 : i32
    %add3A_90 = arith.addi %mul3A_34, %add3A_89 : i32
    %mul3A_91 = arith.constant 2048 : i32
    %mul3A_92 = arith.muli %add3A_90, %mul3A_91 : i32
    %add3A_93 = arith.addi %mul3A_92, %mul3A_11 : i32
    %dma_wait3A_94 = arith.constant 0 : i32
    %dma_wait3A_95 = tpu.memref_slice %arg5[%add3A_93, %dma_wait3A_94] : memref<2097152x128xf32, #tpu.memory_space<hbm>> -> memref<128x128xf32, #tpu.memory_space<hbm>>
    %dma_wait3A_96 = arith.constant 0 : i32
    %dma_wait3A_97 = tpu.memref_slice %arg5[%add3A_93, %dma_wait3A_96] : memref<2097152x128xf32, #tpu.memory_space<hbm>> -> memref<128x128xf32, #tpu.memory_space<hbm>>
    tpu.wait_dma2 semaphore(%arg19 : memref<!tpu.dma_semaphore, #tpu.memory_space<semaphore_mem>>) src(%arg11 : memref<128x128xf32, #tpu.memory_space<vmem>>) dst(%dma_wait3A_97 : memref<128x128xf32, #tpu.memory_space<hbm>>)
    return
  }
}

module attributes {stable_mosaic.version = 14 : i64} {
  func.func @_pad_block(%arg0: i32, %arg1: memref<2048x64xf32, #tpu.memory_space<vmem>>, %arg2: memref<2048x128xf32, #tpu.memory_space<vmem>>) attributes {dimension_semantics = [#tpu.dimension_semantics<arbitrary>], iteration_bounds = array<i64: 1>, scalar_prefetch = 0 : i64, scratch_operands = 0 : i64, tpu.core_type = #tpu.core_type<tc>, window_params = [{pipeline_mode = #tpu.pipeline_mode<synchronous>, transform_indices = @transform_0, window_bounds = array<i64: 2048, 64>}, {pipeline_mode = #tpu.pipeline_mode<synchronous>, transform_indices = @transform_1, window_bounds = array<i64: 2048, 128>}]} {
    %get3A = arith.constant 0 : index
    %get3A_0 = arith.constant 0 : index
    %get3A_1 = vector.load %arg1[%get3A, %get3A_0] : memref<2048x64xf32, #tpu.memory_space<vmem>>, vector<2048x64xf32>
    %get3A_2 = arith.constant 0 : index
    %get3A_3 = arith.constant 0 : index
    %get3A_4 = vector.load %arg1[%get3A_2, %get3A_3] : memref<2048x64xf32, #tpu.memory_space<vmem>>, vector<2048x64xf32>
    %concatenate3A = tpu.concatenate %get3A_1, %get3A_4 in 1 : vector<2048x64xf32>, vector<2048x64xf32> -> vector<2048x128xf32>
    %swap3A = arith.constant 0 : index
    %swap3A_5 = arith.constant 0 : index
    %swap3A_6 = vector.load %arg2[%swap3A, %swap3A_5] : memref<2048x128xf32, #tpu.memory_space<vmem>>, vector<2048x128xf32>
    tpu.vector_store %arg2[%swap3A, %swap3A_5], %concatenate3A {strides = array<i32>} : memref<2048x128xf32, #tpu.memory_space<vmem>>, vector<2048x128xf32>,
    return
  }
  func.func @transform_0(%arg0: i32) -> (i32, i32) {
    %c0_i32 = arith.constant 0 : i32
    %c0_i32_0 = arith.constant 0 : i32
    %c0_i32_1 = arith.constant 0 : i32
    return %c0_i32, %c0_i32_0 : i32, i32
  }
  func.func @transform_1(%arg0: i32) -> (i32, i32) {
    %c0_i32 = arith.constant 0 : i32
    %c0_i32_0 = arith.constant 0 : i32
    %c0_i32_1 = arith.constant 0 : i32
    return %c0_i32, %c0_i32_0 : i32, i32
  }
}

module attributes {stable_mosaic.version = 14 : i64} {
  func.func @_pad_block(%arg0: i32, %arg1: memref<8000x64xf32, #tpu.memory_space<vmem>>, %arg2: memref<8000x128xf32, #tpu.memory_space<vmem>>) attributes {dimension_semantics = [#tpu.dimension_semantics<arbitrary>], iteration_bounds = array<i64: 125>, scalar_prefetch = 0 : i64, scratch_operands = 0 : i64, tpu.core_type = #tpu.core_type<tc>, window_params = [{transform_indices = @transform_0, window_bounds = array<i64: 8000, 64>}, {transform_indices = @transform_1, window_bounds = array<i64: 8000, 128>}]} {
    %get3A = arith.constant 0 : index
    %get3A_0 = arith.constant 0 : index
    %get3A_1 = vector.load %arg1[%get3A, %get3A_0] : memref<8000x64xf32, #tpu.memory_space<vmem>>, vector<8000x64xf32>
    %get3A_2 = arith.constant 0 : index
    %get3A_3 = arith.constant 0 : index
    %get3A_4 = vector.load %arg1[%get3A_2, %get3A_3] : memref<8000x64xf32, #tpu.memory_space<vmem>>, vector<8000x64xf32>
    %concatenate3A = tpu.concatenate %get3A_1, %get3A_4 in 1 : vector<8000x64xf32>, vector<8000x64xf32> -> vector<8000x128xf32>
    %swap3A = arith.constant 0 : index
    %swap3A_5 = arith.constant 0 : index
    %swap3A_6 = vector.load %arg2[%swap3A, %swap3A_5] : memref<8000x128xf32, #tpu.memory_space<vmem>>, vector<8000x128xf32>
    tpu.vector_store %arg2[%swap3A, %swap3A_5], %concatenate3A {strides = array<i32>} : memref<8000x128xf32, #tpu.memory_space<vmem>>, vector<8000x128xf32>,
    return
  }
  func.func @transform_0(%arg0: i32) -> (i32, i32) {
    %c0_i32 = arith.constant 0 : i32
    %c0_i32_0 = arith.constant 0 : i32
    return %arg0, %c0_i32 : i32, i32
  }
  func.func @transform_1(%arg0: i32) -> (i32, i32) {
    %c0_i32 = arith.constant 0 : i32
    %c0_i32_0 = arith.constant 0 : i32
    return %arg0, %c0_i32 : i32, i32
  }
}

</mosaic_0001>

<sc_bundles>
// kernel: kernel.5.cloned.1.call-start
scs
__scs_entry_jumppad:
0x0: {  	(pc) =	sbr.rel $0x88, $3  }
0x1: {  	(tag) =	ssettag $0x0;
	lr =	simm.s32 $0x1  }
0x2: {  	[smem:$0x3F9E] =	sst lr;
	_ =	strace $0xD0000000  }
0x3: {  	_ = 	snop  }
0x4: {  	_ = 	snop  }
0x5: {  	_ = 	snop  }
0x6: {  	_ = 	snop  }
0x7: {  	_ = 	snop  }
__scs_overlays_trampoline_lowered:
0x8: {  	[smem:$0x3FAD] =	sst s0  }
0x9: {  	[smem:$0x3FAE] =	sst s1  }
0xa: {  	[smem:$0x3FAF] =	sst s2  }
0xb: {  	[smem:$0x3FB0] =	sst s3  }
0xc: {  	[smem:$0x3FB1] =	sst s4  }
0xd: {  	[smem:$0x3FB2] =	sst s5  }
0xe: {  	[smem:$0x3FB3] =	sst s6  }
0xf: {  	[smem:$0x3FB4] =	sst s7  }
0x10: {  	[smem:$0x3FB5] =	sst s8  }
0x11: {  	[smem:$0x3FB6] =	sst s9;
	s0 =	simm.s32 @!p0 $0x0  }
0x12: {  	s1 =	sld [smem:$0x3F9C];
	s0 =	simm.s32 @p0 $0x1  }
0x13: {  	[smem:$0x3FB7] =	sst s0;
	s0 =	simm.s32 @!p1 $0x0  }
0x14: {  	s2 =	sld [smem:$0x3F9B];
	s0 =	simm.s32 @p1 $0x1  }
0x15: {  	[smem:$0x3FB8] =	sst s0;
	s0 =	simm.s32 @!p2 $0x0  }
0x16: {  	s3 =	sld [smem:$0x3FDB];
	s0 =	simm.s32 @p2 $0x1  }
0x17: {  	s4 =	simm.s32 $0x1BF5;
	[smem:$0x3FBA] =	sst s0  }
0x18: {  	s0 =	sld [smem:$0x3F9D];
	_ =	swait.ge [sflag:s4], $0x0  }
0x19: {  	s7 =	sld [smem:$0x3F9E]  }
0x1a: {  	s8 =	sadd.s32 $0xFFFFE003, lr  }
0x1b: {  	s9 =	sadd.s32 $0xFFFFFEF7, lr;
	s5 =	simm.s32 $0xFFFFFFFF;
	p2 =	slt.u32 s8, $0xFFFFF086  }
0x1c: {  	p1 =	slt.u32 s9, $0xF7A;
	s5 =	simm.s32 @!p2 $0x0  }
0x1d: {  	s5 =	simm.s32 @p1 $0x1;
	p0 =	seq.s32 s7, s2  }
0x1e: {  	s7 =	smul.u32 @!p0 $0xF7A, s2;
	p2 =	seq.s32 @!p0 s5, $0x0  }
0x1f: {  	s9 =	smul.u32 $0xF7A, s1;
	s8 =	simm.s32 @!p0 $0x1BF5;
	p2 =	por !p2, p0  }
0x20: {  	[sflag:s8] =	ssyncset.s32 @!p0 $0xFFFFF086;
	s6 =	sadd.s32 @!p0 s3, s7;
	s7 =	simm.s32 @!p0 $0x108  }
0x21: {  	s3 =	sadd.s32 s3, s9;
	s6 =	sadd.s32 @!p0 $0x88, s6;
	s7 =	simm.s32 @p2 $0x1082  }
0x22: {  	[simem:s7], [sflag:s8] =	dma.local @!p0 [hbm:s6], $0xF7A  }
0x23: {  	s9 =	sor.u32 $0xD0000000, s2;
	s6 =	simm.s32 $0x108;
	_ =	swait.ge @!p0 [sflag:s8], $0x0  }
0x24: {  	s3 =	sadd.s32 $0x88, s3;
	s6 =	simm.s32 @!p1 $0x1082;
	[sflag:s4] =	ssyncset.s32 $0xFFFFF086  }
0x25: {  	[simem:s6], [sflag:s4] =	dma.local [hbm:s3], $0xF7A  }
0x26: {  	[smem:$0x3F9E] =	sst s1;
	(tag) =	ssettag s2;
	_ =	strace s9  }
0x27: {  	s1 =	sld [smem:$0x3FAE]  }
0x28: {  	s2 =	sld [smem:$0x3FAF]  }
0x29: {  	s4 =	sld [smem:$0x3FB1]  }
0x2a: {  	p0 =	seq.s32 s5, $0x0;
	s5 =	sld [smem:$0x3FB2]  }
0x2b: {  	s6 =	sld [smem:$0x3FB3]  }
0x2c: {  	s7 =	sld [smem:$0x3FB4]  }
0x2d: {  	s3 =	simm.s32 $0x108;
	s8 =	sld [smem:$0x3FB5]  }
0x2e: {  	s3 =	simm.s32 @!p0 $0x1082;
	s9 =	sld [smem:$0x3FB6]  }
0x2f: {  	lr =	sadd.s32 s0, s3;
	s0 =	sld [smem:$0x3FAD]  }
0x30: {  	s3 =	sld [smem:$0x3FB0]  }
0x31: {  	[smem:$0x3FB9] =	sst s10  }
0x32: {  	s10 =	sld [smem:$0x3FB7];
	_ =	sdelay $0x3  }
0x33: {  	p0 =	seq.s32 s10, $0x1;
	s10 =	sld [smem:$0x3FB9];
	_ =	sdelay $0x3  }
0x34: {  	[smem:$0x3FB9] =	sst s10  }
0x35: {  	s10 =	sld [smem:$0x3FB8];
	_ =	sdelay $0x3  }
0x36: {  	p1 =	seq.s32 s10, $0x1;
	s10 =	sld [smem:$0x3FB9];
	_ =	sdelay $0x3  }
0x37: {  	[smem:$0x3FB9] =	sst s10  }
0x38: {  	s10 =	sld [smem:$0x3FBA]  }
0x39: {  	_ = 	snop;
	(pc) =	sbr.ind lr, $3  }
0x3a: {  	_ = 	snop  }
0x3b: {  	_ = 	snop  }
0x3c: {  	p2 =	seq.s32 s10, $0x1;
	s10 =	sld [smem:$0x3FB9]  }
0x3d: {  	_ =	shalt  }
0x3e: {  	_ =	shalt  }
0x3f: {  	_ =	shalt  }
0x40: {  	_ =	shalt  }
0x41: {  	_ =	shalt  }
0x42: {  	_ =	shalt  }
0x43: {  	_ =	shalt  }
0x44: {  	_ =	shalt  }
0x45: {  	_ =	shalt  }
0x46: {  	_ =	shalt  }
0x47: {  	_ =	shalt  }
0x48: {  	_ =	shalt  }
0x49: {  	_ =	shalt  }
0x4a: {  	_ =	shalt  }
0x4b: {  	_ =	shalt  }
0x4c: {  	_ =	shalt  }
0x4d: {  	_ =	shalt  }
0x4e: {  	_ =	shalt  }
0x4f: {  	_ =	shalt  }
0x50: {  	_ =	shalt  }
0x51: {  	_ =	shalt  }
0x52: {  	_ =	shalt  }
0x53: {  	_ =	shalt  }
0x54: {  	_ =	shalt  }
0x55: {  	_ =	shalt  }
0x56: {  	_ =	shalt  }
0x57: {  	_ =	shalt  }
0x58: {  	_ =	shalt  }
0x59: {  	_ =	shalt  }
0x5a: {  	_ =	shalt  }
0x5b: {  	_ =	shalt  }
0x5c: {  	_ =	shalt  }
0x5d: {  	_ =	shalt  }
0x5e: {  	_ =	shalt  }
0x5f: {  	_ =	shalt  }
0x60: {  	_ =	shalt  }
0x61: {  	_ =	shalt  }
0x62: {  	_ =	shalt  }
0x63: {  	_ =	shalt  }
0x64: {  	_ =	shalt  }
0x65: {  	_ =	shalt  }
0x66: {  	_ =	shalt  }
0x67: {  	_ =	shalt  }
0x68: {  	_ =	shalt  }
0x69: {  	_ =	shalt  }
0x6a: {  	_ =	shalt  }
0x6b: {  	_ =	shalt  }
0x6c: {  	_ =	shalt  }
0x6d: {  	_ =	shalt  }
0x6e: {  	_ =	shalt  }
0x6f: {  	_ =	shalt  }
0x70: {  	_ =	shalt  }
0x71: {  	_ =	shalt  }
0x72: {  	_ =	shalt  }
0x73: {  	_ =	shalt  }
0x74: {  	_ =	shalt  }
0x75: {  	_ =	shalt  }
0x76: {  	_ =	shalt  }
0x77: {  	_ =	shalt  }
0x78: {  	_ =	shalt  }
0x79: {  	_ =	shalt  }
0x7a: {  	_ =	shalt  }
0x7b: {  	_ =	shalt  }
0x7c: {  	_ =	shalt  }
0x7d: {  	_ =	shalt  }
0x7e: {  	_ =	shalt  }
0x7f: {  	_ =	shalt  }
0x80: {  	_ =	shalt  }
0x81: {  	_ =	shalt  }
0x82: {  	_ =	shalt  }
0x83: {  	_ =	shalt  }
0x84: {  	_ =	shalt  }
0x85: {  	_ =	shalt  }
0x86: {  	_ =	shalt  }
0x87: {  	_ =	shalt  }
.Lfunc_end0:
.L_simem_size_0:
called_computation.1_lowered:
.L_overlay_start_0:
0x88: {  	s2 =	sld [smem:$0x3FD9]  }
0x89: {  	s3 =	sld [smem:$0x3FFE];
	_ =	sdelay $0x1  }
0x8a: {  	s1 =	srdreg.scid  }
0x8b: {  	s0 =	sand.u32 $0x1, s1  }
0x8c: {  	s16 =	sshll.u32 s0, $0xA;
	s2 =	sadd.s32 s3, s2  }
0x8d: {  	s2 =	sadd.s32 s2, s16  }
0x8e: {  	[smem:$0x3FC5] =	sst s2  }
0x8f: {  	_ = 	snop  }
0x90: {  	(tm) =	ssettm $0x1  }
0x91: {  	s17 =	sld [smem:$0x3FFB];
	_ =	sdelay $0x3  }
0x92: {  	_ =	strace s17  }
0x93: {  	s2 =	sld [smem:$0x3FFC];
	_ =	sdelay $0x3  }
0x94: {  	_ =	strace s2  }
0x95: {  	s2 =	sld [smem:$0x3FFD];
	_ =	sdelay $0x3  }
0x96: {  	_ =	strace s2  }
0x97: {  	_ =	strace $0x8FFFFFFF  }
0x98: {  	s18 =	sld [smem:$0x3FDB];
	_ =	sdelay $0x1  }
0x99: {  	s19 =	simm.s32 $_scs_section_size  }
0x9a: {  	s4 =	simm.s32 $_size__tile_overlayer_lowered;
	s5 =	simm.s32 $_tile_overlayer_lowered  }
0x9b: {  	s22 =	simm.s32 $0x1BFF;
	s21 =	sshll.u32 s5, $0x1;
	s2 =	sadd.s32 s19, s18  }
0x9c: {  	s6 =	simm.s32 $0x0;
	s20 =	sshll.u32 s4, $0x1;
	s4 =	sadd.s32 s21, s2  }
0x9d: {  	[timem:s6], [sflag:s22] =	dma.local [hbm:s4], s20  }
0x9e: {  	_ =	swait.ge [sflag:s22], s20  }
0x9f: {  	s3 =	ssub.s32 $0x0, s20;
	[sflag:s22] =	ssyncset.done $0x0  }
0xa0: {  	[sflag:s22] =	ssyncadd.s32 s3;
	_ =	sdelay $0x1  }
0xa1: {  	s23 =	simm.s32 $0x1B8B  }
0xa2: {  	_ =	swait.ge [sflag:s23], $0x1  }
0xa3: {  	[sflag:s23] =	ssyncset.done $0x0  }
0xa4: {  	s25 =	simm.s32 $0x1B8E;
	s24 =	sld [smem:$0x3FFE];
	[sflag:s23] =	ssyncadd.s32 $0xFFFFFFFF  }
0xa5: {  	s26 =	simm.s32 $execute0_lowered;
	[smem:$0x3FD2] =	sst s25  }
0xa6: {  	s4 =	sshll.u32 s26, $0x1;
	_ =	strace $0x80000046;
	[dreg:$0x1] =	wrdreg $0xFFFFFFFF  }
0xa7: {  	s28 =	simm.s32 $_size_execute0_lowered;
	s2 =	sadd.s32 s2, s4;
	[dreg:$0x0] =	wrdreg $0x0  }
0xa8: {  	s4 =	sshll.u32 s28, $0x1;
	[dreg:$0x2] =	wrdreg s2  }
0xa9: {  	[dreg:$0x3] =	wrdreg s4  }
0xaa: {  	[dreg:$0x4] =	wrdreg $0xC0  }
0xab: {  	_ =	task [dreg:s6], $0x5FFFF  }
0xac: {  	[dreg:$0x1] =	wrdreg $0xFFFFFFFF  }
0xad: {  	[dreg:$0x0] =	wrdreg $0x60  }
0xae: {  	[dreg:$0x2] =	wrdreg s24  }
0xaf: {  	[dreg:$0x3] =	wrdreg $0x9  }
0xb0: {  	_ =	task.clear_ibuf [dreg:s6], $0x4FFFF;
	_ =	strace $0x90000046  }
0xb1: {  	s29 =	simm.s32 $0x9;
	_ =	strace $0x80000048  }
0xb2: {  	_ =	swait.ge [sflag:s29], $0x1  }
0xb3: {  	[sflag:s29] =	ssyncadd.s32 $0xFFFFFFFF  }
0xb4: {  	_ =	strace $0x90000048  }
0xb5: {  	_ =	sfence  }
0xb6: {  	s30 =	sld [smem:$0x0];
	_ =	sdelay $0x2  }
0xb7: {  	s31 =	sshll.u32 s1, $0xD;
	s1 =	sshrl.u32 s1, $0x2  }
0xb8: {  	s3 =	sand.u32 $0x4000, s31;
	s1 =	sadd.s32 s1, s30  }
0xb9: {  	s0 =	sor.u32 s3, s0;
	s1 =	sshll.u32 s1, $0x11  }
0xba: {  	s0 =	sor.u32 s1, s0  }
0xbb: {  	s0 =	sadd.s32 $0x8F2B, s0  }
0xbc: {  	[sflag:s0] =	ssyncadd.remote.s32 $0x1  }
0xbd: {  	_ =	sfence.sel $0xFFFF  }
0xbe: {  	[dreg:$0x0] =	wrdreg $0xFFFFFFFF;
	(pc) =	sbr.abs _section_cstart, $3  }
0xbf: {  	[dreg:$0x1] =	wrdreg $0xFFFFFFFF  }
0xc0: {  	_ =	task.clear_ibuf [dreg:s6], $0x2FFFF;
	_ =	strace $0x9FFFFFFF  }
0xc1: {  	(tm) =	ssettm $0x7FFFFFFF  }
tec
execute0_lowered:
.L_overlay_start_1:
0x0: {  	(tag) =	ssettag $0x1  }
0x1: {  	s0 =	rddreg [dreg:$0x0];
	s7 =	stileid.u32;
	s2 =	simm.s32 $0x0  }
0x2: {  	s1 =	srdreg.scid;
	s12 =	simm.s32 $0x80;
	s16 =	simm.s32 $0x9  }
0x3: {  	s17 =	simm.s32 $0x2800;
	s19 =	simm.s32 $0x6800;
	s20 =	simm.s32 $0xA800  }
0x4: {  	s21 =	simm.s32 $0x1;
	s22 =	simm.s32 $0xE800;
	s28 =	simm.s32 $0x4  }
0x5: {  	s29 =	simm.s32 $0x7;
	s30 =	simm.s32 $0x8;
	s31 =	simm.s32 $0x0  }
0x6: {  	s3 =	sshll.u32 s7, $0x1;
	[smem:$0x7FF] =	sst s2;
	s1 =	sand.u32 $0x1, s1  }
0x7: {  	s7 =	sshrl.u32 s7, $0x3;
	s4 =	sand.u32 $0xE, s3;
	_ =	strace $0x80000047  }
0x8: {  	s3 =	sadd.s32 $0x8A00, s0;
	s8 =	sshll.u32 s7, $0x14;
	s5 =	sor.u32 s1, s4  }
0x9: {  	s4 =	sadd.s32 $0x48A00, s0;
	s1 =	ssub.s32 $0x2, s1;
	s6 =	sshll.u32 s5, $0xB  }
0xa: {  	s5 =	sshll.u32 s5, $0x7;
	s23 =	sshrl.u32 s1, $0x1;
	s0 =	sadd.s32 s6, s0  }
0xb: {  	s5 =	sor.u32 s8, s5;
	s1 =	ssub.s32 s1, s23;
	s6 =	sshll.u32 s7, $0x9  }
0xc: {  	s23 =	simm.s32 $0x2;
	s24 =	sshrl.u32 s5, $0x3;
	s25 =	sadd.s32 $0xA00, s0  }
0xd: {  	s9 =	sadd.s32 $0xF8AE00, s0;
	s26 =	smax.u32 s1, $0x1;
	[dreg:$0x2] =	wrdreg s25  }
0xe: {  	s7 =	sadd.s32 s3, s24;
	[dreg:$0x4] =	wrdreg s26;
	s24 =	simm.s32 $0x5  }
0xf: {  	s25 =	simm.s32 $0x3;
	s26 =	simm.s32 $0x6;
	[dreg:$0x3] =	wrdreg s7  }
.LBB2_1:
0x10: {  	s0 =	rddreg [dreg:$0x2];
	s1 =	simm.s32 $0x40;
	s13 =	simm.s32 $0xA  }
0x11: {  	[tilespmem:s2], [sflag:$0xA] =	stream.strided.gather [hbm4b:s0+s1], $0x2000, s12, s1, $0x38;
	[tilespmem:$0x12800] =	vst v63  }
0x12: {  	_ =	swait.ge [sflag:s13], $0x2000  }
0x13: {  	s15 =	simm.s32 $0x800;
	[sflag:s13] =	ssyncset.done $0x0  }
0x14: {  	s7 =	simm.s32 $0x2000;
	s14 =	rddreg [dreg:$0x3];
	[sflag:s13] =	ssyncadd.s32 $0xFFFFE000  }
0x15: {  	[tilespmem:s7], [sflag:$0x9] =	stream.strided.gather [hbm4b:s14+s12], $0x400, s15, s12, $0x38;
	[tilespmem:$0x12800] =	vst v63  }
0x16: {  	_ =	swait.ge [sflag:s16], $0x400  }
0x17: {  	[sflag:s16] =	ssyncset.done $0x0  }
0x18: {  	[sflag:s16] =	ssyncadd.s32 $0xFFFFFC00  }
0x19: {  	[tilespmem:s17], [sflag:$0x1] =	stream.indirect.gather [hbm4b:s4+s12], $0x80, s7, s12, $0xb8;
	[tilespmem:$0x12800] =	vst v63  }
0x1a: {  	s18 =	simm.s32 $0x2080;
	s7 =	simm.s32 $0x0  }
0x1b: {  	[tilespmem:s19], [sflag:$0x2] =	stream.indirect.gather [hbm4b:s4+s12], $0x80, s18, s12, $0xb8;
	[tilespmem:$0x12800] =	vst v63  }
.LBB2_2:
0x1c: {  	p0 =	seq.s32 s7, $0x3F  }
0x1d: {  	p1 =	seq.s32 @!p0 s7, $0x0  }
0x1e: {  	s0 =	sadd.s32 $0x1, s7;
	p1 =	por p0, !p1  }
.Ltmp0:
0x1f: {  	s8 =	sshll.u32 @!p0 s0, $0xE;
	(pc) =	sbr.rel @!p1 .LBB2_3-.Ltmp0, $4  }
0x20: {  	s1 =	sand.u32 $0x1, s0;
	s8 =	sadd.s32 @!p0 s5, s8  }
0x21: {  	s10 =	simm.s32 @!p0 $0x80;
	s1 =	sshll.u32 @!p0 s1, $0xA;
	s8 =	sshrl.u32 @!p0 s8, $0x3  }
0x22: {  	s11 =	simm.s32 @!p0 $0x800;
	s14 =	sor.u32 @!p0 $0x2000, s1;
	s8 =	sadd.s32 @!p0 s3, s8  }
0x23: {  	[tilespmem:s14], [sflag:$0x9] =	stream.strided.gather @!p0 [hbm4b:s8+s10], $0x400, s11, s10, $0x38;
	[tilespmem:$0x12800] =	vst v63  }
.Ltmp1:
0x24: {  	(pc) =	sbr.rel .LBB2_5-.Ltmp1, $4  }
0x25: {  	_ = 	snop  }
0x26: {  	_ =	swait.ge [sflag:s29], $0x4000  }
0x27: {  	[sflag:s29] =	ssyncset.done $0x0  }
0x28: {  	p1 =	por $0x0, $0x0;
	[sflag:s29] =	ssyncadd.s32 $0xFFFFC000  }
.LBB2_3:
0x29: {  	p1 =	por @!p0 $0x1, $0x1  }
.LBB2_5:
0x2a: {  	s8 =	sshll.u32 s7, $0xA  }
0x2b: {  	s18 =	sand.u32 $0x400, s8  }
0x2c: {  	s15 =	simm.s32 $0x80;
	s8 =	sor.u32 $0x2100, s18  }
0x2d: {  	[tilespmem:s20], [sflag:$0x3] =	stream.indirect.gather [hbm4b:s4+s15], $0x80, s8, s15, $0xb8;
	[tilespmem:$0x12800] =	vst v63  }
0x2e: {  	_ =	swait.ge [sflag:s21], $0x4000  }
0x2f: {  	[sflag:s21] =	ssyncset.done $0x0  }
0x30: {  	[sflag:s21] =	ssyncadd.s32 $0xFFFFC000  }
0x31: {  	s11 =	sshll.u32 s7, $0x3;
	s7 =	simm.s32 $0x0;
	s8 =	simm.s32 $0x800;
	v0 =	vld [tilespmem:s15+$0xFFFFFF80]  }
.LBB2_6:
0x32: {  	p2 =	sne.s32 s8, $0xF800;
	_ =	sdelay $0x2  }
0x33: {  	s10 =	sshra.s32 s7, $0x2;
	s7 =	smov.u32 s8  }
0x34: {  	[tilespmem:s10+$0x2800] =	vst.add.f32.msk $0xffff, v0  }
0x35: {  	v0 =	vld [tilespmem:s15+$0xFFFFFF90];
	_ =	sdelay $0x4  }
0x36: {  	[tilespmem:s10+$0x2810] =	vst.add.f32.msk $0xffff, v0  }
0x37: {  	v0 =	vld [tilespmem:s15+$0xFFFFFFA0];
	_ =	sdelay $0x4  }
0x38: {  	[tilespmem:s10+$0x2820] =	vst.add.f32.msk $0xffff, v0  }
0x39: {  	v0 =	vld [tilespmem:s15+$0xFFFFFFB0];
	_ =	sdelay $0x4  }
0x3a: {  	[tilespmem:s10+$0x2830] =	vst.add.f32.msk $0xffff, v0  }
0x3b: {  	v0 =	vld [tilespmem:s15+$0xFFFFFFC0];
	_ =	sdelay $0x4  }
0x3c: {  	[tilespmem:s10+$0x2880] =	vst.add.f32.msk $0xffff, v0  }
0x3d: {  	v0 =	vld [tilespmem:s15+$0xFFFFFFD0];
	_ =	sdelay $0x4  }
0x3e: {  	[tilespmem:s10+$0x2890] =	vst.add.f32.msk $0xffff, v0  }
0x3f: {  	v0 =	vld [tilespmem:s15+$0xFFFFFFE0];
	_ =	sdelay $0x4  }
0x40: {  	[tilespmem:s10+$0x28A0] =	vst.add.f32.msk $0xffff, v0  }
0x41: {  	v0 =	vld [tilespmem:s15+$0xFFFFFFF0];
	_ =	sdelay $0x4  }
0x42: {  	[tilespmem:s10+$0x28B0] =	vst.add.f32.msk $0xffff, v0  }
0x43: {  	v0 =	vld [tilespmem:s15+$0x0];
	_ =	sdelay $0x4  }
0x44: {  	[tilespmem:s10+$0x2900] =	vst.add.f32.msk $0xffff, v0  }
0x45: {  	v0 =	vld [tilespmem:s15+$0x10];
	_ =	sdelay $0x4  }
0x46: {  	[tilespmem:s10+$0x2910] =	vst.add.f32.msk $0xffff, v0  }
0x47: {  	v0 =	vld [tilespmem:s15+$0x20];
	_ =	sdelay $0x4  }
0x48: {  	[tilespmem:s10+$0x2920] =	vst.add.f32.msk $0xffff, v0  }
0x49: {  	v0 =	vld [tilespmem:s15+$0x30];
	_ =	sdelay $0x4  }
0x4a: {  	[tilespmem:s10+$0x2930] =	vst.add.f32.msk $0xffff, v0  }
0x4b: {  	v0 =	vld [tilespmem:s15+$0x40];
	_ =	sdelay $0x4  }
0x4c: {  	[tilespmem:s10+$0x2980] =	vst.add.f32.msk $0xffff, v0  }
0x4d: {  	v0 =	vld [tilespmem:s15+$0x50];
	_ =	sdelay $0x4  }
0x4e: {  	[tilespmem:s10+$0x2990] =	vst.add.f32.msk $0xffff, v0  }
0x4f: {  	v0 =	vld [tilespmem:s15+$0x60];
	_ =	sdelay $0x4  }
0x50: {  	[tilespmem:s10+$0x29A0] =	vst.add.f32.msk $0xffff, v0  }
0x51: {  	v0 =	vld [tilespmem:s15+$0x70];
	_ =	sdelay $0x1  }
.Ltmp2:
0x52: {  	(pc) =	sbr.rel @p2 .LBB2_6-.Ltmp2, $3  }
0x53: {  	_ =	sdelay $0x1  }
0x54: {  	s15 =	sadd.s32 $0x100, s15;
	[tilespmem:s10+$0x29B0] =	vst.add.f32.msk $0xffff, v0  }
0x55: {  	s8 =	sadd.s32 $0x800, s8;
	v0 =	vld [tilespmem:s15+$0xFFFFFF80]  }
0x56: {  	_ =	sdelay $0x2  }
0x57: {  	s7 =	sshra.s32 s7, $0x2  }
0x58: {  	[tilespmem:s7+$0x2800] =	vst.add.f32.msk $0xffff, v0  }
0x59: {  	v0 =	vld [tilespmem:s15+$0xFFFFFF90];
	_ =	sdelay $0x4  }
0x5a: {  	[tilespmem:s7+$0x2810] =	vst.add.f32.msk $0xffff, v0  }
0x5b: {  	v0 =	vld [tilespmem:s15+$0xFFFFFFA0];
	_ =	sdelay $0x4  }
0x5c: {  	[tilespmem:s7+$0x2820] =	vst.add.f32.msk $0xffff, v0  }
0x5d: {  	v0 =	vld [tilespmem:s15+$0xFFFFFFB0];
	_ =	sdelay $0x4  }
0x5e: {  	[tilespmem:s7+$0x2830] =	vst.add.f32.msk $0xffff, v0  }
0x5f: {  	v0 =	vld [tilespmem:s15+$0xFFFFFFC0];
	_ =	sdelay $0x4  }
0x60: {  	[tilespmem:s7+$0x2880] =	vst.add.f32.msk $0xffff, v0  }
0x61: {  	v0 =	vld [tilespmem:s15+$0xFFFFFFD0];
	_ =	sdelay $0x4  }
0x62: {  	[tilespmem:s7+$0x2890] =	vst.add.f32.msk $0xffff, v0  }
0x63: {  	v0 =	vld [tilespmem:s15+$0xFFFFFFE0];
	_ =	sdelay $0x4  }
0x64: {  	[tilespmem:s7+$0x28A0] =	vst.add.f32.msk $0xffff, v0  }
0x65: {  	v0 =	vld [tilespmem:s15+$0xFFFFFFF0];
	_ =	sdelay $0x4  }
0x66: {  	[tilespmem:s7+$0x28B0] =	vst.add.f32.msk $0xffff, v0  }
0x67: {  	v0 =	vld [tilespmem:s15+$0x0];
	_ =	sdelay $0x4  }
0x68: {  	[tilespmem:s7+$0x2900] =	vst.add.f32.msk $0xffff, v0  }
0x69: {  	v0 =	vld [tilespmem:s15+$0x10];
	_ =	sdelay $0x4  }
0x6a: {  	[tilespmem:s7+$0x2910] =	vst.add.f32.msk $0xffff, v0  }
0x6b: {  	v0 =	vld [tilespmem:s15+$0x20];
	_ =	sdelay $0x4  }
0x6c: {  	[tilespmem:s7+$0x2920] =	vst.add.f32.msk $0xffff, v0  }
0x6d: {  	v0 =	vld [tilespmem:s15+$0x30];
	_ =	sdelay $0x4  }
0x6e: {  	[tilespmem:s7+$0x2930] =	vst.add.f32.msk $0xffff, v0  }
0x6f: {  	v0 =	vld [tilespmem:s15+$0x40];
	_ =	sdelay $0x4  }
0x70: {  	[tilespmem:s7+$0x2980] =	vst.add.f32.msk $0xffff, v0  }
0x71: {  	v0 =	vld [tilespmem:s15+$0x50];
	_ =	sdelay $0x4  }
0x72: {  	[tilespmem:s7+$0x2990] =	vst.add.f32.msk $0xffff, v0  }
0x73: {  	v0 =	vld [tilespmem:s15+$0x60];
	_ =	sdelay $0x4  }
0x74: {  	[tilespmem:s7+$0x29A0] =	vst.add.f32.msk $0xffff, v0  }
0x75: {  	v0 =	vld [tilespmem:s15+$0x70];
	_ =	sdelay $0x2  }
0x76: {  	s8 =	sadd.s32 s6, s11  }
0x77: {  	s8 =	sshll.u32 s8, $0xF  }
0x78: {  	s10 =	sadd.s32 s8, s9;
	[tilespmem:s7+$0x29B0] =	vst.add.f32.msk $0xffff, v0;
	s7 =	simm.s32 @!p1 $0x8  }
0x79: {  	[hbm4b:s10+s2] =	stream.linear.scatter [tilespmem:s17], [sflag:$0x5], $0x4000, $0x38;
	[tilespmem:$0x12800] =	vst v63  }
0x7a: {  	_ =	swait.ge @!p1 [sflag:s7], $0x4000  }
0x7b: {  	[sflag:s7] =	ssyncset.done @!p1 $0x0  }
0x7c: {  	s13 =	sadd.s32 $0x2180, s18;
	s15 =	simm.s32 $0x80;
	[sflag:s7] =	ssyncadd.s32 @!p1 $0xFFFFC000  }
0x7d: {  	[tilespmem:s22], [sflag:$0x4] =	stream.indirect.gather [hbm4b:s4+s15], $0x80, s13, s15, $0xb8;
	[tilespmem:$0x12800] =	vst v63  }
0x7e: {  	_ =	swait.ge [sflag:s23], $0x4000  }
0x7f: {  	[sflag:s23] =	ssyncset.done $0x0  }
0x80: {  	[sflag:s23] =	ssyncadd.s32 $0xFFFFC000  }
0x81: {  	s8 =	simm.s32 $0x0;
	s10 =	simm.s32 $0x800;
	s7 =	sor.u32 $0x1, s11;
	v0 =	vld [tilespmem:s15+$0xFFFFFF80]  }
.LBB2_8:
0x82: {  	p1 =	sne.s32 s10, $0xF800;
	_ =	sdelay $0x2  }
0x83: {  	s13 =	sshra.s32 s8, $0x2;
	s8 =	smov.u32 s10  }
0x84: {  	[tilespmem:s13+$0x6800] =	vst.add.f32.msk $0xffff, v0  }
0x85: {  	v0 =	vld [tilespmem:s15+$0xFFFFFF90];
	_ =	sdelay $0x4  }
0x86: {  	[tilespmem:s13+$0x6810] =	vst.add.f32.msk $0xffff, v0  }
0x87: {  	v0 =	vld [tilespmem:s15+$0xFFFFFFA0];
	_ =	sdelay $0x4  }
0x88: {  	[tilespmem:s13+$0x6820] =	vst.add.f32.msk $0xffff, v0  }
0x89: {  	v0 =	vld [tilespmem:s15+$0xFFFFFFB0];
	_ =	sdelay $0x4  }
0x8a: {  	[tilespmem:s13+$0x6830] =	vst.add.f32.msk $0xffff, v0  }
0x8b: {  	v0 =	vld [tilespmem:s15+$0xFFFFFFC0];
	_ =	sdelay $0x4  }
0x8c: {  	[tilespmem:s13+$0x6880] =	vst.add.f32.msk $0xffff, v0  }
0x8d: {  	v0 =	vld [tilespmem:s15+$0xFFFFFFD0];
	_ =	sdelay $0x4  }
0x8e: {  	[tilespmem:s13+$0x6890] =	vst.add.f32.msk $0xffff, v0  }
0x8f: {  	v0 =	vld [tilespmem:s15+$0xFFFFFFE0];
	_ =	sdelay $0x4  }
0x90: {  	[tilespmem:s13+$0x68A0] =	vst.add.f32.msk $0xffff, v0  }
0x91: {  	v0 =	vld [tilespmem:s15+$0xFFFFFFF0];
	_ =	sdelay $0x4  }
0x92: {  	[tilespmem:s13+$0x68B0] =	vst.add.f32.msk $0xffff, v0  }
0x93: {  	v0 =	vld [tilespmem:s15+$0x0];
	_ =	sdelay $0x4  }
0x94: {  	[tilespmem:s13+$0x6900] =	vst.add.f32.msk $0xffff, v0  }
0x95: {  	v0 =	vld [tilespmem:s15+$0x10];
	_ =	sdelay $0x4  }
0x96: {  	[tilespmem:s13+$0x6910] =	vst.add.f32.msk $0xffff, v0  }
0x97: {  	v0 =	vld [tilespmem:s15+$0x20];
	_ =	sdelay $0x4  }
0x98: {  	[tilespmem:s13+$0x6920] =	vst.add.f32.msk $0xffff, v0  }
0x99: {  	v0 =	vld [tilespmem:s15+$0x30];
	_ =	sdelay $0x4  }
0x9a: {  	[tilespmem:s13+$0x6930] =	vst.add.f32.msk $0xffff, v0  }
0x9b: {  	v0 =	vld [tilespmem:s15+$0x40];
	_ =	sdelay $0x4  }
0x9c: {  	[tilespmem:s13+$0x6980] =	vst.add.f32.msk $0xffff, v0  }
0x9d: {  	v0 =	vld [tilespmem:s15+$0x50];
	_ =	sdelay $0x4  }
0x9e: {  	[tilespmem:s13+$0x6990] =	vst.add.f32.msk $0xffff, v0  }
0x9f: {  	v0 =	vld [tilespmem:s15+$0x60];
	_ =	sdelay $0x4  }
0xa0: {  	[tilespmem:s13+$0x69A0] =	vst.add.f32.msk $0xffff, v0  }
0xa1: {  	v0 =	vld [tilespmem:s15+$0x70];
	_ =	sdelay $0x1  }
.Ltmp3:
0xa2: {  	(pc) =	sbr.rel @p1 .LBB2_8-.Ltmp3, $3  }
0xa3: {  	_ =	sdelay $0x1  }
0xa4: {  	s15 =	sadd.s32 $0x100, s15;
	[tilespmem:s13+$0x69B0] =	vst.add.f32.msk $0xffff, v0  }
0xa5: {  	s10 =	sadd.s32 $0x800, s10;
	v0 =	vld [tilespmem:s15+$0xFFFFFF80]  }
0xa6: {  	_ =	sdelay $0x2  }
0xa7: {  	s8 =	sshra.s32 s8, $0x2  }
0xa8: {  	[tilespmem:s8+$0x6800] =	vst.add.f32.msk $0xffff, v0  }
0xa9: {  	v0 =	vld [tilespmem:s15+$0xFFFFFF90];
	_ =	sdelay $0x4  }
0xaa: {  	[tilespmem:s8+$0x6810] =	vst.add.f32.msk $0xffff, v0  }
0xab: {  	v0 =	vld [tilespmem:s15+$0xFFFFFFA0];
	_ =	sdelay $0x4  }
0xac: {  	[tilespmem:s8+$0x6820] =	vst.add.f32.msk $0xffff, v0  }
0xad: {  	v0 =	vld [tilespmem:s15+$0xFFFFFFB0];
	_ =	sdelay $0x4  }
0xae: {  	[tilespmem:s8+$0x6830] =	vst.add.f32.msk $0xffff, v0  }
0xaf: {  	v0 =	vld [tilespmem:s15+$0xFFFFFFC0];
	_ =	sdelay $0x4  }
0xb0: {  	[tilespmem:s8+$0x6880] =	vst.add.f32.msk $0xffff, v0  }
0xb1: {  	v0 =	vld [tilespmem:s15+$0xFFFFFFD0];
	_ =	sdelay $0x4  }
0xb2: {  	[tilespmem:s8+$0x6890] =	vst.add.f32.msk $0xffff, v0  }
0xb3: {  	v0 =	vld [tilespmem:s15+$0xFFFFFFE0];
	_ =	sdelay $0x4  }
0xb4: {  	[tilespmem:s8+$0x68A0] =	vst.add.f32.msk $0xffff, v0  }
0xb5: {  	v0 =	vld [tilespmem:s15+$0xFFFFFFF0];
	_ =	sdelay $0x4  }
0xb6: {  	[tilespmem:s8+$0x68B0] =	vst.add.f32.msk $0xffff, v0  }
0xb7: {  	v0 =	vld [tilespmem:s15+$0x0];
	_ =	sdelay $0x4  }
0xb8: {  	[tilespmem:s8+$0x6900] =	vst.add.f32.msk $0xffff, v0  }
0xb9: {  	v0 =	vld [tilespmem:s15+$0x10];
	_ =	sdelay $0x4  }
0xba: {  	[tilespmem:s8+$0x6910] =	vst.add.f32.msk $0xffff, v0  }
0xbb: {  	v0 =	vld [tilespmem:s15+$0x20];
	_ =	sdelay $0x4  }
0xbc: {  	[tilespmem:s8+$0x6920] =	vst.add.f32.msk $0xffff, v0  }
0xbd: {  	v0 =	vld [tilespmem:s15+$0x30];
	_ =	sdelay $0x4  }
0xbe: {  	[tilespmem:s8+$0x6930] =	vst.add.f32.msk $0xffff, v0  }
0xbf: {  	v0 =	vld [tilespmem:s15+$0x40];
	_ =	sdelay $0x4  }
0xc0: {  	[tilespmem:s8+$0x6980] =	vst.add.f32.msk $0xffff, v0  }
0xc1: {  	v0 =	vld [tilespmem:s15+$0x50];
	_ =	sdelay $0x4  }
0xc2: {  	[tilespmem:s8+$0x6990] =	vst.add.f32.msk $0xffff, v0  }
0xc3: {  	v0 =	vld [tilespmem:s15+$0x60];
	_ =	sdelay $0x4  }
0xc4: {  	[tilespmem:s8+$0x69A0] =	vst.add.f32.msk $0xffff, v0  }
0xc5: {  	v0 =	vld [tilespmem:s15+$0x70];
	_ =	sdelay $0x2  }
0xc6: {  	s7 =	sadd.s32 s6, s7  }
0xc7: {  	s7 =	sshll.u32 s7, $0xF  }
0xc8: {  	s10 =	sadd.s32 s7, s9;
	s7 =	simm.s32 $0x0;
	[tilespmem:s8+$0x69B0] =	vst.add.f32.msk $0xffff, v0  }
0xc9: {  	[hbm4b:s10+s7] =	stream.linear.scatter [tilespmem:s19], [sflag:$0x6], $0x4000, $0x38;
	[tilespmem:$0x12800] =	vst v63  }
0xca: {  	_ =	swait.ge [sflag:s24], $0x4000  }
0xcb: {  	[sflag:s24] =	ssyncset.done $0x0  }
0xcc: {  	s13 =	sadd.s32 $0x2200, s18;
	s15 =	simm.s32 $0x80;
	[sflag:s24] =	ssyncadd.s32 $0xFFFFC000  }
0xcd: {  	[tilespmem:s17], [sflag:$0x1] =	stream.indirect.gather [hbm4b:s4+s15], $0x80, s13, s15, $0xb8;
	[tilespmem:$0x12800] =	vst v63  }
0xce: {  	_ =	swait.ge [sflag:s25], $0x4000  }
0xcf: {  	[sflag:s25] =	ssyncset.done $0x0  }
0xd0: {  	[sflag:s25] =	ssyncadd.s32 $0xFFFFC000  }
0xd1: {  	s8 =	simm.s32 $0x800;
	v0 =	vld [tilespmem:s15+$0xFFFFFF80]  }
.LBB2_10:
0xd2: {  	p1 =	sne.s32 s8, $0xF800;
	_ =	sdelay $0x2  }
0xd3: {  	s10 =	sshra.s32 s7, $0x2;
	s7 =	smov.u32 s8  }
0xd4: {  	[tilespmem:s10+$0xA800] =	vst.add.f32.msk $0xffff, v0  }
0xd5: {  	v0 =	vld [tilespmem:s15+$0xFFFFFF90];
	_ =	sdelay $0x4  }
0xd6: {  	[tilespmem:s10+$0xA810] =	vst.add.f32.msk $0xffff, v0  }
0xd7: {  	v0 =	vld [tilespmem:s15+$0xFFFFFFA0];
	_ =	sdelay $0x4  }
0xd8: {  	[tilespmem:s10+$0xA820] =	vst.add.f32.msk $0xffff, v0  }
0xd9: {  	v0 =	vld [tilespmem:s15+$0xFFFFFFB0];
	_ =	sdelay $0x4  }
0xda: {  	[tilespmem:s10+$0xA830] =	vst.add.f32.msk $0xffff, v0  }
0xdb: {  	v0 =	vld [tilespmem:s15+$0xFFFFFFC0];
	_ =	sdelay $0x4  }
0xdc: {  	[tilespmem:s10+$0xA880] =	vst.add.f32.msk $0xffff, v0  }
0xdd: {  	v0 =	vld [tilespmem:s15+$0xFFFFFFD0];
	_ =	sdelay $0x4  }
0xde: {  	[tilespmem:s10+$0xA890] =	vst.add.f32.msk $0xffff, v0  }
0xdf: {  	v0 =	vld [tilespmem:s15+$0xFFFFFFE0];
	_ =	sdelay $0x4  }
0xe0: {  	[tilespmem:s10+$0xA8A0] =	vst.add.f32.msk $0xffff, v0  }
0xe1: {  	v0 =	vld [tilespmem:s15+$0xFFFFFFF0];
	_ =	sdelay $0x4  }
0xe2: {  	[tilespmem:s10+$0xA8B0] =	vst.add.f32.msk $0xffff, v0  }
0xe3: {  	v0 =	vld [tilespmem:s15+$0x0];
	_ =	sdelay $0x4  }
0xe4: {  	[tilespmem:s10+$0xA900] =	vst.add.f32.msk $0xffff, v0  }
0xe5: {  	v0 =	vld [tilespmem:s15+$0x10];
	_ =	sdelay $0x4  }
0xe6: {  	[tilespmem:s10+$0xA910] =	vst.add.f32.msk $0xffff, v0  }
0xe7: {  	v0 =	vld [tilespmem:s15+$0x20];
	_ =	sdelay $0x4  }
0xe8: {  	[tilespmem:s10+$0xA920] =	vst.add.f32.msk $0xffff, v0  }
0xe9: {  	v0 =	vld [tilespmem:s15+$0x30];
	_ =	sdelay $0x4  }
0xea: {  	[tilespmem:s10+$0xA930] =	vst.add.f32.msk $0xffff, v0  }
0xeb: {  	v0 =	vld [tilespmem:s15+$0x40];
	_ =	sdelay $0x4  }
0xec: {  	[tilespmem:s10+$0xA980] =	vst.add.f32.msk $0xffff, v0  }
0xed: {  	v0 =	vld [tilespmem:s15+$0x50];
	_ =	sdelay $0x4  }
0xee: {  	[tilespmem:s10+$0xA990] =	vst.add.f32.msk $0xffff, v0  }
0xef: {  	v0 =	vld [tilespmem:s15+$0x60];
	_ =	sdelay $0x4  }
0xf0: {  	[tilespmem:s10+$0xA9A0] =	vst.add.f32.msk $0xffff, v0  }
0xf1: {  	v0 =	vld [tilespmem:s15+$0x70];
	_ =	sdelay $0x1  }
.Ltmp4:
0xf2: {  	(pc) =	sbr.rel @p1 .LBB2_10-.Ltmp4, $3  }
0xf3: {  	_ =	sdelay $0x1  }
0xf4: {  	s15 =	sadd.s32 $0x100, s15;
	[tilespmem:s10+$0xA9B0] =	vst.add.f32.msk $0xffff, v0  }
0xf5: {  	s8 =	sadd.s32 $0x800, s8;
	v0 =	vld [tilespmem:s15+$0xFFFFFF80]  }
0xf6: {  	_ =	sdelay $0x2  }
0xf7: {  	s7 =	sshra.s32 s7, $0x2  }
0xf8: {  	[tilespmem:s7+$0xA800] =	vst.add.f32.msk $0xffff, v0  }
0xf9: {  	v0 =	vld [tilespmem:s15+$0xFFFFFF90];
	_ =	sdelay $0x4  }
0xfa: {  	[tilespmem:s7+$0xA810] =	vst.add.f32.msk $0xffff, v0  }
0xfb: {  	v0 =	vld [tilespmem:s15+$0xFFFFFFA0];
	_ =	sdelay $0x4  }
0xfc: {  	[tilespmem:s7+$0xA820] =	vst.add.f32.msk $0xffff, v0  }
0xfd: {  	v0 =	vld [tilespmem:s15+$0xFFFFFFB0];
	_ =	sdelay $0x4  }
0xfe: {  	[tilespmem:s7+$0xA830] =	vst.add.f32.msk $0xffff, v0  }
0xff: {  	v0 =	vld [tilespmem:s15+$0xFFFFFFC0];
	_ =	sdelay $0x4  }
0x100: {  	[tilespmem:s7+$0xA880] =	vst.add.f32.msk $0xffff, v0  }
0x101: {  	v0 =	vld [tilespmem:s15+$0xFFFFFFD0];
	_ =	sdelay $0x4  }
0x102: {  	[tilespmem:s7+$0xA890] =	vst.add.f32.msk $0xffff, v0  }
0x103: {  	v0 =	vld [tilespmem:s15+$0xFFFFFFE0];
	_ =	sdelay $0x4  }
0x104: {  	[tilespmem:s7+$0xA8A0] =	vst.add.f32.msk $0xffff, v0  }
0x105: {  	v0 =	vld [tilespmem:s15+$0xFFFFFFF0];
	_ =	sdelay $0x4  }
0x106: {  	[tilespmem:s7+$0xA8B0] =	vst.add.f32.msk $0xffff, v0  }
0x107: {  	v0 =	vld [tilespmem:s15+$0x0];
	_ =	sdelay $0x4  }
0x108: {  	[tilespmem:s7+$0xA900] =	vst.add.f32.msk $0xffff, v0  }
0x109: {  	v0 =	vld [tilespmem:s15+$0x10];
	_ =	sdelay $0x4  }
0x10a: {  	[tilespmem:s7+$0xA910] =	vst.add.f32.msk $0xffff, v0  }
0x10b: {  	v0 =	vld [tilespmem:s15+$0x20];
	_ =	sdelay $0x4  }
0x10c: {  	[tilespmem:s7+$0xA920] =	vst.add.f32.msk $0xffff, v0  }
0x10d: {  	v0 =	vld [tilespmem:s15+$0x30];
	_ =	sdelay $0x4  }
0x10e: {  	[tilespmem:s7+$0xA930] =	vst.add.f32.msk $0xffff, v0  }
0x10f: {  	v0 =	vld [tilespmem:s15+$0x40];
	_ =	sdelay $0x4  }
0x110: {  	[tilespmem:s7+$0xA980] =	vst.add.f32.msk $0xffff, v0  }
0x111: {  	v0 =	vld [tilespmem:s15+$0x50];
	_ =	sdelay $0x4  }
0x112: {  	[tilespmem:s7+$0xA990] =	vst.add.f32.msk $0xffff, v0  }
0x113: {  	v0 =	vld [tilespmem:s15+$0x60];
	_ =	sdelay $0x4  }
0x114: {  	[tilespmem:s7+$0xA9A0] =	vst.add.f32.msk $0xffff, v0  }
0x115: {  	v0 =	vld [tilespmem:s15+$0x70];
	_ =	sdelay $0x1  }
0x116: {  	s8 =	sadd.s32 s11, s6  }
0x117: {  	s8 =	sshll.u32 s8, $0xF  }
0x118: {  	s15 =	sadd.s32 s9, s8  }
0x119: {  	s8 =	simm.s32 $0x0;
	s13 =	sadd.s32 $0x10000, s15;
	[tilespmem:s7+$0xA9B0] =	vst.add.f32.msk $0xffff, v0  }
0x11a: {  	[hbm4b:s13+s8] =	stream.linear.scatter [tilespmem:s20], [sflag:$0x7], $0x4000, $0x38;
	[tilespmem:$0x12800] =	vst v63  }
0x11b: {  	_ =	swait.ge [sflag:s26], $0x4000  }
0x11c: {  	[sflag:s26] =	ssyncset.done $0x0  }
0x11d: {  	s10 =	sadd.s32 $0x2280, s18;
	s7 =	simm.s32 $0x80;
	[sflag:s26] =	ssyncadd.s32 $0xFFFFC000  }
0x11e: {  	[tilespmem:s19], [sflag:$0x2] =	stream.indirect.gather [hbm4b:s4+s7], $0x80, s10, s7, $0xb8;
	[tilespmem:$0x12800] =	vst v63  }
0x11f: {  	_ =	swait.ge [sflag:s28], $0x4000  }
0x120: {  	[sflag:s28] =	ssyncset.done $0x0  }
0x121: {  	[sflag:s28] =	ssyncadd.s32 $0xFFFFC000  }
0x122: {  	s10 =	simm.s32 $0x800;
	v0 =	vld [tilespmem:s7+$0xFFFFFF80]  }
.LBB2_12:
0x123: {  	p1 =	sne.s32 s10, $0xF800;
	_ =	sdelay $0x2  }
0x124: {  	s13 =	sshra.s32 s8, $0x2;
	s8 =	smov.u32 s10  }
0x125: {  	[tilespmem:s13+$0xE800] =	vst.add.f32.msk $0xffff, v0  }
0x126: {  	v0 =	vld [tilespmem:s7+$0xFFFFFF90];
	_ =	sdelay $0x4  }
0x127: {  	[tilespmem:s13+$0xE810] =	vst.add.f32.msk $0xffff, v0  }
0x128: {  	v0 =	vld [tilespmem:s7+$0xFFFFFFA0];
	_ =	sdelay $0x4  }
0x129: {  	[tilespmem:s13+$0xE820] =	vst.add.f32.msk $0xffff, v0  }
0x12a: {  	v0 =	vld [tilespmem:s7+$0xFFFFFFB0];
	_ =	sdelay $0x4  }
0x12b: {  	[tilespmem:s13+$0xE830] =	vst.add.f32.msk $0xffff, v0  }
0x12c: {  	v0 =	vld [tilespmem:s7+$0xFFFFFFC0];
	_ =	sdelay $0x4  }
0x12d: {  	[tilespmem:s13+$0xE880] =	vst.add.f32.msk $0xffff, v0  }
0x12e: {  	v0 =	vld [tilespmem:s7+$0xFFFFFFD0];
	_ =	sdelay $0x4  }
0x12f: {  	[tilespmem:s13+$0xE890] =	vst.add.f32.msk $0xffff, v0  }
0x130: {  	v0 =	vld [tilespmem:s7+$0xFFFFFFE0];
	_ =	sdelay $0x4  }
0x131: {  	[tilespmem:s13+$0xE8A0] =	vst.add.f32.msk $0xffff, v0  }
0x132: {  	v0 =	vld [tilespmem:s7+$0xFFFFFFF0];
	_ =	sdelay $0x4  }
0x133: {  	[tilespmem:s13+$0xE8B0] =	vst.add.f32.msk $0xffff, v0  }
0x134: {  	v0 =	vld [tilespmem:s7+$0x0];
	_ =	sdelay $0x4  }
0x135: {  	[tilespmem:s13+$0xE900] =	vst.add.f32.msk $0xffff, v0  }
0x136: {  	v0 =	vld [tilespmem:s7+$0x10];
	_ =	sdelay $0x4  }
0x137: {  	[tilespmem:s13+$0xE910] =	vst.add.f32.msk $0xffff, v0  }
0x138: {  	v0 =	vld [tilespmem:s7+$0x20];
	_ =	sdelay $0x4  }
0x139: {  	[tilespmem:s13+$0xE920] =	vst.add.f32.msk $0xffff, v0  }
0x13a: {  	v0 =	vld [tilespmem:s7+$0x30];
	_ =	sdelay $0x4  }
0x13b: {  	[tilespmem:s13+$0xE930] =	vst.add.f32.msk $0xffff, v0  }
0x13c: {  	v0 =	vld [tilespmem:s7+$0x40];
	_ =	sdelay $0x4  }
0x13d: {  	[tilespmem:s13+$0xE980] =	vst.add.f32.msk $0xffff, v0  }
0x13e: {  	v0 =	vld [tilespmem:s7+$0x50];
	_ =	sdelay $0x4  }
0x13f: {  	[tilespmem:s13+$0xE990] =	vst.add.f32.msk $0xffff, v0  }
0x140: {  	v0 =	vld [tilespmem:s7+$0x60];
	_ =	sdelay $0x4  }
0x141: {  	[tilespmem:s13+$0xE9A0] =	vst.add.f32.msk $0xffff, v0  }
0x142: {  	v0 =	vld [tilespmem:s7+$0x70];
	_ =	sdelay $0x1  }
.Ltmp5:
0x143: {  	(pc) =	sbr.rel @p1 .LBB2_12-.Ltmp5, $3  }
0x144: {  	_ =	sdelay $0x1  }
0x145: {  	s7 =	sadd.s32 $0x100, s7;
	[tilespmem:s13+$0xE9B0] =	vst.add.f32.msk $0xffff, v0  }
0x146: {  	s10 =	sadd.s32 $0x800, s10;
	v0 =	vld [tilespmem:s7+$0xFFFFFF80]  }
0x147: {  	_ =	sdelay $0x2  }
0x148: {  	s8 =	sshra.s32 s8, $0x2  }
0x149: {  	[tilespmem:s8+$0xE800] =	vst.add.f32.msk $0xffff, v0  }
0x14a: {  	v0 =	vld [tilespmem:s7+$0xFFFFFF90];
	_ =	sdelay $0x4  }
0x14b: {  	[tilespmem:s8+$0xE810] =	vst.add.f32.msk $0xffff, v0  }
0x14c: {  	v0 =	vld [tilespmem:s7+$0xFFFFFFA0];
	_ =	sdelay $0x4  }
0x14d: {  	[tilespmem:s8+$0xE820] =	vst.add.f32.msk $0xffff, v0  }
0x14e: {  	v0 =	vld [tilespmem:s7+$0xFFFFFFB0];
	_ =	sdelay $0x4  }
0x14f: {  	[tilespmem:s8+$0xE830] =	vst.add.f32.msk $0xffff, v0  }
0x150: {  	v0 =	vld [tilespmem:s7+$0xFFFFFFC0];
	_ =	sdelay $0x4  }
0x151: {  	[tilespmem:s8+$0xE880] =	vst.add.f32.msk $0xffff, v0  }
0x152: {  	v0 =	vld [tilespmem:s7+$0xFFFFFFD0];
	_ =	sdelay $0x4  }
0x153: {  	[tilespmem:s8+$0xE890] =	vst.add.f32.msk $0xffff, v0  }
0x154: {  	v0 =	vld [tilespmem:s7+$0xFFFFFFE0];
	_ =	sdelay $0x4  }
0x155: {  	[tilespmem:s8+$0xE8A0] =	vst.add.f32.msk $0xffff, v0  }
0x156: {  	v0 =	vld [tilespmem:s7+$0xFFFFFFF0];
	_ =	sdelay $0x4  }
0x157: {  	[tilespmem:s8+$0xE8B0] =	vst.add.f32.msk $0xffff, v0  }
0x158: {  	v0 =	vld [tilespmem:s7+$0x0];
	_ =	sdelay $0x4  }
0x159: {  	[tilespmem:s8+$0xE900] =	vst.add.f32.msk $0xffff, v0  }
0x15a: {  	v0 =	vld [tilespmem:s7+$0x10];
	_ =	sdelay $0x4  }
0x15b: {  	[tilespmem:s8+$0xE910] =	vst.add.f32.msk $0xffff, v0  }
0x15c: {  	v0 =	vld [tilespmem:s7+$0x20];
	_ =	sdelay $0x4  }
0x15d: {  	[tilespmem:s8+$0xE920] =	vst.add.f32.msk $0xffff, v0  }
0x15e: {  	v0 =	vld [tilespmem:s7+$0x30];
	_ =	sdelay $0x4  }
0x15f: {  	[tilespmem:s8+$0xE930] =	vst.add.f32.msk $0xffff, v0  }
0x160: {  	v0 =	vld [tilespmem:s7+$0x40];
	_ =	sdelay $0x4  }
0x161: {  	[tilespmem:s8+$0xE980] =	vst.add.f32.msk $0xffff, v0  }
0x162: {  	v0 =	vld [tilespmem:s7+$0x50];
	_ =	sdelay $0x4  }
0x163: {  	[tilespmem:s8+$0xE990] =	vst.add.f32.msk $0xffff, v0  }
0x164: {  	v0 =	vld [tilespmem:s7+$0x60];
	_ =	sdelay $0x4  }
0x165: {  	[tilespmem:s8+$0xE9A0] =	vst.add.f32.msk $0xffff, v0  }
0x166: {  	v0 =	vld [tilespmem:s7+$0x70];
	_ =	sdelay $0x4  }
0x167: {  	s13 =	sadd.s32 $0x18000, s15;
	[tilespmem:s8+$0xE9B0] =	vst.add.f32.msk $0xffff, v0;
	s8 =	simm.s32 $0x0  }
0x168: {  	[hbm4b:s13+s8] =	stream.linear.scatter [tilespmem:s22], [sflag:$0x8], $0x4000, $0x38;
	[tilespmem:$0x12800] =	vst v63  }
0x169: {  	_ =	swait.ge [sflag:s29], $0x4000  }
0x16a: {  	[sflag:s29] =	ssyncset.done $0x0  }
0x16b: {  	s10 =	sadd.s32 $0x2300, s18;
	s7 =	simm.s32 $0x80;
	[sflag:s29] =	ssyncadd.s32 $0xFFFFC000  }
0x16c: {  	[tilespmem:s20], [sflag:$0x3] =	stream.indirect.gather [hbm4b:s4+s7], $0x80, s10, s7, $0xb8;
	[tilespmem:$0x12800] =	vst v63  }
0x16d: {  	_ =	swait.ge [sflag:s21], $0x4000  }
0x16e: {  	[sflag:s21] =	ssyncset.done $0x0  }
0x16f: {  	[sflag:s21] =	ssyncadd.s32 $0xFFFFC000  }
0x170: {  	s10 =	simm.s32 $0x800;
	v0 =	vld [tilespmem:s7+$0xFFFFFF80]  }
.LBB2_14:
0x171: {  	p1 =	sne.s32 s10, $0xF800;
	_ =	sdelay $0x2  }
0x172: {  	s13 =	sshra.s32 s8, $0x2;
	s8 =	smov.u32 s10  }
0x173: {  	[tilespmem:s13+$0x2800] =	vst.add.f32.msk $0xffff, v0  }
0x174: {  	v0 =	vld [tilespmem:s7+$0xFFFFFF90];
	_ =	sdelay $0x4  }
0x175: {  	[tilespmem:s13+$0x2810] =	vst.add.f32.msk $0xffff, v0  }
0x176: {  	v0 =	vld [tilespmem:s7+$0xFFFFFFA0];
	_ =	sdelay $0x4  }
0x177: {  	[tilespmem:s13+$0x2820] =	vst.add.f32.msk $0xffff, v0  }
0x178: {  	v0 =	vld [tilespmem:s7+$0xFFFFFFB0];
	_ =	sdelay $0x4  }
0x179: {  	[tilespmem:s13+$0x2830] =	vst.add.f32.msk $0xffff, v0  }
0x17a: {  	v0 =	vld [tilespmem:s7+$0xFFFFFFC0];
	_ =	sdelay $0x4  }
0x17b: {  	[tilespmem:s13+$0x2880] =	vst.add.f32.msk $0xffff, v0  }
0x17c: {  	v0 =	vld [tilespmem:s7+$0xFFFFFFD0];
	_ =	sdelay $0x4  }
0x17d: {  	[tilespmem:s13+$0x2890] =	vst.add.f32.msk $0xffff, v0  }
0x17e: {  	v0 =	vld [tilespmem:s7+$0xFFFFFFE0];
	_ =	sdelay $0x4  }
0x17f: {  	[tilespmem:s13+$0x28A0] =	vst.add.f32.msk $0xffff, v0  }
0x180: {  	v0 =	vld [tilespmem:s7+$0xFFFFFFF0];
	_ =	sdelay $0x4  }
0x181: {  	[tilespmem:s13+$0x28B0] =	vst.add.f32.msk $0xffff, v0  }
0x182: {  	v0 =	vld [tilespmem:s7+$0x0];
	_ =	sdelay $0x4  }
0x183: {  	[tilespmem:s13+$0x2900] =	vst.add.f32.msk $0xffff, v0  }
0x184: {  	v0 =	vld [tilespmem:s7+$0x10];
	_ =	sdelay $0x4  }
0x185: {  	[tilespmem:s13+$0x2910] =	vst.add.f32.msk $0xffff, v0  }
0x186: {  	v0 =	vld [tilespmem:s7+$0x20];
	_ =	sdelay $0x4  }
0x187: {  	[tilespmem:s13+$0x2920] =	vst.add.f32.msk $0xffff, v0  }
0x188: {  	v0 =	vld [tilespmem:s7+$0x30];
	_ =	sdelay $0x4  }
0x189: {  	[tilespmem:s13+$0x2930] =	vst.add.f32.msk $0xffff, v0  }
0x18a: {  	v0 =	vld [tilespmem:s7+$0x40];
	_ =	sdelay $0x4  }
0x18b: {  	[tilespmem:s13+$0x2980] =	vst.add.f32.msk $0xffff, v0  }
0x18c: {  	v0 =	vld [tilespmem:s7+$0x50];
	_ =	sdelay $0x4  }
0x18d: {  	[tilespmem:s13+$0x2990] =	vst.add.f32.msk $0xffff, v0  }
0x18e: {  	v0 =	vld [tilespmem:s7+$0x60];
	_ =	sdelay $0x4  }
0x18f: {  	[tilespmem:s13+$0x29A0] =	vst.add.f32.msk $0xffff, v0  }
0x190: {  	v0 =	vld [tilespmem:s7+$0x70];
	_ =	sdelay $0x1  }
.Ltmp6:
0x191: {  	(pc) =	sbr.rel @p1 .LBB2_14-.Ltmp6, $3  }
0x192: {  	_ =	sdelay $0x1  }
0x193: {  	s7 =	sadd.s32 $0x100, s7;
	[tilespmem:s13+$0x29B0] =	vst.add.f32.msk $0xffff, v0  }
0x194: {  	s10 =	sadd.s32 $0x800, s10;
	v0 =	vld [tilespmem:s7+$0xFFFFFF80]  }
0x195: {  	_ =	sdelay $0x2  }
0x196: {  	s8 =	sshra.s32 s8, $0x2  }
0x197: {  	[tilespmem:s8+$0x2800] =	vst.add.f32.msk $0xffff, v0  }
0x198: {  	v0 =	vld [tilespmem:s7+$0xFFFFFF90];
	_ =	sdelay $0x4  }
0x199: {  	[tilespmem:s8+$0x2810] =	vst.add.f32.msk $0xffff, v0  }
0x19a: {  	v0 =	vld [tilespmem:s7+$0xFFFFFFA0];
	_ =	sdelay $0x4  }
0x19b: {  	[tilespmem:s8+$0x2820] =	vst.add.f32.msk $0xffff, v0  }
0x19c: {  	v0 =	vld [tilespmem:s7+$0xFFFFFFB0];
	_ =	sdelay $0x4  }
0x19d: {  	[tilespmem:s8+$0x2830] =	vst.add.f32.msk $0xffff, v0  }
0x19e: {  	v0 =	vld [tilespmem:s7+$0xFFFFFFC0];
	_ =	sdelay $0x4  }
0x19f: {  	[tilespmem:s8+$0x2880] =	vst.add.f32.msk $0xffff, v0  }
0x1a0: {  	v0 =	vld [tilespmem:s7+$0xFFFFFFD0];
	_ =	sdelay $0x4  }
0x1a1: {  	[tilespmem:s8+$0x2890] =	vst.add.f32.msk $0xffff, v0  }
0x1a2: {  	v0 =	vld [tilespmem:s7+$0xFFFFFFE0];
	_ =	sdelay $0x4  }
0x1a3: {  	[tilespmem:s8+$0x28A0] =	vst.add.f32.msk $0xffff, v0  }
0x1a4: {  	v0 =	vld [tilespmem:s7+$0xFFFFFFF0];
	_ =	sdelay $0x4  }
0x1a5: {  	[tilespmem:s8+$0x28B0] =	vst.add.f32.msk $0xffff, v0  }
0x1a6: {  	v0 =	vld [tilespmem:s7+$0x0];
	_ =	sdelay $0x4  }
0x1a7: {  	[tilespmem:s8+$0x2900] =	vst.add.f32.msk $0xffff, v0  }
0x1a8: {  	v0 =	vld [tilespmem:s7+$0x10];
	_ =	sdelay $0x4  }
0x1a9: {  	[tilespmem:s8+$0x2910] =	vst.add.f32.msk $0xffff, v0  }
0x1aa: {  	v0 =	vld [tilespmem:s7+$0x20];
	_ =	sdelay $0x4  }
0x1ab: {  	[tilespmem:s8+$0x2920] =	vst.add.f32.msk $0xffff, v0  }
0x1ac: {  	v0 =	vld [tilespmem:s7+$0x30];
	_ =	sdelay $0x4  }
0x1ad: {  	[tilespmem:s8+$0x2930] =	vst.add.f32.msk $0xffff, v0  }
0x1ae: {  	v0 =	vld [tilespmem:s7+$0x40];
	_ =	sdelay $0x4  }
0x1af: {  	[tilespmem:s8+$0x2980] =	vst.add.f32.msk $0xffff, v0  }
0x1b0: {  	v0 =	vld [tilespmem:s7+$0x50];
	_ =	sdelay $0x4  }
0x1b1: {  	[tilespmem:s8+$0x2990] =	vst.add.f32.msk $0xffff, v0  }
0x1b2: {  	v0 =	vld [tilespmem:s7+$0x60];
	_ =	sdelay $0x4  }
0x1b3: {  	[tilespmem:s8+$0x29A0] =	vst.add.f32.msk $0xffff, v0  }
0x1b4: {  	v0 =	vld [tilespmem:s7+$0x70];
	_ =	sdelay $0x4  }
0x1b5: {  	s13 =	sadd.s32 $0x20000, s15;
	[tilespmem:s8+$0x29B0] =	vst.add.f32.msk $0xffff, v0;
	s8 =	simm.s32 $0x0  }
0x1b6: {  	[hbm4b:s13+s8] =	stream.linear.scatter [tilespmem:s17], [sflag:$0x5], $0x4000, $0x38;
	[tilespmem:$0x12800] =	vst v63  }
0x1b7: {  	_ =	swait.ge [sflag:s30], $0x4000  }
0x1b8: {  	[sflag:s30] =	ssyncset.done $0x0  }
0x1b9: {  	s10 =	sadd.s32 $0x2380, s18;
	s7 =	simm.s32 $0x80;
	[sflag:s30] =	ssyncadd.s32 $0xFFFFC000  }
0x1ba: {  	[tilespmem:s22], [sflag:$0x4] =	stream.indirect.gather [hbm4b:s4+s7], $0x80, s10, s7, $0xb8;
	[tilespmem:$0x12800] =	vst v63  }
0x1bb: {  	_ =	swait.ge [sflag:s23], $0x4000  }
0x1bc: {  	[sflag:s23] =	ssyncset.done $0x0  }
0x1bd: {  	[sflag:s23] =	ssyncadd.s32 $0xFFFFC000  }
0x1be: {  	s10 =	simm.s32 $0x800;
	v0 =	vld [tilespmem:s7+$0xFFFFFF80]  }
.LBB2_16:
0x1bf: {  	p1 =	sne.s32 s10, $0xF800;
	_ =	sdelay $0x2  }
0x1c0: {  	s13 =	sshra.s32 s8, $0x2;
	s8 =	smov.u32 s10  }
0x1c1: {  	[tilespmem:s13+$0x6800] =	vst.add.f32.msk $0xffff, v0  }
0x1c2: {  	v0 =	vld [tilespmem:s7+$0xFFFFFF90];
	_ =	sdelay $0x4  }
0x1c3: {  	[tilespmem:s13+$0x6810] =	vst.add.f32.msk $0xffff, v0  }
0x1c4: {  	v0 =	vld [tilespmem:s7+$0xFFFFFFA0];
	_ =	sdelay $0x4  }
0x1c5: {  	[tilespmem:s13+$0x6820] =	vst.add.f32.msk $0xffff, v0  }
0x1c6: {  	v0 =	vld [tilespmem:s7+$0xFFFFFFB0];
	_ =	sdelay $0x4  }
0x1c7: {  	[tilespmem:s13+$0x6830] =	vst.add.f32.msk $0xffff, v0  }
0x1c8: {  	v0 =	vld [tilespmem:s7+$0xFFFFFFC0];
	_ =	sdelay $0x4  }
0x1c9: {  	[tilespmem:s13+$0x6880] =	vst.add.f32.msk $0xffff, v0  }
0x1ca: {  	v0 =	vld [tilespmem:s7+$0xFFFFFFD0];
	_ =	sdelay $0x4  }
0x1cb: {  	[tilespmem:s13+$0x6890] =	vst.add.f32.msk $0xffff, v0  }
0x1cc: {  	v0 =	vld [tilespmem:s7+$0xFFFFFFE0];
	_ =	sdelay $0x4  }
0x1cd: {  	[tilespmem:s13+$0x68A0] =	vst.add.f32.msk $0xffff, v0  }
0x1ce: {  	v0 =	vld [tilespmem:s7+$0xFFFFFFF0];
	_ =	sdelay $0x4  }
0x1cf: {  	[tilespmem:s13+$0x68B0] =	vst.add.f32.msk $0xffff, v0  }
0x1d0: {  	v0 =	vld [tilespmem:s7+$0x0];
	_ =	sdelay $0x4  }
0x1d1: {  	[tilespmem:s13+$0x6900] =	vst.add.f32.msk $0xffff, v0  }
0x1d2: {  	v0 =	vld [tilespmem:s7+$0x10];
	_ =	sdelay $0x4  }
0x1d3: {  	[tilespmem:s13+$0x6910] =	vst.add.f32.msk $0xffff, v0  }
0x1d4: {  	v0 =	vld [tilespmem:s7+$0x20];
	_ =	sdelay $0x4  }
0x1d5: {  	[tilespmem:s13+$0x6920] =	vst.add.f32.msk $0xffff, v0  }
0x1d6: {  	v0 =	vld [tilespmem:s7+$0x30];
	_ =	sdelay $0x4  }
0x1d7: {  	[tilespmem:s13+$0x6930] =	vst.add.f32.msk $0xffff, v0  }
0x1d8: {  	v0 =	vld [tilespmem:s7+$0x40];
	_ =	sdelay $0x4  }
0x1d9: {  	[tilespmem:s13+$0x6980] =	vst.add.f32.msk $0xffff, v0  }
0x1da: {  	v0 =	vld [tilespmem:s7+$0x50];
	_ =	sdelay $0x4  }
0x1db: {  	[tilespmem:s13+$0x6990] =	vst.add.f32.msk $0xffff, v0  }
0x1dc: {  	v0 =	vld [tilespmem:s7+$0x60];
	_ =	sdelay $0x4  }
0x1dd: {  	[tilespmem:s13+$0x69A0] =	vst.add.f32.msk $0xffff, v0  }
0x1de: {  	v0 =	vld [tilespmem:s7+$0x70];
	_ =	sdelay $0x1  }
.Ltmp7:
0x1df: {  	(pc) =	sbr.rel @p1 .LBB2_16-.Ltmp7, $3  }
0x1e0: {  	_ =	sdelay $0x1  }
0x1e1: {  	s7 =	sadd.s32 $0x100, s7;
	[tilespmem:s13+$0x69B0] =	vst.add.f32.msk $0xffff, v0  }
0x1e2: {  	s10 =	sadd.s32 $0x800, s10;
	v0 =	vld [tilespmem:s7+$0xFFFFFF80]  }
0x1e3: {  	_ =	sdelay $0x2  }
0x1e4: {  	s8 =	sshra.s32 s8, $0x2  }
0x1e5: {  	[tilespmem:s8+$0x6800] =	vst.add.f32.msk $0xffff, v0  }
0x1e6: {  	v0 =	vld [tilespmem:s7+$0xFFFFFF90];
	_ =	sdelay $0x4  }
0x1e7: {  	[tilespmem:s8+$0x6810] =	vst.add.f32.msk $0xffff, v0  }
0x1e8: {  	v0 =	vld [tilespmem:s7+$0xFFFFFFA0];
	_ =	sdelay $0x4  }
0x1e9: {  	[tilespmem:s8+$0x6820] =	vst.add.f32.msk $0xffff, v0  }
0x1ea: {  	v0 =	vld [tilespmem:s7+$0xFFFFFFB0];
	_ =	sdelay $0x4  }
0x1eb: {  	[tilespmem:s8+$0x6830] =	vst.add.f32.msk $0xffff, v0  }
0x1ec: {  	v0 =	vld [tilespmem:s7+$0xFFFFFFC0];
	_ =	sdelay $0x4  }
0x1ed: {  	[tilespmem:s8+$0x6880] =	vst.add.f32.msk $0xffff, v0  }
0x1ee: {  	v0 =	vld [tilespmem:s7+$0xFFFFFFD0];
	_ =	sdelay $0x4  }
0x1ef: {  	[tilespmem:s8+$0x6890] =	vst.add.f32.msk $0xffff, v0  }
0x1f0: {  	v0 =	vld [tilespmem:s7+$0xFFFFFFE0];
	_ =	sdelay $0x4  }
0x1f1: {  	[tilespmem:s8+$0x68A0] =	vst.add.f32.msk $0xffff, v0  }
0x1f2: {  	v0 =	vld [tilespmem:s7+$0xFFFFFFF0];
	_ =	sdelay $0x4  }
0x1f3: {  	[tilespmem:s8+$0x68B0] =	vst.add.f32.msk $0xffff, v0  }
0x1f4: {  	v0 =	vld [tilespmem:s7+$0x0];
	_ =	sdelay $0x4  }
0x1f5: {  	[tilespmem:s8+$0x6900] =	vst.add.f32.msk $0xffff, v0  }
0x1f6: {  	v0 =	vld [tilespmem:s7+$0x10];
	_ =	sdelay $0x4  }
0x1f7: {  	[tilespmem:s8+$0x6910] =	vst.add.f32.msk $0xffff, v0  }
0x1f8: {  	v0 =	vld [tilespmem:s7+$0x20];
	_ =	sdelay $0x4  }
0x1f9: {  	[tilespmem:s8+$0x6920] =	vst.add.f32.msk $0xffff, v0  }
0x1fa: {  	v0 =	vld [tilespmem:s7+$0x30];
	_ =	sdelay $0x4  }
0x1fb: {  	[tilespmem:s8+$0x6930] =	vst.add.f32.msk $0xffff, v0  }
0x1fc: {  	v0 =	vld [tilespmem:s7+$0x40];
	_ =	sdelay $0x4  }
0x1fd: {  	[tilespmem:s8+$0x6980] =	vst.add.f32.msk $0xffff, v0  }
0x1fe: {  	v0 =	vld [tilespmem:s7+$0x50];
	_ =	sdelay $0x4  }
0x1ff: {  	[tilespmem:s8+$0x6990] =	vst.add.f32.msk $0xffff, v0  }
0x200: {  	v0 =	vld [tilespmem:s7+$0x60];
	_ =	sdelay $0x4  }
0x201: {  	[tilespmem:s8+$0x69A0] =	vst.add.f32.msk $0xffff, v0  }
0x202: {  	v0 =	vld [tilespmem:s7+$0x70];
	_ =	sdelay $0x4  }
0x203: {  	s18 =	sadd.s32 $0x28000, s15;
	[tilespmem:s8+$0x69B0] =	vst.add.f32.msk $0xffff, v0  }
0x204: {  	[hbm4b:s18+s2] =	stream.linear.scatter [tilespmem:s19], [sflag:$0x6], $0x4000, $0x38;
	[tilespmem:$0x12800] =	vst v63  }
0x205: {  	_ =	swait.ge [sflag:s24], $0x4000  }
0x206: {  	[sflag:s24] =	ssyncset.done $0x0  }
0x207: {  	s7 =	simm.s32 @!p0 $0x9;
	[sflag:s24] =	ssyncadd.s32 $0xFFFFC000  }
0x208: {  	_ =	swait.ge @!p0 [sflag:s7], $0x400  }
0x209: {  	[sflag:s7] =	ssyncset.done @!p0 $0x0  }
0x20a: {  	s8 =	simm.s32 @!p0 $0x2800;
	[sflag:s7] =	ssyncadd.s32 @!p0 $0xFFFFFC00;
	s7 =	simm.s32 @!p0 $0x80  }
0x20b: {  	[tilespmem:s8], [sflag:$0x1] =	stream.indirect.gather @!p0 [hbm4b:s4+s7], $0x80, s14, s7, $0xb8;
	[tilespmem:$0x12800] =	vst v63  }
0x20c: {  	_ =	swait.ge [sflag:s25], $0x4000  }
0x20d: {  	[sflag:s25] =	ssyncset.done $0x0  }
0x20e: {  	s14 =	simm.s32 $0x80;
	[sflag:s25] =	ssyncadd.s32 $0xFFFFC000  }
0x20f: {  	s10 =	simm.s32 $0x800;
	s7 =	sor.u32 $0x6, s11;
	s8 =	simm.s32 $0x0;
	v0 =	vld [tilespmem:s14+$0xFFFFFF80]  }
.LBB2_18:
0x210: {  	p1 =	sne.s32 s10, $0xF800;
	_ =	sdelay $0x2  }
0x211: {  	s13 =	sshra.s32 s8, $0x2;
	s8 =	smov.u32 s10  }
0x212: {  	[tilespmem:s13+$0xA800] =	vst.add.f32.msk $0xffff, v0  }
0x213: {  	v0 =	vld [tilespmem:s14+$0xFFFFFF90];
	_ =	sdelay $0x4  }
0x214: {  	[tilespmem:s13+$0xA810] =	vst.add.f32.msk $0xffff, v0  }
0x215: {  	v0 =	vld [tilespmem:s14+$0xFFFFFFA0];
	_ =	sdelay $0x4  }
0x216: {  	[tilespmem:s13+$0xA820] =	vst.add.f32.msk $0xffff, v0  }
0x217: {  	v0 =	vld [tilespmem:s14+$0xFFFFFFB0];
	_ =	sdelay $0x4  }
0x218: {  	[tilespmem:s13+$0xA830] =	vst.add.f32.msk $0xffff, v0  }
0x219: {  	v0 =	vld [tilespmem:s14+$0xFFFFFFC0];
	_ =	sdelay $0x4  }
0x21a: {  	[tilespmem:s13+$0xA880] =	vst.add.f32.msk $0xffff, v0  }
0x21b: {  	v0 =	vld [tilespmem:s14+$0xFFFFFFD0];
	_ =	sdelay $0x4  }
0x21c: {  	[tilespmem:s13+$0xA890] =	vst.add.f32.msk $0xffff, v0  }
0x21d: {  	v0 =	vld [tilespmem:s14+$0xFFFFFFE0];
	_ =	sdelay $0x4  }
0x21e: {  	[tilespmem:s13+$0xA8A0] =	vst.add.f32.msk $0xffff, v0  }
0x21f: {  	v0 =	vld [tilespmem:s14+$0xFFFFFFF0];
	_ =	sdelay $0x4  }
0x220: {  	[tilespmem:s13+$0xA8B0] =	vst.add.f32.msk $0xffff, v0  }
0x221: {  	v0 =	vld [tilespmem:s14+$0x0];
	_ =	sdelay $0x4  }
0x222: {  	[tilespmem:s13+$0xA900] =	vst.add.f32.msk $0xffff, v0  }
0x223: {  	v0 =	vld [tilespmem:s14+$0x10];
	_ =	sdelay $0x4  }
0x224: {  	[tilespmem:s13+$0xA910] =	vst.add.f32.msk $0xffff, v0  }
0x225: {  	v0 =	vld [tilespmem:s14+$0x20];
	_ =	sdelay $0x4  }
0x226: {  	[tilespmem:s13+$0xA920] =	vst.add.f32.msk $0xffff, v0  }
0x227: {  	v0 =	vld [tilespmem:s14+$0x30];
	_ =	sdelay $0x4  }
0x228: {  	[tilespmem:s13+$0xA930] =	vst.add.f32.msk $0xffff, v0  }
0x229: {  	v0 =	vld [tilespmem:s14+$0x40];
	_ =	sdelay $0x4  }
0x22a: {  	[tilespmem:s13+$0xA980] =	vst.add.f32.msk $0xffff, v0  }
0x22b: {  	v0 =	vld [tilespmem:s14+$0x50];
	_ =	sdelay $0x4  }
0x22c: {  	[tilespmem:s13+$0xA990] =	vst.add.f32.msk $0xffff, v0  }
0x22d: {  	v0 =	vld [tilespmem:s14+$0x60];
	_ =	sdelay $0x4  }
0x22e: {  	[tilespmem:s13+$0xA9A0] =	vst.add.f32.msk $0xffff, v0  }
0x22f: {  	v0 =	vld [tilespmem:s14+$0x70];
	_ =	sdelay $0x1  }
.Ltmp8:
0x230: {  	(pc) =	sbr.rel @p1 .LBB2_18-.Ltmp8, $3  }
0x231: {  	_ =	sdelay $0x1  }
0x232: {  	s14 =	sadd.s32 $0x100, s14;
	[tilespmem:s13+$0xA9B0] =	vst.add.f32.msk $0xffff, v0  }
0x233: {  	s10 =	sadd.s32 $0x800, s10;
	v0 =	vld [tilespmem:s14+$0xFFFFFF80]  }
0x234: {  	_ =	sdelay $0x2  }
0x235: {  	s8 =	sshra.s32 s8, $0x2  }
0x236: {  	[tilespmem:s8+$0xA800] =	vst.add.f32.msk $0xffff, v0  }
0x237: {  	v0 =	vld [tilespmem:s14+$0xFFFFFF90];
	_ =	sdelay $0x4  }
0x238: {  	[tilespmem:s8+$0xA810] =	vst.add.f32.msk $0xffff, v0  }
0x239: {  	v0 =	vld [tilespmem:s14+$0xFFFFFFA0];
	_ =	sdelay $0x4  }
0x23a: {  	[tilespmem:s8+$0xA820] =	vst.add.f32.msk $0xffff, v0  }
0x23b: {  	v0 =	vld [tilespmem:s14+$0xFFFFFFB0];
	_ =	sdelay $0x4  }
0x23c: {  	[tilespmem:s8+$0xA830] =	vst.add.f32.msk $0xffff, v0  }
0x23d: {  	v0 =	vld [tilespmem:s14+$0xFFFFFFC0];
	_ =	sdelay $0x4  }
0x23e: {  	[tilespmem:s8+$0xA880] =	vst.add.f32.msk $0xffff, v0  }
0x23f: {  	v0 =	vld [tilespmem:s14+$0xFFFFFFD0];
	_ =	sdelay $0x4  }
0x240: {  	[tilespmem:s8+$0xA890] =	vst.add.f32.msk $0xffff, v0  }
0x241: {  	v0 =	vld [tilespmem:s14+$0xFFFFFFE0];
	_ =	sdelay $0x4  }
0x242: {  	[tilespmem:s8+$0xA8A0] =	vst.add.f32.msk $0xffff, v0  }
0x243: {  	v0 =	vld [tilespmem:s14+$0xFFFFFFF0];
	_ =	sdelay $0x4  }
0x244: {  	[tilespmem:s8+$0xA8B0] =	vst.add.f32.msk $0xffff, v0  }
0x245: {  	v0 =	vld [tilespmem:s14+$0x0];
	_ =	sdelay $0x4  }
0x246: {  	[tilespmem:s8+$0xA900] =	vst.add.f32.msk $0xffff, v0  }
0x247: {  	v0 =	vld [tilespmem:s14+$0x10];
	_ =	sdelay $0x4  }
0x248: {  	[tilespmem:s8+$0xA910] =	vst.add.f32.msk $0xffff, v0  }
0x249: {  	v0 =	vld [tilespmem:s14+$0x20];
	_ =	sdelay $0x4  }
0x24a: {  	[tilespmem:s8+$0xA920] =	vst.add.f32.msk $0xffff, v0  }
0x24b: {  	v0 =	vld [tilespmem:s14+$0x30];
	_ =	sdelay $0x4  }
0x24c: {  	[tilespmem:s8+$0xA930] =	vst.add.f32.msk $0xffff, v0  }
0x24d: {  	v0 =	vld [tilespmem:s14+$0x40];
	_ =	sdelay $0x4  }
0x24e: {  	[tilespmem:s8+$0xA980] =	vst.add.f32.msk $0xffff, v0  }
0x24f: {  	v0 =	vld [tilespmem:s14+$0x50];
	_ =	sdelay $0x4  }
0x250: {  	[tilespmem:s8+$0xA990] =	vst.add.f32.msk $0xffff, v0  }
0x251: {  	v0 =	vld [tilespmem:s14+$0x60];
	_ =	sdelay $0x4  }
0x252: {  	[tilespmem:s8+$0xA9A0] =	vst.add.f32.msk $0xffff, v0  }
0x253: {  	v0 =	vld [tilespmem:s14+$0x70];
	_ =	sdelay $0x2  }
0x254: {  	s7 =	sadd.s32 s6, s7  }
0x255: {  	s7 =	sshll.u32 s7, $0xF  }
0x256: {  	s7 =	sadd.s32 s7, s9;
	[tilespmem:s8+$0xA9B0] =	vst.add.f32.msk $0xffff, v0  }
0x257: {  	[hbm4b:s7+s2] =	stream.linear.scatter [tilespmem:s20], [sflag:$0x7], $0x4000, $0x38;
	[tilespmem:$0x12800] =	vst v63  }
0x258: {  	_ =	swait.ge [sflag:s26], $0x4000  }
0x259: {  	s1 =	sor.u32 @!p0 $0x2080, s1;
	[sflag:s26] =	ssyncset.done $0x0  }
0x25a: {  	s8 =	simm.s32 @!p0 $0x6800;
	s7 =	simm.s32 @!p0 $0x80;
	[sflag:s26] =	ssyncadd.s32 $0xFFFFC000  }
0x25b: {  	[tilespmem:s8], [sflag:$0x2] =	stream.indirect.gather @!p0 [hbm4b:s4+s7], $0x80, s1, s7, $0xb8;
	[tilespmem:$0x12800] =	vst v63  }
0x25c: {  	_ =	swait.ge [sflag:s28], $0x4000  }
0x25d: {  	[sflag:s28] =	ssyncset.done $0x0  }
0x25e: {  	s7 =	simm.s32 $0x80;
	[sflag:s28] =	ssyncadd.s32 $0xFFFFC000  }
0x25f: {  	s10 =	simm.s32 $0x800;
	s1 =	sor.u32 $0x7, s11;
	s8 =	simm.s32 $0x0;
	v0 =	vld [tilespmem:s7+$0xFFFFFF80]  }
.LBB2_20:
0x260: {  	p0 =	sne.s32 s10, $0xF800;
	_ =	sdelay $0x2  }
0x261: {  	s11 =	sshra.s32 s8, $0x2;
	s8 =	smov.u32 s10  }
0x262: {  	[tilespmem:s11+$0xE800] =	vst.add.f32.msk $0xffff, v0  }
0x263: {  	v0 =	vld [tilespmem:s7+$0xFFFFFF90];
	_ =	sdelay $0x4  }
0x264: {  	[tilespmem:s11+$0xE810] =	vst.add.f32.msk $0xffff, v0  }
0x265: {  	v0 =	vld [tilespmem:s7+$0xFFFFFFA0];
	_ =	sdelay $0x4  }
0x266: {  	[tilespmem:s11+$0xE820] =	vst.add.f32.msk $0xffff, v0  }
0x267: {  	v0 =	vld [tilespmem:s7+$0xFFFFFFB0];
	_ =	sdelay $0x4  }
0x268: {  	[tilespmem:s11+$0xE830] =	vst.add.f32.msk $0xffff, v0  }
0x269: {  	v0 =	vld [tilespmem:s7+$0xFFFFFFC0];
	_ =	sdelay $0x4  }
0x26a: {  	[tilespmem:s11+$0xE880] =	vst.add.f32.msk $0xffff, v0  }
0x26b: {  	v0 =	vld [tilespmem:s7+$0xFFFFFFD0];
	_ =	sdelay $0x4  }
0x26c: {  	[tilespmem:s11+$0xE890] =	vst.add.f32.msk $0xffff, v0  }
0x26d: {  	v0 =	vld [tilespmem:s7+$0xFFFFFFE0];
	_ =	sdelay $0x4  }
0x26e: {  	[tilespmem:s11+$0xE8A0] =	vst.add.f32.msk $0xffff, v0  }
0x26f: {  	v0 =	vld [tilespmem:s7+$0xFFFFFFF0];
	_ =	sdelay $0x4  }
0x270: {  	[tilespmem:s11+$0xE8B0] =	vst.add.f32.msk $0xffff, v0  }
0x271: {  	v0 =	vld [tilespmem:s7+$0x0];
	_ =	sdelay $0x4  }
0x272: {  	[tilespmem:s11+$0xE900] =	vst.add.f32.msk $0xffff, v0  }
0x273: {  	v0 =	vld [tilespmem:s7+$0x10];
	_ =	sdelay $0x4  }
0x274: {  	[tilespmem:s11+$0xE910] =	vst.add.f32.msk $0xffff, v0  }
0x275: {  	v0 =	vld [tilespmem:s7+$0x20];
	_ =	sdelay $0x4  }
0x276: {  	[tilespmem:s11+$0xE920] =	vst.add.f32.msk $0xffff, v0  }
0x277: {  	v0 =	vld [tilespmem:s7+$0x30];
	_ =	sdelay $0x4  }
0x278: {  	[tilespmem:s11+$0xE930] =	vst.add.f32.msk $0xffff, v0  }
0x279: {  	v0 =	vld [tilespmem:s7+$0x40];
	_ =	sdelay $0x4  }
0x27a: {  	[tilespmem:s11+$0xE980] =	vst.add.f32.msk $0xffff, v0  }
0x27b: {  	v0 =	vld [tilespmem:s7+$0x50];
	_ =	sdelay $0x4  }
0x27c: {  	[tilespmem:s11+$0xE990] =	vst.add.f32.msk $0xffff, v0  }
0x27d: {  	v0 =	vld [tilespmem:s7+$0x60];
	_ =	sdelay $0x4  }
0x27e: {  	[tilespmem:s11+$0xE9A0] =	vst.add.f32.msk $0xffff, v0  }
0x27f: {  	v0 =	vld [tilespmem:s7+$0x70];
	_ =	sdelay $0x1  }
.Ltmp9:
0x280: {  	(pc) =	sbr.rel @p0 .LBB2_20-.Ltmp9, $3  }
0x281: {  	_ =	sdelay $0x1  }
0x282: {  	s7 =	sadd.s32 $0x100, s7;
	[tilespmem:s11+$0xE9B0] =	vst.add.f32.msk $0xffff, v0  }
0x283: {  	s10 =	sadd.s32 $0x800, s10;
	v0 =	vld [tilespmem:s7+$0xFFFFFF80]  }
0x284: {  	_ =	sdelay $0x2  }
0x285: {  	s8 =	sshra.s32 s8, $0x2  }
0x286: {  	[tilespmem:s8+$0xE800] =	vst.add.f32.msk $0xffff, v0  }
0x287: {  	v0 =	vld [tilespmem:s7+$0xFFFFFF90];
	_ =	sdelay $0x4  }
0x288: {  	[tilespmem:s8+$0xE810] =	vst.add.f32.msk $0xffff, v0  }
0x289: {  	v0 =	vld [tilespmem:s7+$0xFFFFFFA0];
	_ =	sdelay $0x4  }
0x28a: {  	[tilespmem:s8+$0xE820] =	vst.add.f32.msk $0xffff, v0  }
0x28b: {  	v0 =	vld [tilespmem:s7+$0xFFFFFFB0];
	_ =	sdelay $0x4  }
0x28c: {  	[tilespmem:s8+$0xE830] =	vst.add.f32.msk $0xffff, v0  }
0x28d: {  	v0 =	vld [tilespmem:s7+$0xFFFFFFC0];
	_ =	sdelay $0x4  }
0x28e: {  	[tilespmem:s8+$0xE880] =	vst.add.f32.msk $0xffff, v0  }
0x28f: {  	v0 =	vld [tilespmem:s7+$0xFFFFFFD0];
	_ =	sdelay $0x4  }
0x290: {  	[tilespmem:s8+$0xE890] =	vst.add.f32.msk $0xffff, v0  }
0x291: {  	v0 =	vld [tilespmem:s7+$0xFFFFFFE0];
	_ =	sdelay $0x4  }
0x292: {  	[tilespmem:s8+$0xE8A0] =	vst.add.f32.msk $0xffff, v0  }
0x293: {  	v0 =	vld [tilespmem:s7+$0xFFFFFFF0];
	_ =	sdelay $0x4  }
0x294: {  	[tilespmem:s8+$0xE8B0] =	vst.add.f32.msk $0xffff, v0  }
0x295: {  	v0 =	vld [tilespmem:s7+$0x0];
	_ =	sdelay $0x4  }
0x296: {  	[tilespmem:s8+$0xE900] =	vst.add.f32.msk $0xffff, v0  }
0x297: {  	v0 =	vld [tilespmem:s7+$0x10];
	_ =	sdelay $0x4  }
0x298: {  	[tilespmem:s8+$0xE910] =	vst.add.f32.msk $0xffff, v0  }
0x299: {  	v0 =	vld [tilespmem:s7+$0x20];
	_ =	sdelay $0x4  }
0x29a: {  	[tilespmem:s8+$0xE920] =	vst.add.f32.msk $0xffff, v0  }
0x29b: {  	v0 =	vld [tilespmem:s7+$0x30];
	_ =	sdelay $0x4  }
0x29c: {  	[tilespmem:s8+$0xE930] =	vst.add.f32.msk $0xffff, v0  }
0x29d: {  	v0 =	vld [tilespmem:s7+$0x40];
	_ =	sdelay $0x4  }
0x29e: {  	[tilespmem:s8+$0xE980] =	vst.add.f32.msk $0xffff, v0  }
0x29f: {  	v0 =	vld [tilespmem:s7+$0x50];
	_ =	sdelay $0x4  }
0x2a0: {  	[tilespmem:s8+$0xE990] =	vst.add.f32.msk $0xffff, v0  }
0x2a1: {  	v0 =	vld [tilespmem:s7+$0x60];
	_ =	sdelay $0x4  }
0x2a2: {  	[tilespmem:s8+$0xE9A0] =	vst.add.f32.msk $0xffff, v0  }
0x2a3: {  	v0 =	vld [tilespmem:s7+$0x70]  }
0x2a4: {  	p0 =	sne.s32 s0, $0x40  }
.Ltmp10:
0x2a5: {  	_ = 	snop;
	(pc) =	sbr.rel @p0 .LBB2_2-.Ltmp10, $4  }
0x2a6: {  	s1 =	sadd.s32 s6, s1  }
0x2a7: {  	s1 =	sshll.u32 s1, $0xF  }
0x2a8: {  	s1 =	sadd.s32 s1, s9;
	s7 =	smov.u32 s0;
	[tilespmem:s8+$0xE9B0] =	vst.add.f32.msk $0xffff, v0  }
0x2a9: {  	[hbm4b:s1+s2] =	stream.linear.scatter [tilespmem:s22], [sflag:$0x8], $0x4000, $0x38;
	[tilespmem:$0x12800] =	vst v63  }
0x2aa: {  	_ =	swait.ge [sflag:s29], $0x4000  }
0x2ab: {  	[sflag:s29] =	ssyncset.done $0x0  }
0x2ac: {  	[sflag:s29] =	ssyncadd.s32 $0xFFFFC000  }
0x2ad: {  	_ =	swait.ge [sflag:s30], $0x4000  }
0x2ae: {  	s31 =	sadd.s32 $0x1, s31;
	s0 =	rddreg [dreg:$0x4]  }
0x2af: {  	p0 =	sne.s32 s31, s0  }
.Ltmp11:
0x2b0: {  	_ = 	snop;
	(pc) =	sbr.rel @p0 .LBB2_1-.Ltmp11, $3  }
0x2b1: {  	_ =	sdelay $0x1  }
0x2b2: {  	[sflag:s30] =	ssyncset.done $0x0  }
0x2b3: {  	[sflag:s30] =	ssyncadd.s32 $0xFFFFC000  }
0x2b4: {  	_ =	sfence.sel $0x180000  }
0x2b5: {  	[bflag:$0x0] =	sbarrier.arrive $0xFFFF  }
0x2b6: {  	_ =	strace $0x90000047  }
0x2b7: {  	s0 =	stileid.u32;
	[bflag:$0x2] =	sbarrier.arrive $0xFFFF  }
0x2b8: {  	p0 =	sne.s32 s0, $0x0;
	s0 =	rddreg [dreg:$0x1]  }
0x2b9: {  	s0 =	sadd.s32 @!p0 $0x100000, s0  }
0x2ba: {  	[sflag:s0] =	ssyncadd.tile.s32 @!p0 $0x1;
	_ =	shalt  }
.Lfunc_end2:
_tile_overlayer_lowered:
.L_overlay_start_2:
0x2bb: {  	(tag) =	ssettag $0x2  }
0x2bc: {  	s0 =	rddreg [dreg:$0x0];
	s2 =	stileid.u32  }
0x2bd: {  	s1 =	rddreg [dreg:$0x1];
	p0 =	sne.s32 s2, $0x0  }
0x2be: {  	s3 =	rddreg [dreg:$0x2];
	[bflag:$0x3] =	sbarrier.arrive $0xFFFF;
	s2 =	simm.s32 @!p0 $0x1C0A  }
0x2bf: {  	[timem:s3], [sflag:s2] =	dma.local @!p0 [hbm:s0], s1  }
0x2c0: {  	s0 =	simm.s32 @!p0 $0xA  }
0x2c1: {  	_ =	swait.ge @!p0 [sflag:s0], s1  }
0x2c2: {  	s1 =	ssub.s32 @!p0 $0x0, s1;
	[sflag:s0] =	ssyncset.done @!p0 $0x0  }
0x2c3: {  	[sflag:s0] =	ssyncadd.s32 @!p0 s1  }
0x2c4: {  	[bflag:$0x3] =	sbarrier.arrive $0xFFFF  }
0x2c5: {  	_ =	shalt  }

// kernel: sparse-core-data-format-call.cloned.1.call-start
scs
called_computation_lowered:
.L_overlay_start_0:
0x0: {  	s2 =	sld [smem:$0x3FD9]  }
0x1: {  	s3 =	sld [smem:$0x3FFE];
	_ =	sdelay $0x1  }
0x2: {  	s1 =	srdreg.scid  }
0x3: {  	s0 =	sand.u32 $0x1, s1  }
0x4: {  	s18 =	sshll.u32 s0, $0xA;
	s2 =	sadd.s32 s3, s2  }
0x5: {  	s2 =	sadd.s32 s2, s18  }
0x6: {  	[smem:$0x3FC5] =	sst s2  }
0x7: {  	_ = 	snop  }
0x8: {  	s2 =	sld [smem:$0x3FD0];
	(tm) =	ssettm $0x1  }
0x9: {  	s19 =	sld [smem:$0x3FFB];
	_ =	sdelay $0x3  }
0xa: {  	_ =	strace s19  }
0xb: {  	s3 =	sld [smem:$0x3FFC];
	_ =	sdelay $0x3  }
0xc: {  	_ =	strace s3  }
0xd: {  	s3 =	sld [smem:$0x3FFD];
	_ =	sdelay $0x3  }
0xe: {  	_ =	strace s3  }
0xf: {  	_ =	strace $0x8FFFFFFF  }
0x10: {  	s20 =	sld [smem:$0x3FDB];
	_ =	sdelay $0x1  }
0x11: {  	s4 =	simm.s32 $_scs_section_size  }
0x12: {  	s5 =	simm.s32 $_size__tile_overlayer_lowered;
	s6 =	simm.s32 $_tile_overlayer_lowered  }
0x13: {  	s23 =	simm.s32 $0x1BFF;
	s22 =	sshll.u32 s6, $0x1;
	s3 =	sadd.s32 s4, s20  }
0x14: {  	s7 =	simm.s32 $0x0;
	s21 =	sshll.u32 s5, $0x1;
	s5 =	sadd.s32 s22, s3  }
0x15: {  	[timem:s7], [sflag:s23] =	dma.local [hbm:s5], s21  }
0x16: {  	_ =	swait.ge [sflag:s23], s21  }
0x17: {  	s4 =	ssub.s32 $0x0, s21;
	[sflag:s23] =	ssyncset.done $0x0  }
0x18: {  	[sflag:s23] =	ssyncadd.s32 s4;
	_ =	sdelay $0x1  }
0x19: {  	s24 =	simm.s32 $0x1B8B  }
0x1a: {  	_ =	swait.ge [sflag:s24], $0x1  }
0x1b: {  	[sflag:s24] =	ssyncset.done $0x0  }
0x1c: {  	s26 =	simm.s32 $0x1B8E;
	s25 =	sld [smem:$0x3FFE];
	[sflag:s24] =	ssyncadd.s32 $0xFFFFFFFF  }
0x1d: {  	s27 =	simm.s32 $execute0_lowered;
	[smem:$0x3FD2] =	sst s26  }
0x1e: {  	s5 =	sshll.u32 s27, $0x1;
	_ =	strace $0x80000049;
	[dreg:$0x1] =	wrdreg $0xFFFFFFFF  }
0x1f: {  	s28 =	simm.s32 $_size_execute0_lowered;
	s3 =	sadd.s32 s3, s5;
	[dreg:$0x0] =	wrdreg $0x0  }
0x20: {  	s5 =	sshll.u32 s28, $0x1;
	[dreg:$0x2] =	wrdreg s3  }
0x21: {  	[dreg:$0x3] =	wrdreg s5  }
0x22: {  	[dreg:$0x4] =	wrdreg $0xC0  }
0x23: {  	_ =	task [dreg:s7], $0x5FFFF  }
0x24: {  	[dreg:$0x1] =	wrdreg $0xFFFFFFFF  }
0x25: {  	[dreg:$0x0] =	wrdreg $0x60  }
0x26: {  	[dreg:$0x2] =	wrdreg s25  }
0x27: {  	[dreg:$0x3] =	wrdreg s2  }
0x28: {  	[dreg:$0x4] =	wrdreg $0x9  }
0x29: {  	_ =	task.clear_ibuf [dreg:s7], $0x5FFFF;
	_ =	strace $0x90000049  }
0x2a: {  	s29 =	simm.s32 $0x9;
	_ =	strace $0x8000004B  }
0x2b: {  	_ =	swait.ge [sflag:s29], $0x1  }
0x2c: {  	[sflag:s29] =	ssyncadd.s32 $0xFFFFFFFF  }
0x2d: {  	_ =	strace $0x9000004B  }
0x2e: {  	_ =	sfence  }
0x2f: {  	s30 =	sld [smem:$0x0];
	_ =	sdelay $0x2  }
0x30: {  	s31 =	sshll.u32 s1, $0xD;
	s1 =	sshrl.u32 s1, $0x2  }
0x31: {  	s3 =	sand.u32 $0x4000, s31;
	s1 =	sadd.s32 s1, s30  }
0x32: {  	s0 =	sor.u32 s3, s0;
	s1 =	sshll.u32 s1, $0x11  }
0x33: {  	s0 =	sor.u32 s1, s0  }
0x34: {  	s0 =	sadd.s32 $0x8F2B, s0  }
0x35: {  	[sflag:s0] =	ssyncadd.remote.s32 $0x1  }
0x36: {  	_ =	sfence.sel $0xFFFF  }
0x37: {  	[dreg:$0x0] =	wrdreg $0xFFFFFFFF;
	(pc) =	sbr.abs _section_cstart, $3  }
0x38: {  	[dreg:$0x1] =	wrdreg $0xFFFFFFFF  }
0x39: {  	_ =	task.clear_ibuf [dreg:s7], $0x2FFFF;
	_ =	strace $0x9FFFFFFF  }
0x3a: {  	(tm) =	ssettm $0x7FFFFFFF  }
0x3b: {  	_ =	shalt  }
tec
execute0_lowered:
.L_overlay_start_1:
0x0: {  	(tag) =	ssettag $0x1  }
0x1: {  	s0 =	srdreg.scid  }
0x2: {  	s7 =	rddreg [dreg:$0x0];
	s1 =	sshll.u32 s0, $0x4  }
0x3: {  	s3 =	rddreg [dreg:$0x1];
	s0 =	stileid.u32;
	s1 =	sand.u32 $0x10, s1  }
0x4: {  	s6 =	simm.s32 $0x1;
	s31 =	simm.s32 $0x2;
	s1 =	sor.u32 s0, s1  }
0x5: {  	s13 =	simm.s32 $0x0;
	s9 =	simm.s32 $0x4000;
	s2 =	sshll.u32 s1, $0x1  }
0x6: {  	s14 =	simm.s32 $0x0;
	s10 =	simm.s32 $0x0;
	s4 =	ssub.s32 $0x400, s2  }
0x7: {  	s12 =	simm.s32 $0x0;
	s1 =	rddreg [dreg:$0x2];
	s5 =	sand.u32 $0x3E, s4  }
.Ltmp0:
0x8: {  	_ =	strace $0x8000004A;
	p0 =	sne.s32 s5, $0x0;
	(pc) =	sbr.rel .LBB1_1-.Ltmp0, $4  }
0x9: {  	s11 =	smov.u32 s2;
	s8 =	sshrl.u32 s4, $0x6;
	s6 =	simm.s32 @!p0 $0x0  }
0xa: {  	s4 =	sadd.s32 $0xF8AE00, s7;
	s5 =	simm.s32 $0x1;
	s6 =	sadd.s32 s6, s8  }
0xb: {  	s7 =	sadd.s32 $0xF92E00, s7;
	[sflag:s5] =	ssyncpa.u1 $0x0;
	s6 =	sshll.u32 s6, $0x4  }
0xc: {  	p0 =	por $0x0, $0x0;
	[sflag:s31] =	ssyncpa.u1 $0x0;
	s8 =	sor.u32 $0x1, s6  }
.LBB1_7:
0xd: {  	s15 =	sadd.s32 $0x80, s10  }
0xe: {  	s13 =	sadd.s32 $0x40, s11;
	s17 =	smov.u32 s11;
	p2 =	sgt.s32 s15, $0x7FF  }
0xf: {  	s17 =	smov.u32 @p2 s13  }
0x10: {  	s15 =	simm.s32 @p2 $0x0;
	p2 =	sgt.s32 s17, $0x3FF  }
0x11: {  	s17 =	smov.u32 @p2 s2;
	p2 =	sne.s32 s12, s8  }
.Ltmp1:
0x12: {  	p1 =	slt.u32 s12, $0x2;
	(pc) =	sbr.rel @!p2 .LBB1_8-.Ltmp1, $4  }
0x13: {  	s16 =	simm.s32 @!p1 $0x2  }
0x14: {  	s14 =	smov.u32 s11;
	p0 =	por !p0, !p0;
	_ =	swait.ge @!p1 [sflag:s16], $0x4000  }
0x15: {  	s13 =	smov.u32 s10;
	[sflag:s16] =	ssyncset.done @!p1 $0x0;
	s10 =	smov.u32 s15  }
0x16: {  	s12 =	sadd.s32 $0x1, s12;
	[sflag:s16] =	ssyncadd.s32 @!p1 $0xFFFFC000;
	s11 =	smov.u32 s17  }
.LBB1_1:
0x17: {  	p1 =	sge.u32 s12, s6  }
0x18: {  	s15 =	sxor.u32 @!p1 $0xFFFFFFFF, s12;
	s16 =	sshll.u32 @!p1 s11, $0xF  }
0x19: {  	s17 =	sshll.u32 @!p1 s10, $0x4;
	s19 =	simm.s32 @!p1 $0x40;
	s20 =	simm.s32 @!p1 $0x80  }
0x1a: {  	s15 =	sshll.u32 @!p1 s15, $0xE;
	s17 =	sand.u32 @!p1 $0x7FF0, s17;
	s18 =	sadd.s32 @!p1 s4, s16  }
0x1b: {  	s16 =	sadd.s32 @!p1 s16, s7;
	s15 =	sand.u32 @!p1 $0x4000, s15;
	s18 =	sadd.s32 @!p1 s17, s18  }
0x1c: {  	[tilespmem:s15], [sflag:$0x1] =	stream.strided.gather @!p1 [hbm4b:s18+s19], $0x2000, s20, s19, $0x38;
	[tilespmem:$0x10100] =	vst v63  }
0x1d: {  	s31 =	sadd.s32 $0xFFFFFFFF, s12;
	s16 =	sadd.s32 @!p1 s17, s16;
	s15 =	sor.u32 @!p1 $0x2000, s15  }
0x1e: {  	[tilespmem:s15], [sflag:$0x1] =	stream.strided.gather @!p1 [hbm4b:s16+s19], $0x2000, s20, s19, $0x38;
	[tilespmem:$0x10100] =	vst v63  }
0x1f: {  	p1 =	sge.u32 s31, s6  }
.Ltmp2:
0x20: {  	_ = 	snop;
	(pc) =	sbr.rel @p1 .LBB1_7-.Ltmp2, $1  }
0x21: {  	_ =	sdelay $0x3  }
0x22: {  	s15 =	simm.s32 $0x1;
	s17 =	sand.u32 $0x1, s12  }
0x23: {  	_ =	swait.ge [sflag:s5], $0x4000;
	s15 =	simm.s32 @!p0 $0x0;
	s17 =	smul.u32 $0x10200, s17  }
0x24: {  	p2 =	por $0x1, $0x1;
	[sflag:s5] =	ssyncset.done $0x0;
	s16 =	smul.u32 $0x10200, s15  }
0x25: {  	s18 =	sshll.u32 s15, $0x10;
	[sflag:s5] =	ssyncadd.s32 $0xFFFFC000;
	s30 =	sshrl.u32 s17, $0x2  }
0x26: {  	s31 =	sshrl.u32 s18, $0x2;
	s18 =	simm.s32 $0x0;
	s16 =	sshrl.u32 s16, $0x2  }
0x27: {  	s15 =	sor.u32 $0x8000, s30;
	s17 =	sadd.s32 $0x20, s31;
	s16 =	sor.u32 $0x8000, s16  }
.LBB1_3:
0x28: {  	s19 =	sshll.u32 s18, $0xD  }
0x29: {  	s19 =	sand.u32 $0x3FFFE000, s19  }
0x2a: {  	s21 =	sadd.s32 s19, s17  }
0x2b: {  	s31 =	smul.u32 $0x8100, s18;
	v3 =	vld [tilespmem:s21+$0x10]  }
0x2c: {  	v1 =	vld [tilespmem:s21+$0xFFFFFFF0]  }
0x2d: {  	s18 =	sshra.s32 s31, $0x2;
	v0 =	vld [tilespmem:s21+$0x0]  }
0x2e: {  	s18 =	sadd.s32 s18, s16;
	v2 =	vld [tilespmem:s21+$0xFFFFFFE0]  }
0x2f: {  	s19 =	sadd.s32 $0x0, s18  }
0x30: {  	p1 =	por p2, p2;
	s20 =	simm.s32 $0x4;
	s21 =	sadd.s32 $0x40, s21;
	[tilespmem:s19+$0x1830 ss:$0x81] =	vst.msk $0xffff, v3  }
.LBB1_4:
0x31: {  	v3 =	vld [tilespmem:s21+$0x10];
	p2 =	sne.s32 s20, $0x1FC;
	[tilespmem:s19+$0x810 ss:$0x81] =	vst.msk $0xffff, v1;
	s22 =	smov.u32 s20;
	s20 =	sadd.s32 $0x4, s20  }
.Ltmp3:
0x32: {  	v1 =	vld [tilespmem:s21+$0xFFFFFFF0];
	[tilespmem:s19+$0x1020 ss:$0x81] =	vst.msk $0xffff, v0;
	(pc) =	sbr.rel @p2 .LBB1_4-.Ltmp3, $4  }
0x33: {  	v0 =	vld [tilespmem:s21+$0x0];
	[tilespmem:s19+$0x0 ss:$0x81] =	vst.msk $0xffff, v2  }
0x34: {  	s19 =	sshra.s32 s22, $0x2;
	v2 =	vld [tilespmem:s21+$0xFFFFFFE0]  }
0x35: {  	s19 =	sadd.s32 s19, s18  }
0x36: {  	s21 =	sadd.s32 $0x40, s21;
	[tilespmem:s19+$0x1830 ss:$0x81] =	vst.msk $0xffff, v3  }
.Ltmp4:
0x37: {  	(pc) =	sbr.rel @p1 .LBB1_3-.Ltmp4, $4  }
0x38: {  	_ = 	snop  }
0x39: {  	[tilespmem:s19+$0x810 ss:$0x81] =	vst.msk $0xffff, v1  }
0x3a: {  	[tilespmem:s19+$0x1020 ss:$0x81] =	vst.msk $0xffff, v0  }
0x3b: {  	s18 =	simm.s32 $0x1;
	p2 =	por $0x0, $0x0;
	[tilespmem:s19+$0x0 ss:$0x81] =	vst.msk $0xffff, v2  }
0x3c: {  	s16 =	sshll.u32 s13, $0x3;
	s17 =	sand.u32 $0x78, s13;
	s14 =	sshll.u32 s14, $0xE  }
.Ltmp5:
0x3d: {  	s30 =	sand.u32 $0x3F00, s13;
	s16 =	sand.u32 $0x400, s16;
	(pc) =	sbr.rel .LBB1_7-.Ltmp5, $4  }
0x3e: {  	s31 =	sand.u32 $0x7, s13;
	s14 =	sadd.s32 s3, s14;
	s16 =	sor.u32 s17, s16  }
0x3f: {  	s13 =	sshll.u32 s31, $0x12;
	s14 =	sadd.s32 s30, s14;
	s16 =	sshrl.u32 s16, $0x3  }
0x40: {  	s13 =	sor.u32 $0x400, s13;
	s14 =	sadd.s32 s16, s14  }
0x41: {  	[hbm4b:s14+s13] =	stream.strided.scatter [tilespmem:s15], [sflag:$0x2], $0x4000, s9, s13, $0x20;
	[tilespmem:$0x10100] =	vst v63  }
.LBB1_8:
0x42: {  	_ =	sfence.sel $0x180000  }
0x43: {  	s2 =	simm.s32 $0x1;
	[bflag:$0x0] =	sbarrier.arrive $0xFFFF  }
0x44: {  	s31 =	simm.s32 $0x2;
	[sflag:s2] =	ssyncpa.u1 $0x1  }
0x45: {  	[sflag:s31] =	ssyncpa.u1 $0x1  }
0x46: {  	p0 =	sne.s32 s0, $0x0;
	_ =	strace $0x9000004A  }
0x47: {  	s0 =	sadd.s32 @!p0 $0x100000, s1;
	[bflag:$0x2] =	sbarrier.arrive $0xFFFF  }
0x48: {  	[sflag:s0] =	ssyncadd.tile.s32 @!p0 $0x1;
	_ =	shalt  }
.Lfunc_end1:
_tile_overlayer_lowered:
.L_overlay_start_2:
0x49: {  	(tag) =	ssettag $0x2  }
0x4a: {  	s0 =	rddreg [dreg:$0x0];
	s2 =	stileid.u32  }
0x4b: {  	s1 =	rddreg [dreg:$0x1];
	p0 =	sne.s32 s2, $0x0  }
0x4c: {  	s3 =	rddreg [dreg:$0x2];
	[bflag:$0x3] =	sbarrier.arrive $0xFFFF;
	s2 =	simm.s32 @!p0 $0x1C01  }
0x4d: {  	[timem:s3], [sflag:s2] =	dma.local @!p0 [hbm:s0], s1  }
0x4e: {  	s0 =	simm.s32 @!p0 $0x1  }
0x4f: {  	_ =	swait.ge @!p0 [sflag:s0], s1  }
0x50: {  	s1 =	ssub.s32 @!p0 $0x0, s1;
	[sflag:s0] =	ssyncset.done @!p0 $0x0  }
0x51: {  	[sflag:s0] =	ssyncadd.s32 @!p0 s1  }
0x52: {  	[bflag:$0x3] =	sbarrier.arrive $0xFFFF  }
0x53: {  	_ =	shalt  }

</sc_bundles>
